<compile_context>
chip_gen: v7x
topology: tpu7x:2x2x1
jax: 0.10.2.dev20260603
libtpu: 0.0.44.dev20260713+nightly
codegen_flags: <defaults>
</compile_context>

<pallas_src>
import numpy as np
import jax
import jax.numpy as jnp
from jax import lax
from jax.experimental import pallas as pl
from jax.experimental.pallas import tpu as pltpu
from jax.experimental.pallas import tpu_sc as plsc

LANES = 16
ROWS_PER_UNIT = 192
COLS = 384
PIXELS = 147456.0
VECS_PER_ROW = COLS // LANES
NW = 32

_step = (1.0 - 0.0) / 25
_NODES = np.array([0.0 + _step * n for n in range(25)] + [2.0] * 7,
                  dtype=np.float32)


def _sc_hist_kernel(inp_ref, tgt_ref, nodes_ref, out_ref, buf, nodes_v, hist):
    c = lax.axis_index("c")
    s = lax.axis_index("s")
    wid = s * 2 + c
    tensor = wid // 16
    rem = wid - tensor * 16
    half = rem // 8
    batch = rem - half * 8
    row0 = batch * 384 + half * ROWS_PER_UNIT

    pltpu.sync_copy(nodes_ref, nodes_v)

    @pl.when(tensor == 0)
    def _():
        pltpu.sync_copy(
            inp_ref.at[pl.ds(row0 * COLS, ROWS_PER_UNIT * COLS)], buf)

    @pl.when(tensor == 1)
    def _():
        pltpu.sync_copy(
            tgt_ref.at[pl.ds(row0 * COLS, ROWS_PER_UNIT * COLS)], buf)

    zeros_i = jnp.zeros((LANES,), jnp.int32)
    ones_i = jnp.ones((LANES,), jnp.int32)
    neg_ones = jnp.full((LANES,), -1, jnp.int32)
    v25f = jnp.full((LANES,), 25.0, jnp.float32)
    eps = jnp.full((LANES,), 1e-5, jnp.float32)
    lane = lax.iota(jnp.int32, LANES)

    for k in range(32):
        hist[k, :] = zeros_i

    @plsc.parallel_loop(0, ROWS_PER_UNIT)
    def _loop(r):
        base = r * COLS
        for cvec in range(VECS_PER_ROW):
            x = buf[pl.ds(base + cvec * LANES, LANES)]
            j1 = (x * v25f + eps).astype(jnp.int32)
            lo = plsc.load_gather(nodes_v, [j1])
            j = j1 + jnp.where(x < lo, neg_ones, zeros_i)
            plsc.addupdate_scatter(hist, [j, lane], ones_i)

    pltpu.sync_copy(hist, out_ref.at[wid])


def _tc_loss_kernel(h_ref, o_ref):
    h = h_ref[...].astype(jnp.float32)
    h2 = jnp.sum(h, axis=2)
    cin = h2[0:8] + h2[8:16]
    ctg = h2[16:24] + h2[24:32]
    d = jnp.sum(jnp.abs(cin - ctg), axis=0, keepdims=True)
    a = jnp.sum(cin, axis=0, keepdims=True)
    c = jnp.sum(ctg, axis=0, keepdims=True)
    li = jnp.clip(d - 0.5 * jnp.minimum(a, c), 0.0, PIXELS) / PIXELS
    mask = lax.broadcasted_iota(jnp.int32, (1, 32), 1) < 24
    li = jnp.where(mask, li, 0.0)
    o_ref[...] = jnp.sum(li, axis=(0, 1), keepdims=True) / 24.0


def kernel(_input, _target):
    inp2 = jnp.reshape(_input, (-1,))
    tgt2 = jnp.reshape(_target, (-1,))
    nodes = jnp.asarray(_NODES)

    mesh = plsc.VectorSubcoreMesh(core_axis_name="c", subcore_axis_name="s")
    hist = pl.kernel(
        _sc_hist_kernel,
        out_type=jax.ShapeDtypeStruct((NW, 32, LANES), jnp.int32),
        mesh=mesh,
        scratch_types=[
            pltpu.VMEM((ROWS_PER_UNIT * COLS,), jnp.float32),
            pltpu.VMEM((32,), jnp.float32),
            pltpu.VMEM((32, LANES), jnp.int32),
        ],
        compiler_params=pltpu.CompilerParams(needs_layout_passes=False),
    )(inp2, tgt2, nodes)

    loss = pl.pallas_call(
        _tc_loss_kernel,
        out_shape=jax.ShapeDtypeStruct((1, 1), jnp.float32),
    )(hist)
    return jnp.reshape(loss, ())

# --- scband reference (transcript-rebuilt; emitter-appended) ---
"""Pipeline reference for scband-sample-loss-77300821393881 (READ-ONLY COPY).

The authoritative reference and input builder live on the scoring server;
editing this copy changes nothing except your own understanding.
"""

import jax, jax.numpy as jnp
import numpy as np

NUM_CLUSTERS = 25
MIN_PIXEL = 0.0
MAX_PIXEL = 1.0


def sort_tensor(t):
    # colored=False path: only channel 0 is sorted and kept
    if t.ndim == 4:
        b, c, h, w = t.shape
        t = t.reshape(b, c, h * w)
    c1 = t[:, 0, :]
    c1_sorted = jnp.sort(c1, axis=1)
    return c1_sorted[:, None, :]


def setup_inputs(seed: int = 0) -> dict:
    key = jax.random.key(seed)
    k1, k2 = jax.random.split(key)
    _input = jax.random.uniform(k1, (8, 1, 384, 384), dtype=jnp.float32)
    _target = jax.random.uniform(k2, (8, 1, 384, 384), dtype=jnp.float32)
    return {"_input": _input, "_target": _target}


def reference(_input, _target):
    assert _input.shape == _target.shape
    h = _input.shape[2]
    w = _input.shape[3]
    pixels = h * w
    _input = sort_tensor(_input)
    _target = sort_tensor(_target)
    pixel_area = MAX_PIXEL - MIN_PIXEL
    step = pixel_area / NUM_CLUSTERS
    nodes = [MIN_PIXEL + step * n for n in range(NUM_CLUSTERS)]
    loss_sum = 0.0
    zeros = jnp.zeros_like(_input)
    ones = jnp.ones_like(_input)
    for i in range(len(nodes) - 1):
        input_mask = sort_tensor(
            jnp.where(
                jnp.where(_input >= nodes[i], ones, zeros)
                + jnp.where(_input < nodes[i + 1], ones, zeros)
                > 1.001,
                ones,
                zeros,
            )
        )
        target_mask = sort_tensor(
            jnp.where(
                jnp.where(_target >= nodes[i], ones, zeros)
                + jnp.where(_target < nodes[i + 1], ones, zeros)
                > 1.001,
                ones,
                zeros,
            )
        )
        diff1 = jnp.where(input_mask + target_mask >= 1.001, zeros, ones)
        diff2 = jnp.where(input_mask + target_mask <= 0.999, zeros, ones)
        diff = sort_tensor(jnp.where(diff1 + diff2 >= 1.001, ones, zeros))
        diff_num = jnp.sum(diff)
        input_num = jnp.sum(input_mask)
        target_sum = jnp.sum(target_mask)
        loss_ = jnp.clip(diff_num - 0.5 * jnp.minimum(input_num, target_sum), 0.0, float(pixels)) / pixels
        loss_sum = loss_sum + loss_
    loss = loss_sum / (len(nodes) - 1)
    return loss

if __name__ == "__main__":
    import jax
    _d = setup_inputs()
    print(jax.jit(kernel)(*tuple(_d.values())))

</pallas_src>

<mosaic_0001>
#map = affine_map<(d0, d1) -> (0)>
#map1 = affine_map<(d0, d1) -> (0, 0, 0)>
module attributes {stable_mosaic.version = 14 : i64} {
  func.func @_sc_hist_kernel(%arg0: i32, %arg1: i32, %arg2: memref<1179648xf32, #tpu.memory_space<hbm>>, %arg3: memref<1179648xf32, #tpu.memory_space<hbm>>, %arg4: memref<32xf32, #tpu.memory_space<hbm>>, %arg5: memref<32x32x16xi32, #tpu.memory_space<hbm>>, %arg6: memref<73728xf32, #tpu.memory_space<vmem>>, %arg7: memref<32xf32, #tpu.memory_space<vmem>>, %arg8: memref<32x16xi32, #tpu.memory_space<vmem>>) attributes {dimension_semantics = [#tpu.dimension_semantics<core_parallel>, #tpu.dimension_semantics<subcore_parallel>], iteration_bounds = array<i64: 2, 16>, scalar_prefetch = 0 : i64, scratch_operands = 3 : i64, tpu.core_type = #tpu.core_type<sc_vector_subcore>, window_params = [{transform_indices = #map}, {transform_indices = #map}, {transform_indices = #map}, {transform_indices = #map1}]} {
    %mul3A = arith.constant 2 : i32
    %mul3A_0 = arith.muli %arg1, %mul3A : i32
    %add3A = arith.addi %mul3A_0, %arg0 : i32
    %jit3A = arith.constant 16 : i32
    %div3A = arith.divsi %add3A, %jit3A : i32
    %sign3A = arith.constant 0 : i32
    %sign3A_1 = arith.cmpi sgt, %add3A, %sign3A : i32
    %sign3A_2 = arith.extui %sign3A_1 : i1 to i32
    %sign3A_3 = arith.constant 0 : i32
    %sign3A_4 = arith.cmpi slt, %add3A, %sign3A_3 : i32
    %sign3A_5 = arith.extui %sign3A_4 : i1 to i32
    %sign3A_6 = arith.subi %sign3A_2, %sign3A_5 : i32
    %sign3A_7 = arith.constant 0 : i32
    %sign3A_8 = arith.cmpi sgt, %jit3A, %sign3A_7 : i32
    %sign3A_9 = arith.extui %sign3A_8 : i1 to i32
    %sign3A_10 = arith.constant 0 : i32
    %sign3A_11 = arith.cmpi slt, %jit3A, %sign3A_10 : i32
    %sign3A_12 = arith.extui %sign3A_11 : i1 to i32
    %sign3A_13 = arith.subi %sign3A_9, %sign3A_12 : i32
    %ne3A = arith.cmpi ne, %sign3A_6, %sign3A_13 : i32
    %rem3A = arith.remsi %add3A, %jit3A : i32
    %ne3A_14 = arith.constant 0 : i32
    %ne3A_15 = arith.cmpi ne, %rem3A, %ne3A_14 : i32
    %and3A = arith.andi %ne3A, %ne3A_15 : i1
    %sub3A = arith.constant 1 : i32
    %sub3A_16 = arith.subi %div3A, %sub3A : i32
    %select_n3A = arith.select %and3A, %sub3A_16, %div3A : i32
    %mul3A_17 = arith.constant 16 : i32
    %mul3A_18 = arith.muli %select_n3A, %mul3A_17 : i32
    %sub3A_19 = arith.subi %add3A, %mul3A_18 : i32
    %jit3A_20 = arith.constant 8 : i32
    %div3A_21 = arith.divsi %sub3A_19, %jit3A_20 : i32
    %sign3A_22 = arith.constant 0 : i32
    %sign3A_23 = arith.cmpi sgt, %sub3A_19, %sign3A_22 : i32
    %sign3A_24 = arith.extui %sign3A_23 : i1 to i32
    %sign3A_25 = arith.constant 0 : i32
    %sign3A_26 = arith.cmpi slt, %sub3A_19, %sign3A_25 : i32
    %sign3A_27 = arith.extui %sign3A_26 : i1 to i32
    %sign3A_28 = arith.subi %sign3A_24, %sign3A_27 : i32
    %sign3A_29 = arith.constant 0 : i32
    %sign3A_30 = arith.cmpi sgt, %jit3A_20, %sign3A_29 : i32
    %sign3A_31 = arith.extui %sign3A_30 : i1 to i32
    %sign3A_32 = arith.constant 0 : i32
    %sign3A_33 = arith.cmpi slt, %jit3A_20, %sign3A_32 : i32
    %sign3A_34 = arith.extui %sign3A_33 : i1 to i32
    %sign3A_35 = arith.subi %sign3A_31, %sign3A_34 : i32
    %ne3A_36 = arith.cmpi ne, %sign3A_28, %sign3A_35 : i32
    %rem3A_37 = arith.remsi %sub3A_19, %jit3A_20 : i32
    %ne3A_38 = arith.constant 0 : i32
    %ne3A_39 = arith.cmpi ne, %rem3A_37, %ne3A_38 : i32
    %and3A_40 = arith.andi %ne3A_36, %ne3A_39 : i1
    %sub3A_41 = arith.constant 1 : i32
    %sub3A_42 = arith.subi %div3A_21, %sub3A_41 : i32
    %select_n3A_43 = arith.select %and3A_40, %sub3A_42, %div3A_21 : i32
    %mul3A_44 = arith.constant 8 : i32
    %mul3A_45 = arith.muli %select_n3A_43, %mul3A_44 : i32
    %sub3A_46 = arith.subi %sub3A_19, %mul3A_45 : i32
    %mul3A_47 = arith.constant 384 : i32
    %mul3A_48 = arith.muli %sub3A_46, %mul3A_47 : i32
    %mul3A_49 = arith.constant 192 : i32
    %mul3A_50 = arith.muli %select_n3A_43, %mul3A_49 : i32
    %add3A_51 = arith.addi %mul3A_48, %mul3A_50 : i32
    "tpu.region"() ({
      %run_scoped3A = tpu.sem_alloc : memref<!tpu.dma_semaphore, #tpu.memory_space<semaphore_mem>>
      tpu.enqueue_dma source(%arg4 : memref<32xf32, #tpu.memory_space<hbm>>) target(%arg7 : memref<32xf32, #tpu.memory_space<vmem>>) target_semaphore(%run_scoped3A : memref<!tpu.dma_semaphore, #tpu.memory_space<semaphore_mem>>)
      tpu.wait_dma2 semaphore(%run_scoped3A : memref<!tpu.dma_semaphore, #tpu.memory_space<semaphore_mem>>) src(%arg4 : memref<32xf32, #tpu.memory_space<hbm>>) dst(%arg7 : memref<32xf32, #tpu.memory_space<vmem>>)
      tpu.yield
    }) : () -> ()
    %eq3A = arith.constant 0 : i32
    %eq3A_52 = arith.cmpi eq, %select_n3A, %eq3A : i32
    %convert_element_type3A = arith.extui %eq3A_52 : i1 to i32
    %cond3A = arith.constant 0 : i32
    %cond3A_53 = arith.cmpi ne, %convert_element_type3A, %cond3A : i32
    scf.if %cond3A_53 {
      %mul3A_197 = arith.constant 384 : i32
      %mul3A_198 = arith.muli %add3A_51, %mul3A_197 : i32
      "tpu.region"() ({
        %run_scoped3A = tpu.sem_alloc : memref<!tpu.dma_semaphore, #tpu.memory_space<semaphore_mem>>
        %dma_start3A = tpu.memref_slice %arg2[%mul3A_198] : memref<1179648xf32, #tpu.memory_space<hbm>> -> memref<73728xf32, #tpu.memory_space<hbm>>
        %dma_start3A_199 = tpu.memref_slice %arg2[%mul3A_198] : memref<1179648xf32, #tpu.memory_space<hbm>> -> memref<73728xf32, #tpu.memory_space<hbm>>
        tpu.enqueue_dma source(%dma_start3A_199 : memref<73728xf32, #tpu.memory_space<hbm>>) target(%arg6 : memref<73728xf32, #tpu.memory_space<vmem>>) target_semaphore(%run_scoped3A : memref<!tpu.dma_semaphore, #tpu.memory_space<semaphore_mem>>)
        %dma_wait3A = tpu.memref_slice %arg2[%mul3A_198] : memref<1179648xf32, #tpu.memory_space<hbm>> -> memref<73728xf32, #tpu.memory_space<hbm>>
        %dma_wait3A_200 = tpu.memref_slice %arg2[%mul3A_198] : memref<1179648xf32, #tpu.memory_space<hbm>> -> memref<73728xf32, #tpu.memory_space<hbm>>
        tpu.wait_dma2 semaphore(%run_scoped3A : memref<!tpu.dma_semaphore, #tpu.memory_space<semaphore_mem>>) src(%dma_wait3A_200 : memref<73728xf32, #tpu.memory_space<hbm>>) dst(%arg6 : memref<73728xf32, #tpu.memory_space<vmem>>)
        tpu.yield
      }) : () -> ()
    } else {
    }
    %eq3A_54 = arith.constant 1 : i32
    %eq3A_55 = arith.cmpi eq, %select_n3A, %eq3A_54 : i32
    %convert_element_type3A_56 = arith.extui %eq3A_55 : i1 to i32
    %cond3A_57 = arith.constant 0 : i32
    %cond3A_58 = arith.cmpi ne, %convert_element_type3A_56, %cond3A_57 : i32
    scf.if %cond3A_58 {
      %mul3A_197 = arith.constant 384 : i32
      %mul3A_198 = arith.muli %add3A_51, %mul3A_197 : i32
      "tpu.region"() ({
        %run_scoped3A = tpu.sem_alloc : memref<!tpu.dma_semaphore, #tpu.memory_space<semaphore_mem>>
        %dma_start3A = tpu.memref_slice %arg3[%mul3A_198] : memref<1179648xf32, #tpu.memory_space<hbm>> -> memref<73728xf32, #tpu.memory_space<hbm>>
        %dma_start3A_199 = tpu.memref_slice %arg3[%mul3A_198] : memref<1179648xf32, #tpu.memory_space<hbm>> -> memref<73728xf32, #tpu.memory_space<hbm>>
        tpu.enqueue_dma source(%dma_start3A_199 : memref<73728xf32, #tpu.memory_space<hbm>>) target(%arg6 : memref<73728xf32, #tpu.memory_space<vmem>>) target_semaphore(%run_scoped3A : memref<!tpu.dma_semaphore, #tpu.memory_space<semaphore_mem>>)
        %dma_wait3A = tpu.memref_slice %arg3[%mul3A_198] : memref<1179648xf32, #tpu.memory_space<hbm>> -> memref<73728xf32, #tpu.memory_space<hbm>>
        %dma_wait3A_200 = tpu.memref_slice %arg3[%mul3A_198] : memref<1179648xf32, #tpu.memory_space<hbm>> -> memref<73728xf32, #tpu.memory_space<hbm>>
        tpu.wait_dma2 semaphore(%run_scoped3A : memref<!tpu.dma_semaphore, #tpu.memory_space<semaphore_mem>>) src(%dma_wait3A_200 : memref<73728xf32, #tpu.memory_space<hbm>>) dst(%arg6 : memref<73728xf32, #tpu.memory_space<vmem>>)
        tpu.yield
      }) : () -> ()
    } else {
    }
    %broadcast_in_dim3A = arith.constant 0 : i32
    %broadcast_in_dim3A_59 = vector.broadcast %broadcast_in_dim3A : i32 to vector<16xi32>
    %broadcast_in_dim3A_60 = arith.constant 1 : i32
    %broadcast_in_dim3A_61 = vector.broadcast %broadcast_in_dim3A_60 : i32 to vector<16xi32>
    %broadcast_in_dim3A_62 = arith.constant -1 : i32
    %broadcast_in_dim3A_63 = vector.broadcast %broadcast_in_dim3A_62 : i32 to vector<16xi32>
    %broadcast_in_dim3A_64 = arith.constant 2.500000e+01 : f32
    %broadcast_in_dim3A_65 = vector.broadcast %broadcast_in_dim3A_64 : f32 to vector<16xf32>
    %broadcast_in_dim3A_66 = arith.constant 9.99999974E-6 : f32
    %broadcast_in_dim3A_67 = vector.broadcast %broadcast_in_dim3A_66 : f32 to vector<16xf32>
    %iota3A = tpu.iota {dimensions = array<i32: 0>} : vector<16xi32>
    %swap3A = arith.constant 0 : i32
    %swap3A_68 = arith.index_cast %swap3A : i32 to index
    %swap3A_69 = arith.constant 0 : index
    %swap3A_70 = tpu.vector_load %arg8[%swap3A_68, %swap3A_69] {strides = array<i32>} : memref<32x16xi32, #tpu.memory_space<vmem>>, vector<16xi32>,
    tpu.vector_store %arg8[%swap3A_68, %swap3A_69], %broadcast_in_dim3A_59 {strides = array<i32>} : memref<32x16xi32, #tpu.memory_space<vmem>>, vector<16xi32>,
    %swap3A_71 = arith.constant 1 : i32
    %swap3A_72 = arith.index_cast %swap3A_71 : i32 to index
    %swap3A_73 = arith.constant 0 : index
    %swap3A_74 = tpu.vector_load %arg8[%swap3A_72, %swap3A_73] {strides = array<i32>} : memref<32x16xi32, #tpu.memory_space<vmem>>, vector<16xi32>,
    tpu.vector_store %arg8[%swap3A_72, %swap3A_73], %broadcast_in_dim3A_59 {strides = array<i32>} : memref<32x16xi32, #tpu.memory_space<vmem>>, vector<16xi32>,
    %swap3A_75 = arith.constant 2 : i32
    %swap3A_76 = arith.index_cast %swap3A_75 : i32 to index
    %swap3A_77 = arith.constant 0 : index
    %swap3A_78 = tpu.vector_load %arg8[%swap3A_76, %swap3A_77] {strides = array<i32>} : memref<32x16xi32, #tpu.memory_space<vmem>>, vector<16xi32>,
    tpu.vector_store %arg8[%swap3A_76, %swap3A_77], %broadcast_in_dim3A_59 {strides = array<i32>} : memref<32x16xi32, #tpu.memory_space<vmem>>, vector<16xi32>,
    %swap3A_79 = arith.constant 3 : i32
    %swap3A_80 = arith.index_cast %swap3A_79 : i32 to index
    %swap3A_81 = arith.constant 0 : index
    %swap3A_82 = tpu.vector_load %arg8[%swap3A_80, %swap3A_81] {strides = array<i32>} : memref<32x16xi32, #tpu.memory_space<vmem>>, vector<16xi32>,
    tpu.vector_store %arg8[%swap3A_80, %swap3A_81], %broadcast_in_dim3A_59 {strides = array<i32>} : memref<32x16xi32, #tpu.memory_space<vmem>>, vector<16xi32>,
    %swap3A_83 = arith.constant 4 : i32
    %swap3A_84 = arith.index_cast %swap3A_83 : i32 to index
    %swap3A_85 = arith.constant 0 : index
    %swap3A_86 = tpu.vector_load %arg8[%swap3A_84, %swap3A_85] {strides = array<i32>} : memref<32x16xi32, #tpu.memory_space<vmem>>, vector<16xi32>,
    tpu.vector_store %arg8[%swap3A_84, %swap3A_85], %broadcast_in_dim3A_59 {strides = array<i32>} : memref<32x16xi32, #tpu.memory_space<vmem>>, vector<16xi32>,
    %swap3A_87 = arith.constant 5 : i32
    %swap3A_88 = arith.index_cast %swap3A_87 : i32 to index
    %swap3A_89 = arith.constant 0 : index
    %swap3A_90 = tpu.vector_load %arg8[%swap3A_88, %swap3A_89] {strides = array<i32>} : memref<32x16xi32, #tpu.memory_space<vmem>>, vector<16xi32>,
    tpu.vector_store %arg8[%swap3A_88, %swap3A_89], %broadcast_in_dim3A_59 {strides = array<i32>} : memref<32x16xi32, #tpu.memory_space<vmem>>, vector<16xi32>,
    %swap3A_91 = arith.constant 6 : i32
    %swap3A_92 = arith.index_cast %swap3A_91 : i32 to index
    %swap3A_93 = arith.constant 0 : index
    %swap3A_94 = tpu.vector_load %arg8[%swap3A_92, %swap3A_93] {strides = array<i32>} : memref<32x16xi32, #tpu.memory_space<vmem>>, vector<16xi32>,
    tpu.vector_store %arg8[%swap3A_92, %swap3A_93], %broadcast_in_dim3A_59 {strides = array<i32>} : memref<32x16xi32, #tpu.memory_space<vmem>>, vector<16xi32>,
    %swap3A_95 = arith.constant 7 : i32
    %swap3A_96 = arith.index_cast %swap3A_95 : i32 to index
    %swap3A_97 = arith.constant 0 : index
    %swap3A_98 = tpu.vector_load %arg8[%swap3A_96, %swap3A_97] {strides = array<i32>} : memref<32x16xi32, #tpu.memory_space<vmem>>, vector<16xi32>,
    tpu.vector_store %arg8[%swap3A_96, %swap3A_97], %broadcast_in_dim3A_59 {strides = array<i32>} : memref<32x16xi32, #tpu.memory_space<vmem>>, vector<16xi32>,
    %swap3A_99 = arith.constant 8 : i32
    %swap3A_100 = arith.index_cast %swap3A_99 : i32 to index
    %swap3A_101 = arith.constant 0 : index
    %swap3A_102 = tpu.vector_load %arg8[%swap3A_100, %swap3A_101] {strides = array<i32>} : memref<32x16xi32, #tpu.memory_space<vmem>>, vector<16xi32>,
    tpu.vector_store %arg8[%swap3A_100, %swap3A_101], %broadcast_in_dim3A_59 {strides = array<i32>} : memref<32x16xi32, #tpu.memory_space<vmem>>, vector<16xi32>,
    %swap3A_103 = arith.constant 9 : i32
    %swap3A_104 = arith.index_cast %swap3A_103 : i32 to index
    %swap3A_105 = arith.constant 0 : index
    %swap3A_106 = tpu.vector_load %arg8[%swap3A_104, %swap3A_105] {strides = array<i32>} : memref<32x16xi32, #tpu.memory_space<vmem>>, vector<16xi32>,
    tpu.vector_store %arg8[%swap3A_104, %swap3A_105], %broadcast_in_dim3A_59 {strides = array<i32>} : memref<32x16xi32, #tpu.memory_space<vmem>>, vector<16xi32>,
    %swap3A_107 = arith.constant 10 : i32
    %swap3A_108 = arith.index_cast %swap3A_107 : i32 to index
    %swap3A_109 = arith.constant 0 : index
    %swap3A_110 = tpu.vector_load %arg8[%swap3A_108, %swap3A_109] {strides = array<i32>} : memref<32x16xi32, #tpu.memory_space<vmem>>, vector<16xi32>,
    tpu.vector_store %arg8[%swap3A_108, %swap3A_109], %broadcast_in_dim3A_59 {strides = array<i32>} : memref<32x16xi32, #tpu.memory_space<vmem>>, vector<16xi32>,
    %swap3A_111 = arith.constant 11 : i32
    %swap3A_112 = arith.index_cast %swap3A_111 : i32 to index
    %swap3A_113 = arith.constant 0 : index
    %swap3A_114 = tpu.vector_load %arg8[%swap3A_112, %swap3A_113] {strides = array<i32>} : memref<32x16xi32, #tpu.memory_space<vmem>>, vector<16xi32>,
    tpu.vector_store %arg8[%swap3A_112, %swap3A_113], %broadcast_in_dim3A_59 {strides = array<i32>} : memref<32x16xi32, #tpu.memory_space<vmem>>, vector<16xi32>,
    %swap3A_115 = arith.constant 12 : i32
    %swap3A_116 = arith.index_cast %swap3A_115 : i32 to index
    %swap3A_117 = arith.constant 0 : index
    %swap3A_118 = tpu.vector_load %arg8[%swap3A_116, %swap3A_117] {strides = array<i32>} : memref<32x16xi32, #tpu.memory_space<vmem>>, vector<16xi32>,
    tpu.vector_store %arg8[%swap3A_116, %swap3A_117], %broadcast_in_dim3A_59 {strides = array<i32>} : memref<32x16xi32, #tpu.memory_space<vmem>>, vector<16xi32>,
    %swap3A_119 = arith.constant 13 : i32
    %swap3A_120 = arith.index_cast %swap3A_119 : i32 to index
    %swap3A_121 = arith.constant 0 : index
    %swap3A_122 = tpu.vector_load %arg8[%swap3A_120, %swap3A_121] {strides = array<i32>} : memref<32x16xi32, #tpu.memory_space<vmem>>, vector<16xi32>,
    tpu.vector_store %arg8[%swap3A_120, %swap3A_121], %broadcast_in_dim3A_59 {strides = array<i32>} : memref<32x16xi32, #tpu.memory_space<vmem>>, vector<16xi32>,
    %swap3A_123 = arith.constant 14 : i32
    %swap3A_124 = arith.index_cast %swap3A_123 : i32 to index
    %swap3A_125 = arith.constant 0 : index
    %swap3A_126 = tpu.vector_load %arg8[%swap3A_124, %swap3A_125] {strides = array<i32>} : memref<32x16xi32, #tpu.memory_space<vmem>>, vector<16xi32>,
    tpu.vector_store %arg8[%swap3A_124, %swap3A_125], %broadcast_in_dim3A_59 {strides = array<i32>} : memref<32x16xi32, #tpu.memory_space<vmem>>, vector<16xi32>,
    %swap3A_127 = arith.constant 15 : i32
    %swap3A_128 = arith.index_cast %swap3A_127 : i32 to index
    %swap3A_129 = arith.constant 0 : index
    %swap3A_130 = tpu.vector_load %arg8[%swap3A_128, %swap3A_129] {strides = array<i32>} : memref<32x16xi32, #tpu.memory_space<vmem>>, vector<16xi32>,
    tpu.vector_store %arg8[%swap3A_128, %swap3A_129], %broadcast_in_dim3A_59 {strides = array<i32>} : memref<32x16xi32, #tpu.memory_space<vmem>>, vector<16xi32>,
    %swap3A_131 = arith.constant 16 : i32
    %swap3A_132 = arith.index_cast %swap3A_131 : i32 to index
    %swap3A_133 = arith.constant 0 : index
    %swap3A_134 = tpu.vector_load %arg8[%swap3A_132, %swap3A_133] {strides = array<i32>} : memref<32x16xi32, #tpu.memory_space<vmem>>, vector<16xi32>,
    tpu.vector_store %arg8[%swap3A_132, %swap3A_133], %broadcast_in_dim3A_59 {strides = array<i32>} : memref<32x16xi32, #tpu.memory_space<vmem>>, vector<16xi32>,
    %swap3A_135 = arith.constant 17 : i32
    %swap3A_136 = arith.index_cast %swap3A_135 : i32 to index
    %swap3A_137 = arith.constant 0 : index
    %swap3A_138 = tpu.vector_load %arg8[%swap3A_136, %swap3A_137] {strides = array<i32>} : memref<32x16xi32, #tpu.memory_space<vmem>>, vector<16xi32>,
    tpu.vector_store %arg8[%swap3A_136, %swap3A_137], %broadcast_in_dim3A_59 {strides = array<i32>} : memref<32x16xi32, #tpu.memory_space<vmem>>, vector<16xi32>,
    %swap3A_139 = arith.constant 18 : i32
    %swap3A_140 = arith.index_cast %swap3A_139 : i32 to index
    %swap3A_141 = arith.constant 0 : index
    %swap3A_142 = tpu.vector_load %arg8[%swap3A_140, %swap3A_141] {strides = array<i32>} : memref<32x16xi32, #tpu.memory_space<vmem>>, vector<16xi32>,
    tpu.vector_store %arg8[%swap3A_140, %swap3A_141], %broadcast_in_dim3A_59 {strides = array<i32>} : memref<32x16xi32, #tpu.memory_space<vmem>>, vector<16xi32>,
    %swap3A_143 = arith.constant 19 : i32
    %swap3A_144 = arith.index_cast %swap3A_143 : i32 to index
    %swap3A_145 = arith.constant 0 : index
    %swap3A_146 = tpu.vector_load %arg8[%swap3A_144, %swap3A_145] {strides = array<i32>} : memref<32x16xi32, #tpu.memory_space<vmem>>, vector<16xi32>,
    tpu.vector_store %arg8[%swap3A_144, %swap3A_145], %broadcast_in_dim3A_59 {strides = array<i32>} : memref<32x16xi32, #tpu.memory_space<vmem>>, vector<16xi32>,
    %swap3A_147 = arith.constant 20 : i32
    %swap3A_148 = arith.index_cast %swap3A_147 : i32 to index
    %swap3A_149 = arith.constant 0 : index
    %swap3A_150 = tpu.vector_load %arg8[%swap3A_148, %swap3A_149] {strides = array<i32>} : memref<32x16xi32, #tpu.memory_space<vmem>>, vector<16xi32>,
    tpu.vector_store %arg8[%swap3A_148, %swap3A_149], %broadcast_in_dim3A_59 {strides = array<i32>} : memref<32x16xi32, #tpu.memory_space<vmem>>, vector<16xi32>,
    %swap3A_151 = arith.constant 21 : i32
    %swap3A_152 = arith.index_cast %swap3A_151 : i32 to index
    %swap3A_153 = arith.constant 0 : index
    %swap3A_154 = tpu.vector_load %arg8[%swap3A_152, %swap3A_153] {strides = array<i32>} : memref<32x16xi32, #tpu.memory_space<vmem>>, vector<16xi32>,
    tpu.vector_store %arg8[%swap3A_152, %swap3A_153], %broadcast_in_dim3A_59 {strides = array<i32>} : memref<32x16xi32, #tpu.memory_space<vmem>>, vector<16xi32>,
    %swap3A_155 = arith.constant 22 : i32
    %swap3A_156 = arith.index_cast %swap3A_155 : i32 to index
    %swap3A_157 = arith.constant 0 : index
    %swap3A_158 = tpu.vector_load %arg8[%swap3A_156, %swap3A_157] {strides = array<i32>} : memref<32x16xi32, #tpu.memory_space<vmem>>, vector<16xi32>,
    tpu.vector_store %arg8[%swap3A_156, %swap3A_157], %broadcast_in_dim3A_59 {strides = array<i32>} : memref<32x16xi32, #tpu.memory_space<vmem>>, vector<16xi32>,
    %swap3A_159 = arith.constant 23 : i32
    %swap3A_160 = arith.index_cast %swap3A_159 : i32 to index
    %swap3A_161 = arith.constant 0 : index
    %swap3A_162 = tpu.vector_load %arg8[%swap3A_160, %swap3A_161] {strides = array<i32>} : memref<32x16xi32, #tpu.memory_space<vmem>>, vector<16xi32>,
    tpu.vector_store %arg8[%swap3A_160, %swap3A_161], %broadcast_in_dim3A_59 {strides = array<i32>} : memref<32x16xi32, #tpu.memory_space<vmem>>, vector<16xi32>,
    %swap3A_163 = arith.constant 24 : i32
    %swap3A_164 = arith.index_cast %swap3A_163 : i32 to index
    %swap3A_165 = arith.constant 0 : index
    %swap3A_166 = tpu.vector_load %arg8[%swap3A_164, %swap3A_165] {strides = array<i32>} : memref<32x16xi32, #tpu.memory_space<vmem>>, vector<16xi32>,
    tpu.vector_store %arg8[%swap3A_164, %swap3A_165], %broadcast_in_dim3A_59 {strides = array<i32>} : memref<32x16xi32, #tpu.memory_space<vmem>>, vector<16xi32>,
    %swap3A_167 = arith.constant 25 : i32
    %swap3A_168 = arith.index_cast %swap3A_167 : i32 to index
    %swap3A_169 = arith.constant 0 : index
    %swap3A_170 = tpu.vector_load %arg8[%swap3A_168, %swap3A_169] {strides = array<i32>} : memref<32x16xi32, #tpu.memory_space<vmem>>, vector<16xi32>,
    tpu.vector_store %arg8[%swap3A_168, %swap3A_169], %broadcast_in_dim3A_59 {strides = array<i32>} : memref<32x16xi32, #tpu.memory_space<vmem>>, vector<16xi32>,
    %swap3A_171 = arith.constant 26 : i32
    %swap3A_172 = arith.index_cast %swap3A_171 : i32 to index
    %swap3A_173 = arith.constant 0 : index
    %swap3A_174 = tpu.vector_load %arg8[%swap3A_172, %swap3A_173] {strides = array<i32>} : memref<32x16xi32, #tpu.memory_space<vmem>>, vector<16xi32>,
    tpu.vector_store %arg8[%swap3A_172, %swap3A_173], %broadcast_in_dim3A_59 {strides = array<i32>} : memref<32x16xi32, #tpu.memory_space<vmem>>, vector<16xi32>,
    %swap3A_175 = arith.constant 27 : i32
    %swap3A_176 = arith.index_cast %swap3A_175 : i32 to index
    %swap3A_177 = arith.constant 0 : index
    %swap3A_178 = tpu.vector_load %arg8[%swap3A_176, %swap3A_177] {strides = array<i32>} : memref<32x16xi32, #tpu.memory_space<vmem>>, vector<16xi32>,
    tpu.vector_store %arg8[%swap3A_176, %swap3A_177], %broadcast_in_dim3A_59 {strides = array<i32>} : memref<32x16xi32, #tpu.memory_space<vmem>>, vector<16xi32>,
    %swap3A_179 = arith.constant 28 : i32
    %swap3A_180 = arith.index_cast %swap3A_179 : i32 to index
    %swap3A_181 = arith.constant 0 : index
    %swap3A_182 = tpu.vector_load %arg8[%swap3A_180, %swap3A_181] {strides = array<i32>} : memref<32x16xi32, #tpu.memory_space<vmem>>, vector<16xi32>,
    tpu.vector_store %arg8[%swap3A_180, %swap3A_181], %broadcast_in_dim3A_59 {strides = array<i32>} : memref<32x16xi32, #tpu.memory_space<vmem>>, vector<16xi32>,
    %swap3A_183 = arith.constant 29 : i32
    %swap3A_184 = arith.index_cast %swap3A_183 : i32 to index
    %swap3A_185 = arith.constant 0 : index
    %swap3A_186 = tpu.vector_load %arg8[%swap3A_184, %swap3A_185] {strides = array<i32>} : memref<32x16xi32, #tpu.memory_space<vmem>>, vector<16xi32>,
    tpu.vector_store %arg8[%swap3A_184, %swap3A_185], %broadcast_in_dim3A_59 {strides = array<i32>} : memref<32x16xi32, #tpu.memory_space<vmem>>, vector<16xi32>,
    %swap3A_187 = arith.constant 30 : i32
    %swap3A_188 = arith.index_cast %swap3A_187 : i32 to index
    %swap3A_189 = arith.constant 0 : index
    %swap3A_190 = tpu.vector_load %arg8[%swap3A_188, %swap3A_189] {strides = array<i32>} : memref<32x16xi32, #tpu.memory_space<vmem>>, vector<16xi32>,
    tpu.vector_store %arg8[%swap3A_188, %swap3A_189], %broadcast_in_dim3A_59 {strides = array<i32>} : memref<32x16xi32, #tpu.memory_space<vmem>>, vector<16xi32>,
    %swap3A_191 = arith.constant 31 : i32
    %swap3A_192 = arith.index_cast %swap3A_191 : i32 to index
    %swap3A_193 = arith.constant 0 : index
    %swap3A_194 = tpu.vector_load %arg8[%swap3A_192, %swap3A_193] {strides = array<i32>} : memref<32x16xi32, #tpu.memory_space<vmem>>, vector<16xi32>,
    tpu.vector_store %arg8[%swap3A_192, %swap3A_193], %broadcast_in_dim3A_59 {strides = array<i32>} : memref<32x16xi32, #tpu.memory_space<vmem>>, vector<16xi32>,
    %parallel_loop3A = arith.constant 0 : i32
    %parallel_loop3A_195 = arith.constant 192 : i32
    %parallel_loop3A_196 = arith.constant 1 : i32
    scf.for %parallel_loop3A_197 = %parallel_loop3A to %parallel_loop3A_195 step %parallel_loop3A_196  : i32 {
      %parallel_loop3A_198 = arith.constant 384 : i32
      %parallel_loop3A_199 = arith.muli %parallel_loop3A_197, %parallel_loop3A_198 : i32
      %parallel_loop3A_200 = arith.constant 0 : i32
      %parallel_loop3A_201 = arith.addi %parallel_loop3A_199, %parallel_loop3A_200 : i32
      %parallel_loop3A_202 = arith.index_cast %parallel_loop3A_201 : i32 to index
      %parallel_loop3A_203 = tpu.vector_load %arg6[%parallel_loop3A_202] {strides = array<i32>} : memref<73728xf32, #tpu.memory_space<vmem>>, vector<16xf32>,
      %parallel_loop3A_204 = arith.mulf %parallel_loop3A_203, %broadcast_in_dim3A_65 : vector<16xf32>
      %parallel_loop3A_205 = arith.addf %parallel_loop3A_204, %broadcast_in_dim3A_67 : vector<16xf32>
      %parallel_loop3A_206 = arith.fptosi %parallel_loop3A_205 : vector<16xf32> to vector<16xi32>
      %parallel_loop3A_207 = tpu.vector_load_idx %arg7[%parallel_loop3A_206] : memref<32xf32, #tpu.memory_space<vmem>>[vector<16xi32>], vector<16xf32>,
      %parallel_loop3A_208 = arith.cmpf olt, %parallel_loop3A_203, %parallel_loop3A_207 : vector<16xf32>
      %parallel_loop3A_209 = arith.select %parallel_loop3A_208, %broadcast_in_dim3A_63, %broadcast_in_dim3A_59 : vector<16xi1>, vector<16xi32>
      %parallel_loop3A_210 = arith.addi %parallel_loop3A_206, %parallel_loop3A_209 : vector<16xi32>
      tpu.vector_store_idx %arg8[%parallel_loop3A_210, %iota3A], %broadcast_in_dim3A_61 {add = true} : memref<32x16xi32, #tpu.memory_space<vmem>>[vector<16xi32>, vector<16xi32>], vector<16xi32>,
      %parallel_loop3A_211 = arith.constant 16 : i32
      %parallel_loop3A_212 = arith.addi %parallel_loop3A_199, %parallel_loop3A_211 : i32
      %parallel_loop3A_213 = arith.index_cast %parallel_loop3A_212 : i32 to index
      %parallel_loop3A_214 = tpu.vector_load %arg6[%parallel_loop3A_213] {strides = array<i32>} : memref<73728xf32, #tpu.memory_space<vmem>>, vector<16xf32>,
      %parallel_loop3A_215 = arith.mulf %parallel_loop3A_214, %broadcast_in_dim3A_65 : vector<16xf32>
      %parallel_loop3A_216 = arith.addf %parallel_loop3A_215, %broadcast_in_dim3A_67 : vector<16xf32>
      %parallel_loop3A_217 = arith.fptosi %parallel_loop3A_216 : vector<16xf32> to vector<16xi32>
      %parallel_loop3A_218 = tpu.vector_load_idx %arg7[%parallel_loop3A_217] : memref<32xf32, #tpu.memory_space<vmem>>[vector<16xi32>], vector<16xf32>,
      %parallel_loop3A_219 = arith.cmpf olt, %parallel_loop3A_214, %parallel_loop3A_218 : vector<16xf32>
      %parallel_loop3A_220 = arith.select %parallel_loop3A_219, %broadcast_in_dim3A_63, %broadcast_in_dim3A_59 : vector<16xi1>, vector<16xi32>
      %parallel_loop3A_221 = arith.addi %parallel_loop3A_217, %parallel_loop3A_220 : vector<16xi32>
      tpu.vector_store_idx %arg8[%parallel_loop3A_221, %iota3A], %broadcast_in_dim3A_61 {add = true} : memref<32x16xi32, #tpu.memory_space<vmem>>[vector<16xi32>, vector<16xi32>], vector<16xi32>,
      %parallel_loop3A_222 = arith.constant 32 : i32
      %parallel_loop3A_223 = arith.addi %parallel_loop3A_199, %parallel_loop3A_222 : i32
      %parallel_loop3A_224 = arith.index_cast %parallel_loop3A_223 : i32 to index
      %parallel_loop3A_225 = tpu.vector_load %arg6[%parallel_loop3A_224] {strides = array<i32>} : memref<73728xf32, #tpu.memory_space<vmem>>, vector<16xf32>,
      %parallel_loop3A_226 = arith.mulf %parallel_loop3A_225, %broadcast_in_dim3A_65 : vector<16xf32>
      %parallel_loop3A_227 = arith.addf %parallel_loop3A_226, %broadcast_in_dim3A_67 : vector<16xf32>
      %parallel_loop3A_228 = arith.fptosi %parallel_loop3A_227 : vector<16xf32> to vector<16xi32>
      %parallel_loop3A_229 = tpu.vector_load_idx %arg7[%parallel_loop3A_228] : memref<32xf32, #tpu.memory_space<vmem>>[vector<16xi32>], vector<16xf32>,
      %parallel_loop3A_230 = arith.cmpf olt, %parallel_loop3A_225, %parallel_loop3A_229 : vector<16xf32>
      %parallel_loop3A_231 = arith.select %parallel_loop3A_230, %broadcast_in_dim3A_63, %broadcast_in_dim3A_59 : vector<16xi1>, vector<16xi32>
      %parallel_loop3A_232 = arith.addi %parallel_loop3A_228, %parallel_loop3A_231 : vector<16xi32>
      tpu.vector_store_idx %arg8[%parallel_loop3A_232, %iota3A], %broadcast_in_dim3A_61 {add = true} : memref<32x16xi32, #tpu.memory_space<vmem>>[vector<16xi32>, vector<16xi32>], vector<16xi32>,
      %parallel_loop3A_233 = arith.constant 48 : i32
      %parallel_loop3A_234 = arith.addi %parallel_loop3A_199, %parallel_loop3A_233 : i32
      %parallel_loop3A_235 = arith.index_cast %parallel_loop3A_234 : i32 to index
      %parallel_loop3A_236 = tpu.vector_load %arg6[%parallel_loop3A_235] {strides = array<i32>} : memref<73728xf32, #tpu.memory_space<vmem>>, vector<16xf32>,
      %parallel_loop3A_237 = arith.mulf %parallel_loop3A_236, %broadcast_in_dim3A_65 : vector<16xf32>
      %parallel_loop3A_238 = arith.addf %parallel_loop3A_237, %broadcast_in_dim3A_67 : vector<16xf32>
      %parallel_loop3A_239 = arith.fptosi %parallel_loop3A_238 : vector<16xf32> to vector<16xi32>
      %parallel_loop3A_240 = tpu.vector_load_idx %arg7[%parallel_loop3A_239] : memref<32xf32, #tpu.memory_space<vmem>>[vector<16xi32>], vector<16xf32>,
      %parallel_loop3A_241 = arith.cmpf olt, %parallel_loop3A_236, %parallel_loop3A_240 : vector<16xf32>
      %parallel_loop3A_242 = arith.select %parallel_loop3A_241, %broadcast_in_dim3A_63, %broadcast_in_dim3A_59 : vector<16xi1>, vector<16xi32>
      %parallel_loop3A_243 = arith.addi %parallel_loop3A_239, %parallel_loop3A_242 : vector<16xi32>
      tpu.vector_store_idx %arg8[%parallel_loop3A_243, %iota3A], %broadcast_in_dim3A_61 {add = true} : memref<32x16xi32, #tpu.memory_space<vmem>>[vector<16xi32>, vector<16xi32>], vector<16xi32>,
      %parallel_loop3A_244 = arith.constant 64 : i32
      %parallel_loop3A_245 = arith.addi %parallel_loop3A_199, %parallel_loop3A_244 : i32
      %parallel_loop3A_246 = arith.index_cast %parallel_loop3A_245 : i32 to index
      %parallel_loop3A_247 = tpu.vector_load %arg6[%parallel_loop3A_246] {strides = array<i32>} : memref<73728xf32, #tpu.memory_space<vmem>>, vector<16xf32>,
      %parallel_loop3A_248 = arith.mulf %parallel_loop3A_247, %broadcast_in_dim3A_65 : vector<16xf32>
      %parallel_loop3A_249 = arith.addf %parallel_loop3A_248, %broadcast_in_dim3A_67 : vector<16xf32>
      %parallel_loop3A_250 = arith.fptosi %parallel_loop3A_249 : vector<16xf32> to vector<16xi32>
      %parallel_loop3A_251 = tpu.vector_load_idx %arg7[%parallel_loop3A_250] : memref<32xf32, #tpu.memory_space<vmem>>[vector<16xi32>], vector<16xf32>,
      %parallel_loop3A_252 = arith.cmpf olt, %parallel_loop3A_247, %parallel_loop3A_251 : vector<16xf32>
      %parallel_loop3A_253 = arith.select %parallel_loop3A_252, %broadcast_in_dim3A_63, %broadcast_in_dim3A_59 : vector<16xi1>, vector<16xi32>
      %parallel_loop3A_254 = arith.addi %parallel_loop3A_250, %parallel_loop3A_253 : vector<16xi32>
      tpu.vector_store_idx %arg8[%parallel_loop3A_254, %iota3A], %broadcast_in_dim3A_61 {add = true} : memref<32x16xi32, #tpu.memory_space<vmem>>[vector<16xi32>, vector<16xi32>], vector<16xi32>,
      %parallel_loop3A_255 = arith.constant 80 : i32
      %parallel_loop3A_256 = arith.addi %parallel_loop3A_199, %parallel_loop3A_255 : i32
      %parallel_loop3A_257 = arith.index_cast %parallel_loop3A_256 : i32 to index
      %parallel_loop3A_258 = tpu.vector_load %arg6[%parallel_loop3A_257] {strides = array<i32>} : memref<73728xf32, #tpu.memory_space<vmem>>, vector<16xf32>,
      %parallel_loop3A_259 = arith.mulf %parallel_loop3A_258, %broadcast_in_dim3A_65 : vector<16xf32>
      %parallel_loop3A_260 = arith.addf %parallel_loop3A_259, %broadcast_in_dim3A_67 : vector<16xf32>
      %parallel_loop3A_261 = arith.fptosi %parallel_loop3A_260 : vector<16xf32> to vector<16xi32>
      %parallel_loop3A_262 = tpu.vector_load_idx %arg7[%parallel_loop3A_261] : memref<32xf32, #tpu.memory_space<vmem>>[vector<16xi32>], vector<16xf32>,
      %parallel_loop3A_263 = arith.cmpf olt, %parallel_loop3A_258, %parallel_loop3A_262 : vector<16xf32>
      %parallel_loop3A_264 = arith.select %parallel_loop3A_263, %broadcast_in_dim3A_63, %broadcast_in_dim3A_59 : vector<16xi1>, vector<16xi32>
      %parallel_loop3A_265 = arith.addi %parallel_loop3A_261, %parallel_loop3A_264 : vector<16xi32>
      tpu.vector_store_idx %arg8[%parallel_loop3A_265, %iota3A], %broadcast_in_dim3A_61 {add = true} : memref<32x16xi32, #tpu.memory_space<vmem>>[vector<16xi32>, vector<16xi32>], vector<16xi32>,
      %parallel_loop3A_266 = arith.constant 96 : i32
      %parallel_loop3A_267 = arith.addi %parallel_loop3A_199, %parallel_loop3A_266 : i32
      %parallel_loop3A_268 = arith.index_cast %parallel_loop3A_267 : i32 to index
      %parallel_loop3A_269 = tpu.vector_load %arg6[%parallel_loop3A_268] {strides = array<i32>} : memref<73728xf32, #tpu.memory_space<vmem>>, vector<16xf32>,
      %parallel_loop3A_270 = arith.mulf %parallel_loop3A_269, %broadcast_in_dim3A_65 : vector<16xf32>
      %parallel_loop3A_271 = arith.addf %parallel_loop3A_270, %broadcast_in_dim3A_67 : vector<16xf32>
      %parallel_loop3A_272 = arith.fptosi %parallel_loop3A_271 : vector<16xf32> to vector<16xi32>
      %parallel_loop3A_273 = tpu.vector_load_idx %arg7[%parallel_loop3A_272] : memref<32xf32, #tpu.memory_space<vmem>>[vector<16xi32>], vector<16xf32>,
      %parallel_loop3A_274 = arith.cmpf olt, %parallel_loop3A_269, %parallel_loop3A_273 : vector<16xf32>
      %parallel_loop3A_275 = arith.select %parallel_loop3A_274, %broadcast_in_dim3A_63, %broadcast_in_dim3A_59 : vector<16xi1>, vector<16xi32>
      %parallel_loop3A_276 = arith.addi %parallel_loop3A_272, %parallel_loop3A_275 : vector<16xi32>
      tpu.vector_store_idx %arg8[%parallel_loop3A_276, %iota3A], %broadcast_in_dim3A_61 {add = true} : memref<32x16xi32, #tpu.memory_space<vmem>>[vector<16xi32>, vector<16xi32>], vector<16xi32>,
      %parallel_loop3A_277 = arith.constant 112 : i32
      %parallel_loop3A_278 = arith.addi %parallel_loop3A_199, %parallel_loop3A_277 : i32
      %parallel_loop3A_279 = arith.index_cast %parallel_loop3A_278 : i32 to index
      %parallel_loop3A_280 = tpu.vector_load %arg6[%parallel_loop3A_279] {strides = array<i32>} : memref<73728xf32, #tpu.memory_space<vmem>>, vector<16xf32>,
      %parallel_loop3A_281 = arith.mulf %parallel_loop3A_280, %broadcast_in_dim3A_65 : vector<16xf32>
      %parallel_loop3A_282 = arith.addf %parallel_loop3A_281, %broadcast_in_dim3A_67 : vector<16xf32>
      %parallel_loop3A_283 = arith.fptosi %parallel_loop3A_282 : vector<16xf32> to vector<16xi32>
      %parallel_loop3A_284 = tpu.vector_load_idx %arg7[%parallel_loop3A_283] : memref<32xf32, #tpu.memory_space<vmem>>[vector<16xi32>], vector<16xf32>,
      %parallel_loop3A_285 = arith.cmpf olt, %parallel_loop3A_280, %parallel_loop3A_284 : vector<16xf32>
      %parallel_loop3A_286 = arith.select %parallel_loop3A_285, %broadcast_in_dim3A_63, %broadcast_in_dim3A_59 : vector<16xi1>, vector<16xi32>
      %parallel_loop3A_287 = arith.addi %parallel_loop3A_283, %parallel_loop3A_286 : vector<16xi32>
      tpu.vector_store_idx %arg8[%parallel_loop3A_287, %iota3A], %broadcast_in_dim3A_61 {add = true} : memref<32x16xi32, #tpu.memory_space<vmem>>[vector<16xi32>, vector<16xi32>], vector<16xi32>,
      %parallel_loop3A_288 = arith.constant 128 : i32
      %parallel_loop3A_289 = arith.addi %parallel_loop3A_199, %parallel_loop3A_288 : i32
      %parallel_loop3A_290 = arith.index_cast %parallel_loop3A_289 : i32 to index
      %parallel_loop3A_291 = tpu.vector_load %arg6[%parallel_loop3A_290] {strides = array<i32>} : memref<73728xf32, #tpu.memory_space<vmem>>, vector<16xf32>,
      %parallel_loop3A_292 = arith.mulf %parallel_loop3A_291, %broadcast_in_dim3A_65 : vector<16xf32>
      %parallel_loop3A_293 = arith.addf %parallel_loop3A_292, %broadcast_in_dim3A_67 : vector<16xf32>
      %parallel_loop3A_294 = arith.fptosi %parallel_loop3A_293 : vector<16xf32> to vector<16xi32>
      %parallel_loop3A_295 = tpu.vector_load_idx %arg7[%parallel_loop3A_294] : memref<32xf32, #tpu.memory_space<vmem>>[vector<16xi32>], vector<16xf32>,
      %parallel_loop3A_296 = arith.cmpf olt, %parallel_loop3A_291, %parallel_loop3A_295 : vector<16xf32>
      %parallel_loop3A_297 = arith.select %parallel_loop3A_296, %broadcast_in_dim3A_63, %broadcast_in_dim3A_59 : vector<16xi1>, vector<16xi32>
      %parallel_loop3A_298 = arith.addi %parallel_loop3A_294, %parallel_loop3A_297 : vector<16xi32>
      tpu.vector_store_idx %arg8[%parallel_loop3A_298, %iota3A], %broadcast_in_dim3A_61 {add = true} : memref<32x16xi32, #tpu.memory_space<vmem>>[vector<16xi32>, vector<16xi32>], vector<16xi32>,
      %parallel_loop3A_299 = arith.constant 144 : i32
      %parallel_loop3A_300 = arith.addi %parallel_loop3A_199, %parallel_loop3A_299 : i32
      %parallel_loop3A_301 = arith.index_cast %parallel_loop3A_300 : i32 to index
      %parallel_loop3A_302 = tpu.vector_load %arg6[%parallel_loop3A_301] {strides = array<i32>} : memref<73728xf32, #tpu.memory_space<vmem>>, vector<16xf32>,
      %parallel_loop3A_303 = arith.mulf %parallel_loop3A_302, %broadcast_in_dim3A_65 : vector<16xf32>
      %parallel_loop3A_304 = arith.addf %parallel_loop3A_303, %broadcast_in_dim3A_67 : vector<16xf32>
      %parallel_loop3A_305 = arith.fptosi %parallel_loop3A_304 : vector<16xf32> to vector<16xi32>
      %parallel_loop3A_306 = tpu.vector_load_idx %arg7[%parallel_loop3A_305] : memref<32xf32, #tpu.memory_space<vmem>>[vector<16xi32>], vector<16xf32>,
      %parallel_loop3A_307 = arith.cmpf olt, %parallel_loop3A_302, %parallel_loop3A_306 : vector<16xf32>
      %parallel_loop3A_308 = arith.select %parallel_loop3A_307, %broadcast_in_dim3A_63, %broadcast_in_dim3A_59 : vector<16xi1>, vector<16xi32>
      %parallel_loop3A_309 = arith.addi %parallel_loop3A_305, %parallel_loop3A_308 : vector<16xi32>
      tpu.vector_store_idx %arg8[%parallel_loop3A_309, %iota3A], %broadcast_in_dim3A_61 {add = true} : memref<32x16xi32, #tpu.memory_space<vmem>>[vector<16xi32>, vector<16xi32>], vector<16xi32>,
      %parallel_loop3A_310 = arith.constant 160 : i32
      %parallel_loop3A_311 = arith.addi %parallel_loop3A_199, %parallel_loop3A_310 : i32
      %parallel_loop3A_312 = arith.index_cast %parallel_loop3A_311 : i32 to index
      %parallel_loop3A_313 = tpu.vector_load %arg6[%parallel_loop3A_312] {strides = array<i32>} : memref<73728xf32, #tpu.memory_space<vmem>>, vector<16xf32>,
      %parallel_loop3A_314 = arith.mulf %parallel_loop3A_313, %broadcast_in_dim3A_65 : vector<16xf32>
      %parallel_loop3A_315 = arith.addf %parallel_loop3A_314, %broadcast_in_dim3A_67 : vector<16xf32>
      %parallel_loop3A_316 = arith.fptosi %parallel_loop3A_315 : vector<16xf32> to vector<16xi32>
      %parallel_loop3A_317 = tpu.vector_load_idx %arg7[%parallel_loop3A_316] : memref<32xf32, #tpu.memory_space<vmem>>[vector<16xi32>], vector<16xf32>,
      %parallel_loop3A_318 = arith.cmpf olt, %parallel_loop3A_313, %parallel_loop3A_317 : vector<16xf32>
      %parallel_loop3A_319 = arith.select %parallel_loop3A_318, %broadcast_in_dim3A_63, %broadcast_in_dim3A_59 : vector<16xi1>, vector<16xi32>
      %parallel_loop3A_320 = arith.addi %parallel_loop3A_316, %parallel_loop3A_319 : vector<16xi32>
      tpu.vector_store_idx %arg8[%parallel_loop3A_320, %iota3A], %broadcast_in_dim3A_61 {add = true} : memref<32x16xi32, #tpu.memory_space<vmem>>[vector<16xi32>, vector<16xi32>], vector<16xi32>,
      %parallel_loop3A_321 = arith.constant 176 : i32
      %parallel_loop3A_322 = arith.addi %parallel_loop3A_199, %parallel_loop3A_321 : i32
      %parallel_loop3A_323 = arith.index_cast %parallel_loop3A_322 : i32 to index
      %parallel_loop3A_324 = tpu.vector_load %arg6[%parallel_loop3A_323] {strides = array<i32>} : memref<73728xf32, #tpu.memory_space<vmem>>, vector<16xf32>,
      %parallel_loop3A_325 = arith.mulf %parallel_loop3A_324, %broadcast_in_dim3A_65 : vector<16xf32>
      %parallel_loop3A_326 = arith.addf %parallel_loop3A_325, %broadcast_in_dim3A_67 : vector<16xf32>
      %parallel_loop3A_327 = arith.fptosi %parallel_loop3A_326 : vector<16xf32> to vector<16xi32>
      %parallel_loop3A_328 = tpu.vector_load_idx %arg7[%parallel_loop3A_327] : memref<32xf32, #tpu.memory_space<vmem>>[vector<16xi32>], vector<16xf32>,
      %parallel_loop3A_329 = arith.cmpf olt, %parallel_loop3A_324, %parallel_loop3A_328 : vector<16xf32>
      %parallel_loop3A_330 = arith.select %parallel_loop3A_329, %broadcast_in_dim3A_63, %broadcast_in_dim3A_59 : vector<16xi1>, vector<16xi32>
      %parallel_loop3A_331 = arith.addi %parallel_loop3A_327, %parallel_loop3A_330 : vector<16xi32>
      tpu.vector_store_idx %arg8[%parallel_loop3A_331, %iota3A], %broadcast_in_dim3A_61 {add = true} : memref<32x16xi32, #tpu.memory_space<vmem>>[vector<16xi32>, vector<16xi32>], vector<16xi32>,
      %parallel_loop3A_332 = arith.constant 192 : i32
      %parallel_loop3A_333 = arith.addi %parallel_loop3A_199, %parallel_loop3A_332 : i32
      %parallel_loop3A_334 = arith.index_cast %parallel_loop3A_333 : i32 to index
      %parallel_loop3A_335 = tpu.vector_load %arg6[%parallel_loop3A_334] {strides = array<i32>} : memref<73728xf32, #tpu.memory_space<vmem>>, vector<16xf32>,
      %parallel_loop3A_336 = arith.mulf %parallel_loop3A_335, %broadcast_in_dim3A_65 : vector<16xf32>
      %parallel_loop3A_337 = arith.addf %parallel_loop3A_336, %broadcast_in_dim3A_67 : vector<16xf32>
      %parallel_loop3A_338 = arith.fptosi %parallel_loop3A_337 : vector<16xf32> to vector<16xi32>
      %parallel_loop3A_339 = tpu.vector_load_idx %arg7[%parallel_loop3A_338] : memref<32xf32, #tpu.memory_space<vmem>>[vector<16xi32>], vector<16xf32>,
      %parallel_loop3A_340 = arith.cmpf olt, %parallel_loop3A_335, %parallel_loop3A_339 : vector<16xf32>
      %parallel_loop3A_341 = arith.select %parallel_loop3A_340, %broadcast_in_dim3A_63, %broadcast_in_dim3A_59 : vector<16xi1>, vector<16xi32>
      %parallel_loop3A_342 = arith.addi %parallel_loop3A_338, %parallel_loop3A_341 : vector<16xi32>
      tpu.vector_store_idx %arg8[%parallel_loop3A_342, %iota3A], %broadcast_in_dim3A_61 {add = true} : memref<32x16xi32, #tpu.memory_space<vmem>>[vector<16xi32>, vector<16xi32>], vector<16xi32>,
      %parallel_loop3A_343 = arith.constant 208 : i32
      %parallel_loop3A_344 = arith.addi %parallel_loop3A_199, %parallel_loop3A_343 : i32
      %parallel_loop3A_345 = arith.index_cast %parallel_loop3A_344 : i32 to index
      %parallel_loop3A_346 = tpu.vector_load %arg6[%parallel_loop3A_345] {strides = array<i32>} : memref<73728xf32, #tpu.memory_space<vmem>>, vector<16xf32>,
      %parallel_loop3A_347 = arith.mulf %parallel_loop3A_346, %broadcast_in_dim3A_65 : vector<16xf32>
      %parallel_loop3A_348 = arith.addf %parallel_loop3A_347, %broadcast_in_dim3A_67 : vector<16xf32>
      %parallel_loop3A_349 = arith.fptosi %parallel_loop3A_348 : vector<16xf32> to vector<16xi32>
      %parallel_loop3A_350 = tpu.vector_load_idx %arg7[%parallel_loop3A_349] : memref<32xf32, #tpu.memory_space<vmem>>[vector<16xi32>], vector<16xf32>,
      %parallel_loop3A_351 = arith.cmpf olt, %parallel_loop3A_346, %parallel_loop3A_350 : vector<16xf32>
      %parallel_loop3A_352 = arith.select %parallel_loop3A_351, %broadcast_in_dim3A_63, %broadcast_in_dim3A_59 : vector<16xi1>, vector<16xi32>
      %parallel_loop3A_353 = arith.addi %parallel_loop3A_349, %parallel_loop3A_352 : vector<16xi32>
      tpu.vector_store_idx %arg8[%parallel_loop3A_353, %iota3A], %broadcast_in_dim3A_61 {add = true} : memref<32x16xi32, #tpu.memory_space<vmem>>[vector<16xi32>, vector<16xi32>], vector<16xi32>,
      %parallel_loop3A_354 = arith.constant 224 : i32
      %parallel_loop3A_355 = arith.addi %parallel_loop3A_199, %parallel_loop3A_354 : i32
      %parallel_loop3A_356 = arith.index_cast %parallel_loop3A_355 : i32 to index
      %parallel_loop3A_357 = tpu.vector_load %arg6[%parallel_loop3A_356] {strides = array<i32>} : memref<73728xf32, #tpu.memory_space<vmem>>, vector<16xf32>,
      %parallel_loop3A_358 = arith.mulf %parallel_loop3A_357, %broadcast_in_dim3A_65 : vector<16xf32>
      %parallel_loop3A_359 = arith.addf %parallel_loop3A_358, %broadcast_in_dim3A_67 : vector<16xf32>
      %parallel_loop3A_360 = arith.fptosi %parallel_loop3A_359 : vector<16xf32> to vector<16xi32>
      %parallel_loop3A_361 = tpu.vector_load_idx %arg7[%parallel_loop3A_360] : memref<32xf32, #tpu.memory_space<vmem>>[vector<16xi32>], vector<16xf32>,
      %parallel_loop3A_362 = arith.cmpf olt, %parallel_loop3A_357, %parallel_loop3A_361 : vector<16xf32>
      %parallel_loop3A_363 = arith.select %parallel_loop3A_362, %broadcast_in_dim3A_63, %broadcast_in_dim3A_59 : vector<16xi1>, vector<16xi32>
      %parallel_loop3A_364 = arith.addi %parallel_loop3A_360, %parallel_loop3A_363 : vector<16xi32>
      tpu.vector_store_idx %arg8[%parallel_loop3A_364, %iota3A], %broadcast_in_dim3A_61 {add = true} : memref<32x16xi32, #tpu.memory_space<vmem>>[vector<16xi32>, vector<16xi32>], vector<16xi32>,
      %parallel_loop3A_365 = arith.constant 240 : i32
      %parallel_loop3A_366 = arith.addi %parallel_loop3A_199, %parallel_loop3A_365 : i32
      %parallel_loop3A_367 = arith.index_cast %parallel_loop3A_366 : i32 to index
      %parallel_loop3A_368 = tpu.vector_load %arg6[%parallel_loop3A_367] {strides = array<i32>} : memref<73728xf32, #tpu.memory_space<vmem>>, vector<16xf32>,
      %parallel_loop3A_369 = arith.mulf %parallel_loop3A_368, %broadcast_in_dim3A_65 : vector<16xf32>
      %parallel_loop3A_370 = arith.addf %parallel_loop3A_369, %broadcast_in_dim3A_67 : vector<16xf32>
      %parallel_loop3A_371 = arith.fptosi %parallel_loop3A_370 : vector<16xf32> to vector<16xi32>
      %parallel_loop3A_372 = tpu.vector_load_idx %arg7[%parallel_loop3A_371] : memref<32xf32, #tpu.memory_space<vmem>>[vector<16xi32>], vector<16xf32>,
      %parallel_loop3A_373 = arith.cmpf olt, %parallel_loop3A_368, %parallel_loop3A_372 : vector<16xf32>
      %parallel_loop3A_374 = arith.select %parallel_loop3A_373, %broadcast_in_dim3A_63, %broadcast_in_dim3A_59 : vector<16xi1>, vector<16xi32>
      %parallel_loop3A_375 = arith.addi %parallel_loop3A_371, %parallel_loop3A_374 : vector<16xi32>
      tpu.vector_store_idx %arg8[%parallel_loop3A_375, %iota3A], %broadcast_in_dim3A_61 {add = true} : memref<32x16xi32, #tpu.memory_space<vmem>>[vector<16xi32>, vector<16xi32>], vector<16xi32>,
      %parallel_loop3A_376 = arith.constant 256 : i32
      %parallel_loop3A_377 = arith.addi %parallel_loop3A_199, %parallel_loop3A_376 : i32
      %parallel_loop3A_378 = arith.index_cast %parallel_loop3A_377 : i32 to index
      %parallel_loop3A_379 = tpu.vector_load %arg6[%parallel_loop3A_378] {strides = array<i32>} : memref<73728xf32, #tpu.memory_space<vmem>>, vector<16xf32>,
      %parallel_loop3A_380 = arith.mulf %parallel_loop3A_379, %broadcast_in_dim3A_65 : vector<16xf32>
      %parallel_loop3A_381 = arith.addf %parallel_loop3A_380, %broadcast_in_dim3A_67 : vector<16xf32>
      %parallel_loop3A_382 = arith.fptosi %parallel_loop3A_381 : vector<16xf32> to vector<16xi32>
      %parallel_loop3A_383 = tpu.vector_load_idx %arg7[%parallel_loop3A_382] : memref<32xf32, #tpu.memory_space<vmem>>[vector<16xi32>], vector<16xf32>,
      %parallel_loop3A_384 = arith.cmpf olt, %parallel_loop3A_379, %parallel_loop3A_383 : vector<16xf32>
      %parallel_loop3A_385 = arith.select %parallel_loop3A_384, %broadcast_in_dim3A_63, %broadcast_in_dim3A_59 : vector<16xi1>, vector<16xi32>
      %parallel_loop3A_386 = arith.addi %parallel_loop3A_382, %parallel_loop3A_385 : vector<16xi32>
      tpu.vector_store_idx %arg8[%parallel_loop3A_386, %iota3A], %broadcast_in_dim3A_61 {add = true} : memref<32x16xi32, #tpu.memory_space<vmem>>[vector<16xi32>, vector<16xi32>], vector<16xi32>,
      %parallel_loop3A_387 = arith.constant 272 : i32
      %parallel_loop3A_388 = arith.addi %parallel_loop3A_199, %parallel_loop3A_387 : i32
      %parallel_loop3A_389 = arith.index_cast %parallel_loop3A_388 : i32 to index
      %parallel_loop3A_390 = tpu.vector_load %arg6[%parallel_loop3A_389] {strides = array<i32>} : memref<73728xf32, #tpu.memory_space<vmem>>, vector<16xf32>,
      %parallel_loop3A_391 = arith.mulf %parallel_loop3A_390, %broadcast_in_dim3A_65 : vector<16xf32>
      %parallel_loop3A_392 = arith.addf %parallel_loop3A_391, %broadcast_in_dim3A_67 : vector<16xf32>
      %parallel_loop3A_393 = arith.fptosi %parallel_loop3A_392 : vector<16xf32> to vector<16xi32>
      %parallel_loop3A_394 = tpu.vector_load_idx %arg7[%parallel_loop3A_393] : memref<32xf32, #tpu.memory_space<vmem>>[vector<16xi32>], vector<16xf32>,
      %parallel_loop3A_395 = arith.cmpf olt, %parallel_loop3A_390, %parallel_loop3A_394 : vector<16xf32>
      %parallel_loop3A_396 = arith.select %parallel_loop3A_395, %broadcast_in_dim3A_63, %broadcast_in_dim3A_59 : vector<16xi1>, vector<16xi32>
      %parallel_loop3A_397 = arith.addi %parallel_loop3A_393, %parallel_loop3A_396 : vector<16xi32>
      tpu.vector_store_idx %arg8[%parallel_loop3A_397, %iota3A], %broadcast_in_dim3A_61 {add = true} : memref<32x16xi32, #tpu.memory_space<vmem>>[vector<16xi32>, vector<16xi32>], vector<16xi32>,
      %parallel_loop3A_398 = arith.constant 288 : i32
      %parallel_loop3A_399 = arith.addi %parallel_loop3A_199, %parallel_loop3A_398 : i32
      %parallel_loop3A_400 = arith.index_cast %parallel_loop3A_399 : i32 to index
      %parallel_loop3A_401 = tpu.vector_load %arg6[%parallel_loop3A_400] {strides = array<i32>} : memref<73728xf32, #tpu.memory_space<vmem>>, vector<16xf32>,
      %parallel_loop3A_402 = arith.mulf %parallel_loop3A_401, %broadcast_in_dim3A_65 : vector<16xf32>
      %parallel_loop3A_403 = arith.addf %parallel_loop3A_402, %broadcast_in_dim3A_67 : vector<16xf32>
      %parallel_loop3A_404 = arith.fptosi %parallel_loop3A_403 : vector<16xf32> to vector<16xi32>
      %parallel_loop3A_405 = tpu.vector_load_idx %arg7[%parallel_loop3A_404] : memref<32xf32, #tpu.memory_space<vmem>>[vector<16xi32>], vector<16xf32>,
      %parallel_loop3A_406 = arith.cmpf olt, %parallel_loop3A_401, %parallel_loop3A_405 : vector<16xf32>
      %parallel_loop3A_407 = arith.select %parallel_loop3A_406, %broadcast_in_dim3A_63, %broadcast_in_dim3A_59 : vector<16xi1>, vector<16xi32>
      %parallel_loop3A_408 = arith.addi %parallel_loop3A_404, %parallel_loop3A_407 : vector<16xi32>
      tpu.vector_store_idx %arg8[%parallel_loop3A_408, %iota3A], %broadcast_in_dim3A_61 {add = true} : memref<32x16xi32, #tpu.memory_space<vmem>>[vector<16xi32>, vector<16xi32>], vector<16xi32>,
      %parallel_loop3A_409 = arith.constant 304 : i32
      %parallel_loop3A_410 = arith.addi %parallel_loop3A_199, %parallel_loop3A_409 : i32
      %parallel_loop3A_411 = arith.index_cast %parallel_loop3A_410 : i32 to index
      %parallel_loop3A_412 = tpu.vector_load %arg6[%parallel_loop3A_411] {strides = array<i32>} : memref<73728xf32, #tpu.memory_space<vmem>>, vector<16xf32>,
      %parallel_loop3A_413 = arith.mulf %parallel_loop3A_412, %broadcast_in_dim3A_65 : vector<16xf32>
      %parallel_loop3A_414 = arith.addf %parallel_loop3A_413, %broadcast_in_dim3A_67 : vector<16xf32>
      %parallel_loop3A_415 = arith.fptosi %parallel_loop3A_414 : vector<16xf32> to vector<16xi32>
      %parallel_loop3A_416 = tpu.vector_load_idx %arg7[%parallel_loop3A_415] : memref<32xf32, #tpu.memory_space<vmem>>[vector<16xi32>], vector<16xf32>,
      %parallel_loop3A_417 = arith.cmpf olt, %parallel_loop3A_412, %parallel_loop3A_416 : vector<16xf32>
      %parallel_loop3A_418 = arith.select %parallel_loop3A_417, %broadcast_in_dim3A_63, %broadcast_in_dim3A_59 : vector<16xi1>, vector<16xi32>
      %parallel_loop3A_419 = arith.addi %parallel_loop3A_415, %parallel_loop3A_418 : vector<16xi32>
      tpu.vector_store_idx %arg8[%parallel_loop3A_419, %iota3A], %broadcast_in_dim3A_61 {add = true} : memref<32x16xi32, #tpu.memory_space<vmem>>[vector<16xi32>, vector<16xi32>], vector<16xi32>,
      %parallel_loop3A_420 = arith.constant 320 : i32
      %parallel_loop3A_421 = arith.addi %parallel_loop3A_199, %parallel_loop3A_420 : i32
      %parallel_loop3A_422 = arith.index_cast %parallel_loop3A_421 : i32 to index
      %parallel_loop3A_423 = tpu.vector_load %arg6[%parallel_loop3A_422] {strides = array<i32>} : memref<73728xf32, #tpu.memory_space<vmem>>, vector<16xf32>,
      %parallel_loop3A_424 = arith.mulf %parallel_loop3A_423, %broadcast_in_dim3A_65 : vector<16xf32>
      %parallel_loop3A_425 = arith.addf %parallel_loop3A_424, %broadcast_in_dim3A_67 : vector<16xf32>
      %parallel_loop3A_426 = arith.fptosi %parallel_loop3A_425 : vector<16xf32> to vector<16xi32>
      %parallel_loop3A_427 = tpu.vector_load_idx %arg7[%parallel_loop3A_426] : memref<32xf32, #tpu.memory_space<vmem>>[vector<16xi32>], vector<16xf32>,
      %parallel_loop3A_428 = arith.cmpf olt, %parallel_loop3A_423, %parallel_loop3A_427 : vector<16xf32>
      %parallel_loop3A_429 = arith.select %parallel_loop3A_428, %broadcast_in_dim3A_63, %broadcast_in_dim3A_59 : vector<16xi1>, vector<16xi32>
      %parallel_loop3A_430 = arith.addi %parallel_loop3A_426, %parallel_loop3A_429 : vector<16xi32>
      tpu.vector_store_idx %arg8[%parallel_loop3A_430, %iota3A], %broadcast_in_dim3A_61 {add = true} : memref<32x16xi32, #tpu.memory_space<vmem>>[vector<16xi32>, vector<16xi32>], vector<16xi32>,
      %parallel_loop3A_431 = arith.constant 336 : i32
      %parallel_loop3A_432 = arith.addi %parallel_loop3A_199, %parallel_loop3A_431 : i32
      %parallel_loop3A_433 = arith.index_cast %parallel_loop3A_432 : i32 to index
      %parallel_loop3A_434 = tpu.vector_load %arg6[%parallel_loop3A_433] {strides = array<i32>} : memref<73728xf32, #tpu.memory_space<vmem>>, vector<16xf32>,
      %parallel_loop3A_435 = arith.mulf %parallel_loop3A_434, %broadcast_in_dim3A_65 : vector<16xf32>
      %parallel_loop3A_436 = arith.addf %parallel_loop3A_435, %broadcast_in_dim3A_67 : vector<16xf32>
      %parallel_loop3A_437 = arith.fptosi %parallel_loop3A_436 : vector<16xf32> to vector<16xi32>
      %parallel_loop3A_438 = tpu.vector_load_idx %arg7[%parallel_loop3A_437] : memref<32xf32, #tpu.memory_space<vmem>>[vector<16xi32>], vector<16xf32>,
      %parallel_loop3A_439 = arith.cmpf olt, %parallel_loop3A_434, %parallel_loop3A_438 : vector<16xf32>
      %parallel_loop3A_440 = arith.select %parallel_loop3A_439, %broadcast_in_dim3A_63, %broadcast_in_dim3A_59 : vector<16xi1>, vector<16xi32>
      %parallel_loop3A_441 = arith.addi %parallel_loop3A_437, %parallel_loop3A_440 : vector<16xi32>
      tpu.vector_store_idx %arg8[%parallel_loop3A_441, %iota3A], %broadcast_in_dim3A_61 {add = true} : memref<32x16xi32, #tpu.memory_space<vmem>>[vector<16xi32>, vector<16xi32>], vector<16xi32>,
      %parallel_loop3A_442 = arith.constant 352 : i32
      %parallel_loop3A_443 = arith.addi %parallel_loop3A_199, %parallel_loop3A_442 : i32
      %parallel_loop3A_444 = arith.index_cast %parallel_loop3A_443 : i32 to index
      %parallel_loop3A_445 = tpu.vector_load %arg6[%parallel_loop3A_444] {strides = array<i32>} : memref<73728xf32, #tpu.memory_space<vmem>>, vector<16xf32>,
      %parallel_loop3A_446 = arith.mulf %parallel_loop3A_445, %broadcast_in_dim3A_65 : vector<16xf32>
      %parallel_loop3A_447 = arith.addf %parallel_loop3A_446, %broadcast_in_dim3A_67 : vector<16xf32>
      %parallel_loop3A_448 = arith.fptosi %parallel_loop3A_447 : vector<16xf32> to vector<16xi32>
      %parallel_loop3A_449 = tpu.vector_load_idx %arg7[%parallel_loop3A_448] : memref<32xf32, #tpu.memory_space<vmem>>[vector<16xi32>], vector<16xf32>,
      %parallel_loop3A_450 = arith.cmpf olt, %parallel_loop3A_445, %parallel_loop3A_449 : vector<16xf32>
      %parallel_loop3A_451 = arith.select %parallel_loop3A_450, %broadcast_in_dim3A_63, %broadcast_in_dim3A_59 : vector<16xi1>, vector<16xi32>
      %parallel_loop3A_452 = arith.addi %parallel_loop3A_448, %parallel_loop3A_451 : vector<16xi32>
      tpu.vector_store_idx %arg8[%parallel_loop3A_452, %iota3A], %broadcast_in_dim3A_61 {add = true} : memref<32x16xi32, #tpu.memory_space<vmem>>[vector<16xi32>, vector<16xi32>], vector<16xi32>,
      %parallel_loop3A_453 = arith.constant 368 : i32
      %parallel_loop3A_454 = arith.addi %parallel_loop3A_199, %parallel_loop3A_453 : i32
      %parallel_loop3A_455 = arith.index_cast %parallel_loop3A_454 : i32 to index
      %parallel_loop3A_456 = tpu.vector_load %arg6[%parallel_loop3A_455] {strides = array<i32>} : memref<73728xf32, #tpu.memory_space<vmem>>, vector<16xf32>,
      %parallel_loop3A_457 = arith.mulf %parallel_loop3A_456, %broadcast_in_dim3A_65 : vector<16xf32>
      %parallel_loop3A_458 = arith.addf %parallel_loop3A_457, %broadcast_in_dim3A_67 : vector<16xf32>
      %parallel_loop3A_459 = arith.fptosi %parallel_loop3A_458 : vector<16xf32> to vector<16xi32>
      %parallel_loop3A_460 = tpu.vector_load_idx %arg7[%parallel_loop3A_459] : memref<32xf32, #tpu.memory_space<vmem>>[vector<16xi32>], vector<16xf32>,
      %parallel_loop3A_461 = arith.cmpf olt, %parallel_loop3A_456, %parallel_loop3A_460 : vector<16xf32>
      %parallel_loop3A_462 = arith.select %parallel_loop3A_461, %broadcast_in_dim3A_63, %broadcast_in_dim3A_59 : vector<16xi1>, vector<16xi32>
      %parallel_loop3A_463 = arith.addi %parallel_loop3A_459, %parallel_loop3A_462 : vector<16xi32>
      tpu.vector_store_idx %arg8[%parallel_loop3A_463, %iota3A], %broadcast_in_dim3A_61 {add = true} : memref<32x16xi32, #tpu.memory_space<vmem>>[vector<16xi32>, vector<16xi32>], vector<16xi32>,
    } {sc.loop_unroll_factor = 1 : i64, sc.parallel_access}
    "tpu.region"() ({
      %run_scoped3A = tpu.sem_alloc : memref<!tpu.dma_semaphore, #tpu.memory_space<semaphore_mem>>
      %dma_start3A = arith.constant 0 : i32
      %dma_start3A_197 = arith.constant 0 : i32
      %dma_start3A_198 = tpu.memref_slice %arg5[%add3A, %dma_start3A, %dma_start3A_197] : memref<32x32x16xi32, #tpu.memory_space<hbm>> -> memref<1x32x16xi32, #tpu.memory_space<hbm>>
      %dma_start3A_199 = tpu.memref_squeeze %dma_start3A_198 : memref<1x32x16xi32, #tpu.memory_space<hbm>> -> memref<32x16xi32, #tpu.memory_space<hbm>>
      %dma_start3A_200 = arith.constant 0 : i32
      %dma_start3A_201 = arith.constant 0 : i32
      %dma_start3A_202 = tpu.memref_slice %arg5[%add3A, %dma_start3A_200, %dma_start3A_201] : memref<32x32x16xi32, #tpu.memory_space<hbm>> -> memref<1x32x16xi32, #tpu.memory_space<hbm>>
      %dma_start3A_203 = tpu.memref_squeeze %dma_start3A_202 : memref<1x32x16xi32, #tpu.memory_space<hbm>> -> memref<32x16xi32, #tpu.memory_space<hbm>>
      tpu.enqueue_dma source(%arg8 : memref<32x16xi32, #tpu.memory_space<vmem>>) target(%dma_start3A_203 : memref<32x16xi32, #tpu.memory_space<hbm>>) target_semaphore(%run_scoped3A : memref<!tpu.dma_semaphore, #tpu.memory_space<semaphore_mem>>)
      %dma_wait3A = arith.constant 0 : i32
      %dma_wait3A_204 = arith.constant 0 : i32
      %dma_wait3A_205 = tpu.memref_slice %arg5[%add3A, %dma_wait3A, %dma_wait3A_204] : memref<32x32x16xi32, #tpu.memory_space<hbm>> -> memref<1x32x16xi32, #tpu.memory_space<hbm>>
      %dma_wait3A_206 = tpu.memref_squeeze %dma_wait3A_205 : memref<1x32x16xi32, #tpu.memory_space<hbm>> -> memref<32x16xi32, #tpu.memory_space<hbm>>
      %dma_wait3A_207 = arith.constant 0 : i32
      %dma_wait3A_208 = arith.constant 0 : i32
      %dma_wait3A_209 = tpu.memref_slice %arg5[%add3A, %dma_wait3A_207, %dma_wait3A_208] : memref<32x32x16xi32, #tpu.memory_space<hbm>> -> memref<1x32x16xi32, #tpu.memory_space<hbm>>
      %dma_wait3A_210 = tpu.memref_squeeze %dma_wait3A_209 : memref<1x32x16xi32, #tpu.memory_space<hbm>> -> memref<32x16xi32, #tpu.memory_space<hbm>>
      tpu.wait_dma2 semaphore(%run_scoped3A : memref<!tpu.dma_semaphore, #tpu.memory_space<semaphore_mem>>) src(%arg8 : memref<32x16xi32, #tpu.memory_space<vmem>>) dst(%dma_wait3A_210 : memref<32x16xi32, #tpu.memory_space<hbm>>)
      tpu.yield
    }) : () -> ()
    return
  }
}

module attributes {stable_mosaic.version = 14 : i64} {
  func.func @_tc_loss_kernel(%arg0: memref<32x32x16xi32, #tpu.memory_space<vmem>>, %arg1: memref<1x1xf32, #tpu.memory_space<vmem>>) attributes {dimension_semantics = [], scalar_prefetch = 0 : i64, scratch_operands = 0 : i64, tpu.core_type = #tpu.core_type<tc>} {
    %get3A = arith.constant 0 : index
    %get3A_0 = arith.constant 0 : index
    %get3A_1 = arith.constant 0 : index
    %get3A_2 = vector.load %arg0[%get3A, %get3A_0, %get3A_1] : memref<32x32x16xi32, #tpu.memory_space<vmem>>, vector<32x32x16xi32>
    %convert_element_type3A = arith.sitofp %get3A_2 : vector<32x32x16xi32> to vector<32x32x16xf32>
    %reduce_sum3A = arith.constant dense<0.000000e+00> : vector<32x32xf32>
    %reduce_sum3A_3 = vector.multi_reduction <add>, %convert_element_type3A, %reduce_sum3A [2] : vector<32x32x16xf32> to vector<32x32xf32>
    %slice3A = vector.extract_strided_slice %reduce_sum3A_3 {offsets = [0, 0], sizes = [8, 32], strides = [1, 1]} : vector<32x32xf32> to vector<8x32xf32>
    %slice3A_4 = vector.extract_strided_slice %reduce_sum3A_3 {offsets = [8, 0], sizes = [8, 32], strides = [1, 1]} : vector<32x32xf32> to vector<8x32xf32>
    %add3A = arith.addf %slice3A, %slice3A_4 : vector<8x32xf32>
    %slice3A_5 = vector.extract_strided_slice %reduce_sum3A_3 {offsets = [16, 0], sizes = [8, 32], strides = [1, 1]} : vector<32x32xf32> to vector<8x32xf32>
    %slice3A_6 = vector.extract_strided_slice %reduce_sum3A_3 {offsets = [24, 0], sizes = [8, 32], strides = [1, 1]} : vector<32x32xf32> to vector<8x32xf32>
    %add3A_7 = arith.addf %slice3A_5, %slice3A_6 : vector<8x32xf32>
    %sub3A = arith.subf %add3A, %add3A_7 : vector<8x32xf32>
    %abs3A = math.absf %sub3A : vector<8x32xf32>
    %reduce_sum3A_8 = arith.constant dense<0.000000e+00> : vector<32xf32>
    %reduce_sum3A_9 = vector.multi_reduction <add>, %abs3A, %reduce_sum3A_8 [0] : vector<8x32xf32> to vector<32xf32>
    %broadcast_in_dim3A = vector.shape_cast %reduce_sum3A_9 : vector<32xf32> to vector<1x32xf32>
    %reduce_sum3A_10 = arith.constant dense<0.000000e+00> : vector<32xf32>
    %reduce_sum3A_11 = vector.multi_reduction <add>, %add3A, %reduce_sum3A_10 [0] : vector<8x32xf32> to vector<32xf32>
    %broadcast_in_dim3A_12 = vector.shape_cast %reduce_sum3A_11 : vector<32xf32> to vector<1x32xf32>
    %reduce_sum3A_13 = arith.constant dense<0.000000e+00> : vector<32xf32>
    %reduce_sum3A_14 = vector.multi_reduction <add>, %add3A_7, %reduce_sum3A_13 [0] : vector<8x32xf32> to vector<32xf32>
    %broadcast_in_dim3A_15 = vector.shape_cast %reduce_sum3A_14 : vector<32xf32> to vector<1x32xf32>
    %min3A = arith.minimumf %broadcast_in_dim3A_12, %broadcast_in_dim3A_15 : vector<1x32xf32>
    %mul3A = arith.constant 5.000000e-01 : f32
    %mul3A_16 = vector.broadcast %mul3A : f32 to vector<1x32xf32>
    %mul3A_17 = arith.mulf %mul3A_16, %min3A : vector<1x32xf32>
    %sub3A_18 = arith.subf %broadcast_in_dim3A, %mul3A_17 : vector<1x32xf32>
    %jit3A = arith.constant 0.000000e+00 : f32
    %jit3A_19 = arith.constant 1.474560e+05 : f32
    %max3A = vector.broadcast %jit3A : f32 to vector<1x32xf32>
    %max3A_20 = arith.maximumf %max3A, %sub3A_18 : vector<1x32xf32>
    %min3A_21 = vector.broadcast %jit3A_19 : f32 to vector<1x32xf32>
    %min3A_22 = arith.minimumf %min3A_21, %max3A_20 : vector<1x32xf32>
    %div3A = arith.constant 1.474560e+05 : f32
    %div3A_23 = vector.broadcast %div3A : f32 to vector<1x32xf32>
    %div3A_24 = arith.divf %min3A_22, %div3A_23 : vector<1x32xf32>
    %iota3A = tpu.iota {dimensions = array<i32: 1>} : vector<1x32xi32>
    %lt3A = arith.constant 24 : i32
    %lt3A_25 = vector.broadcast %lt3A : i32 to vector<1x32xi32>
    %lt3A_26 = arith.cmpi slt, %iota3A, %lt3A_25 : vector<1x32xi32>
    %jit3A_27 = arith.constant 0.000000e+00 : f32
    %broadcast_in_dim3A_28 = vector.broadcast %jit3A_27 : f32 to vector<1x32xf32>
    %select_n3A = arith.select %lt3A_26, %div3A_24, %broadcast_in_dim3A_28 : vector<1x32xi1>, vector<1x32xf32>
    %reduce_sum3A_29 = vector.shape_cast %select_n3A : vector<1x32xf32> to vector<1x1x32xf32>
    %reduce_sum3A_30 = arith.constant dense<0.000000e+00> : vector<1xf32>
    %reduce_sum3A_31 = vector.multi_reduction <add>, %reduce_sum3A_29, %reduce_sum3A_30 [1, 2] : vector<1x1x32xf32> to vector<1xf32>
    %reduce_sum3A_32 = vector.shape_cast %reduce_sum3A_31 : vector<1xf32> to vector<1x1x1xf32>
    %reduce_sum3A_33 = vector.extract %reduce_sum3A_32[0, 0, 0] : f32 from vector<1x1x1xf32>
    %broadcast_in_dim3A_34 = vector.broadcast %reduce_sum3A_33 : f32 to vector<1x1xf32>
    %div3A_35 = arith.constant 2.400000e+01 : f32
    %div3A_36 = vector.broadcast %div3A_35 : f32 to vector<1x1xf32>
    %div3A_37 = arith.divf %broadcast_in_dim3A_34, %div3A_36 : vector<1x1xf32>
    %swap3A = arith.constant 0 : index
    %swap3A_38 = arith.constant 0 : index
    %swap3A_39 = vector.load %arg1[%swap3A, %swap3A_38] : memref<1x1xf32, #tpu.memory_space<vmem>>, vector<1x1xf32>
    tpu.vector_store %arg1[%swap3A, %swap3A_38], %div3A_37 {strides = array<i32>} : memref<1x1xf32, #tpu.memory_space<vmem>>, vector<1x1xf32>,
    return
  }
}

</mosaic_0001>

<sc_bundles>
// kernel: kernel.4.cloned.1.call-start
scs
__scs_entry_jumppad:
0x0: {  	(pc) =	sbr.rel $0x88, $3  }
0x1: {  	(tag) =	ssettag $0x0;
	lr =	simm.s32 $0x1  }
0x2: {  	[smem:$0x3F9F] =	sst lr;
	_ =	strace $0xD0000000  }
0x3: {  	_ = 	snop  }
0x4: {  	_ = 	snop  }
0x5: {  	_ = 	snop  }
0x6: {  	_ = 	snop  }
0x7: {  	_ = 	snop  }
__scs_overlays_trampoline_lowered:
0x8: {  	[smem:$0x3FAE] =	sst s0  }
0x9: {  	[smem:$0x3FAF] =	sst s1  }
0xa: {  	[smem:$0x3FB0] =	sst s2  }
0xb: {  	[smem:$0x3FB1] =	sst s3  }
0xc: {  	[smem:$0x3FB2] =	sst s4  }
0xd: {  	[smem:$0x3FB3] =	sst s5  }
0xe: {  	[smem:$0x3FB4] =	sst s6  }
0xf: {  	[smem:$0x3FB5] =	sst s7  }
0x10: {  	[smem:$0x3FB6] =	sst s8  }
0x11: {  	[smem:$0x3FB7] =	sst s9;
	s0 =	simm.s32 @!p0 $0x0  }
0x12: {  	s1 =	sld [smem:$0x3F9D];
	s0 =	simm.s32 @p0 $0x1  }
0x13: {  	[smem:$0x3FB8] =	sst s0;
	s0 =	simm.s32 @!p1 $0x0  }
0x14: {  	s2 =	sld [smem:$0x3F9C];
	s0 =	simm.s32 @p1 $0x1  }
0x15: {  	[smem:$0x3FB9] =	sst s0;
	s0 =	simm.s32 @!p2 $0x0  }
0x16: {  	s3 =	sld [smem:$0x3FDB];
	s0 =	simm.s32 @p2 $0x1  }
0x17: {  	s4 =	simm.s32 $0x1BF5;
	[smem:$0x3FBB] =	sst s0  }
0x18: {  	s0 =	sld [smem:$0x3F9E];
	_ =	swait.ge [sflag:s4], $0x0  }
0x19: {  	s7 =	sld [smem:$0x3F9F]  }
0x1a: {  	s8 =	sadd.s32 $0xFFFFE003, lr  }
0x1b: {  	s9 =	sadd.s32 $0xFFFFFEF7, lr;
	s5 =	simm.s32 $0xFFFFFFFF;
	p2 =	slt.u32 s8, $0xFFFFF086  }
0x1c: {  	p1 =	slt.u32 s9, $0xF7A;
	s5 =	simm.s32 @!p2 $0x0  }
0x1d: {  	s5 =	simm.s32 @p1 $0x1;
	p0 =	seq.s32 s7, s2  }
0x1e: {  	s7 =	smul.u32 @!p0 $0xF7A, s2;
	p2 =	seq.s32 @!p0 s5, $0x0  }
0x1f: {  	s9 =	smul.u32 $0xF7A, s1;
	s8 =	simm.s32 @!p0 $0x1BF5;
	p2 =	por !p2, p0  }
0x20: {  	[sflag:s8] =	ssyncset.s32 @!p0 $0xFFFFF086;
	s6 =	sadd.s32 @!p0 s3, s7;
	s7 =	simm.s32 @!p0 $0x108  }
0x21: {  	s3 =	sadd.s32 s3, s9;
	s6 =	sadd.s32 @!p0 $0x88, s6;
	s7 =	simm.s32 @p2 $0x1082  }
0x22: {  	[simem:s7], [sflag:s8] =	dma.local @!p0 [hbm:s6], $0xF7A  }
0x23: {  	s9 =	sor.u32 $0xD0000000, s2;
	s6 =	simm.s32 $0x108;
	_ =	swait.ge @!p0 [sflag:s8], $0x0  }
0x24: {  	s3 =	sadd.s32 $0x88, s3;
	s6 =	simm.s32 @!p1 $0x1082;
	[sflag:s4] =	ssyncset.s32 $0xFFFFF086  }
0x25: {  	[simem:s6], [sflag:s4] =	dma.local [hbm:s3], $0xF7A  }
0x26: {  	[smem:$0x3F9F] =	sst s1;
	(tag) =	ssettag s2;
	_ =	strace s9  }
0x27: {  	s1 =	sld [smem:$0x3FAF]  }
0x28: {  	s2 =	sld [smem:$0x3FB0]  }
0x29: {  	s4 =	sld [smem:$0x3FB2]  }
0x2a: {  	p0 =	seq.s32 s5, $0x0;
	s5 =	sld [smem:$0x3FB3]  }
0x2b: {  	s6 =	sld [smem:$0x3FB4]  }
0x2c: {  	s7 =	sld [smem:$0x3FB5]  }
0x2d: {  	s3 =	simm.s32 $0x108;
	s8 =	sld [smem:$0x3FB6]  }
0x2e: {  	s3 =	simm.s32 @!p0 $0x1082;
	s9 =	sld [smem:$0x3FB7]  }
0x2f: {  	lr =	sadd.s32 s0, s3;
	s0 =	sld [smem:$0x3FAE]  }
0x30: {  	s3 =	sld [smem:$0x3FB1]  }
0x31: {  	[smem:$0x3FBA] =	sst s10  }
0x32: {  	s10 =	sld [smem:$0x3FB8];
	_ =	sdelay $0x3  }
0x33: {  	p0 =	seq.s32 s10, $0x1;
	s10 =	sld [smem:$0x3FBA];
	_ =	sdelay $0x3  }
0x34: {  	[smem:$0x3FBA] =	sst s10  }
0x35: {  	s10 =	sld [smem:$0x3FB9];
	_ =	sdelay $0x3  }
0x36: {  	p1 =	seq.s32 s10, $0x1;
	s10 =	sld [smem:$0x3FBA];
	_ =	sdelay $0x3  }
0x37: {  	[smem:$0x3FBA] =	sst s10  }
0x38: {  	s10 =	sld [smem:$0x3FBB]  }
0x39: {  	_ = 	snop;
	(pc) =	sbr.ind lr, $3  }
0x3a: {  	_ = 	snop  }
0x3b: {  	_ = 	snop  }
0x3c: {  	p2 =	seq.s32 s10, $0x1;
	s10 =	sld [smem:$0x3FBA]  }
0x3d: {  	_ =	shalt  }
0x3e: {  	_ =	shalt  }
0x3f: {  	_ =	shalt  }
0x40: {  	_ =	shalt  }
0x41: {  	_ =	shalt  }
0x42: {  	_ =	shalt  }
0x43: {  	_ =	shalt  }
0x44: {  	_ =	shalt  }
0x45: {  	_ =	shalt  }
0x46: {  	_ =	shalt  }
0x47: {  	_ =	shalt  }
0x48: {  	_ =	shalt  }
0x49: {  	_ =	shalt  }
0x4a: {  	_ =	shalt  }
0x4b: {  	_ =	shalt  }
0x4c: {  	_ =	shalt  }
0x4d: {  	_ =	shalt  }
0x4e: {  	_ =	shalt  }
0x4f: {  	_ =	shalt  }
0x50: {  	_ =	shalt  }
0x51: {  	_ =	shalt  }
0x52: {  	_ =	shalt  }
0x53: {  	_ =	shalt  }
0x54: {  	_ =	shalt  }
0x55: {  	_ =	shalt  }
0x56: {  	_ =	shalt  }
0x57: {  	_ =	shalt  }
0x58: {  	_ =	shalt  }
0x59: {  	_ =	shalt  }
0x5a: {  	_ =	shalt  }
0x5b: {  	_ =	shalt  }
0x5c: {  	_ =	shalt  }
0x5d: {  	_ =	shalt  }
0x5e: {  	_ =	shalt  }
0x5f: {  	_ =	shalt  }
0x60: {  	_ =	shalt  }
0x61: {  	_ =	shalt  }
0x62: {  	_ =	shalt  }
0x63: {  	_ =	shalt  }
0x64: {  	_ =	shalt  }
0x65: {  	_ =	shalt  }
0x66: {  	_ =	shalt  }
0x67: {  	_ =	shalt  }
0x68: {  	_ =	shalt  }
0x69: {  	_ =	shalt  }
0x6a: {  	_ =	shalt  }
0x6b: {  	_ =	shalt  }
0x6c: {  	_ =	shalt  }
0x6d: {  	_ =	shalt  }
0x6e: {  	_ =	shalt  }
0x6f: {  	_ =	shalt  }
0x70: {  	_ =	shalt  }
0x71: {  	_ =	shalt  }
0x72: {  	_ =	shalt  }
0x73: {  	_ =	shalt  }
0x74: {  	_ =	shalt  }
0x75: {  	_ =	shalt  }
0x76: {  	_ =	shalt  }
0x77: {  	_ =	shalt  }
0x78: {  	_ =	shalt  }
0x79: {  	_ =	shalt  }
0x7a: {  	_ =	shalt  }
0x7b: {  	_ =	shalt  }
0x7c: {  	_ =	shalt  }
0x7d: {  	_ =	shalt  }
0x7e: {  	_ =	shalt  }
0x7f: {  	_ =	shalt  }
0x80: {  	_ =	shalt  }
0x81: {  	_ =	shalt  }
0x82: {  	_ =	shalt  }
0x83: {  	_ =	shalt  }
0x84: {  	_ =	shalt  }
0x85: {  	_ =	shalt  }
0x86: {  	_ =	shalt  }
0x87: {  	_ =	shalt  }
.Lfunc_end0:
.L_simem_size_0:
called_computation_lowered:
.L_overlay_start_0:
0x88: {  	s2 =	sld [smem:$0x3FD9]  }
0x89: {  	s3 =	sld [smem:$0x3FFE];
	_ =	sdelay $0x1  }
0x8a: {  	s1 =	srdreg.scid  }
0x8b: {  	s0 =	sand.u32 $0x1, s1  }
0x8c: {  	s17 =	sshll.u32 s0, $0xA;
	s2 =	sadd.s32 s3, s2  }
0x8d: {  	s2 =	sadd.s32 s2, s17  }
0x8e: {  	[smem:$0x3FC6] =	sst s2  }
0x8f: {  	_ = 	snop  }
0x90: {  	s2 =	sld [smem:$0x3FD0];
	(tm) =	ssettm $0x1  }
0x91: {  	s18 =	sld [smem:$0x3FFB];
	_ =	sdelay $0x3  }
0x92: {  	_ =	strace s18  }
0x93: {  	s3 =	sld [smem:$0x3FFC];
	_ =	sdelay $0x3  }
0x94: {  	_ =	strace s3  }
0x95: {  	s3 =	sld [smem:$0x3FFD];
	_ =	sdelay $0x3  }
0x96: {  	_ =	strace s3  }
0x97: {  	_ =	strace $0x8FFFFFFF  }
0x98: {  	s19 =	sld [smem:$0x3FDB];
	_ =	sdelay $0x1  }
0x99: {  	s4 =	simm.s32 $_scs_section_size  }
0x9a: {  	s5 =	simm.s32 $_size__tile_overlayer_lowered;
	s6 =	simm.s32 $_tile_overlayer_lowered  }
0x9b: {  	s22 =	simm.s32 $0x1BFF;
	s21 =	sshll.u32 s6, $0x1;
	s3 =	sadd.s32 s4, s19  }
0x9c: {  	s7 =	simm.s32 $0x0;
	s20 =	sshll.u32 s5, $0x1;
	s5 =	sadd.s32 s21, s3  }
0x9d: {  	[timem:s7], [sflag:s22] =	dma.local [hbm:s5], s20  }
0x9e: {  	_ =	swait.ge [sflag:s22], s20  }
0x9f: {  	s4 =	ssub.s32 $0x0, s20;
	[sflag:s22] =	ssyncset.done $0x0  }
0xa0: {  	[sflag:s22] =	ssyncadd.s32 s4;
	_ =	sdelay $0x1  }
0xa1: {  	s23 =	simm.s32 $0x1B8B  }
0xa2: {  	_ =	swait.ge [sflag:s23], $0x1  }
0xa3: {  	[sflag:s23] =	ssyncset.done $0x0  }
0xa4: {  	s25 =	simm.s32 $0x1B8E;
	s24 =	sld [smem:$0x3FFE];
	[sflag:s23] =	ssyncadd.s32 $0xFFFFFFFF  }
0xa5: {  	s26 =	simm.s32 $execute0_lowered;
	[smem:$0x3FD2] =	sst s25  }
0xa6: {  	s5 =	sshll.u32 s26, $0x1;
	_ =	strace $0x80000046;
	[dreg:$0x1] =	wrdreg $0xFFFFFFFF  }
0xa7: {  	s28 =	simm.s32 $_size_execute0_lowered;
	s3 =	sadd.s32 s3, s5;
	[dreg:$0x0] =	wrdreg $0x0  }
0xa8: {  	s5 =	sshll.u32 s28, $0x1;
	[dreg:$0x2] =	wrdreg s3  }
0xa9: {  	[dreg:$0x3] =	wrdreg s5  }
0xaa: {  	[dreg:$0x4] =	wrdreg $0xC0  }
0xab: {  	_ =	task [dreg:s7], $0x5FFFF  }
0xac: {  	[dreg:$0x1] =	wrdreg $0xFFFFFFFF  }
0xad: {  	[dreg:$0x0] =	wrdreg $0x60  }
0xae: {  	[dreg:$0x2] =	wrdreg s24  }
0xaf: {  	[dreg:$0x3] =	wrdreg s2  }
0xb0: {  	[dreg:$0x4] =	wrdreg $0x9  }
0xb1: {  	_ =	task.clear_ibuf [dreg:s7], $0x5FFFF;
	_ =	strace $0x90000046  }
0xb2: {  	s29 =	simm.s32 $0x9;
	_ =	strace $0x80000048  }
0xb3: {  	_ =	swait.ge [sflag:s29], $0x1  }
0xb4: {  	[sflag:s29] =	ssyncadd.s32 $0xFFFFFFFF  }
0xb5: {  	_ =	strace $0x90000048  }
0xb6: {  	_ =	sfence  }
0xb7: {  	s30 =	sld [smem:$0x0];
	_ =	sdelay $0x2  }
0xb8: {  	s31 =	sshll.u32 s1, $0xD;
	s1 =	sshrl.u32 s1, $0x2  }
0xb9: {  	s3 =	sand.u32 $0x4000, s31;
	s1 =	sadd.s32 s1, s30  }
0xba: {  	s0 =	sor.u32 s3, s0;
	s1 =	sshll.u32 s1, $0x11  }
0xbb: {  	s0 =	sor.u32 s1, s0  }
0xbc: {  	s0 =	sadd.s32 $0x8F2B, s0  }
0xbd: {  	[sflag:s0] =	ssyncadd.remote.s32 $0x1  }
0xbe: {  	_ =	sfence.sel $0xFFFF  }
0xbf: {  	[dreg:$0x0] =	wrdreg $0xFFFFFFFF;
	(pc) =	sbr.abs _section_cstart, $3  }
0xc0: {  	[dreg:$0x1] =	wrdreg $0xFFFFFFFF  }
0xc1: {  	_ =	task.clear_ibuf [dreg:s7], $0x2FFFF;
	_ =	strace $0x9FFFFFFF  }
0xc2: {  	(tm) =	ssettm $0x7FFFFFFF  }
0xc3: {  	_ =	shalt  }
tec
execute0_lowered:
.L_overlay_start_1:
0x0: {  	(tag) =	ssettag $0x1  }
0x1: {  	s1 =	srdreg.scid;
	s0 =	stileid.u32  }
0x2: {  	s4 =	sand.u32 $0x1, s1;
	s23 =	sshll.u32 s0, $0x1;
	s5 =	sshrl.u32 s0, $0x3  }
0x3: {  	s6 =	sor.u32 s4, s23;
	s24 =	sshll.u32 s5, $0x4  }
0x4: {  	s1 =	simm.s32 $0x1;
	s3 =	ssub.s32 s6, s24;
	p0 =	sne.s32 s6, s24  }
0x5: {  	s2 =	sshra.s32 s3, $0x1F;
	s1 =	simm.s32 @!p0 $0x0  }
0x6: {  	s25 =	sand.u32 $0x7, s6;
	s1 =	sor.u32 s1, s2  }
0x7: {  	s7 =	sshrl.u32 s3, $0xC;
	p1 =	sne.s32 s25, $0x0;
	p6 =	sne.s32 s1, $0x1  }
0x8: {  	s26 =	sand.u32 $0x7, s7;
	p0 =	por !p1, !p6  }
0x9: {  	s2 =	simm.s32 $0x1;
	s1 =	sadd.s32 s26, s3;
	p0 =	por !p0, !p0  }
0xa: {  	s8 =	rddreg [dreg:$0x0];
	s1 =	sshra.s32 s1, $0x3;
	s2 =	simm.s32 @!p0 $0x0  }
0xb: {  	s4 =	ssub.s32 $0x2, s4;
	s5 =	sand.u32 $0x1, s5;
	s28 =	ssub.s32 s1, s2  }
0xc: {  	s6 =	sshll.u32 s6, $0x9;
	s10 =	sshrl.u32 s4, $0x1;
	s1 =	sshll.u32 s28, $0x3  }
0xd: {  	s6 =	sadd.s32 s6, s8;
	s7 =	smul.u32 $0xC0, s28;
	s9 =	ssub.s32 s3, s1  }
0xe: {  	s30 =	ssub.s32 s4, s10;
	s4 =	simm.s32 $0x1;
	s9 =	smul.u32 $0x180, s9  }
0xf: {  	s10 =	simm.s32 $0x0;
	p0 =	seq.s32 s5, $0x1;
	s2 =	rddreg [dreg:$0x1]  }
0x10: {  	s5 =	sadd.s32 $0x48A00, s6;
	s1 =	rddreg [dreg:$0x2];
	s7 =	sadd.s32 s7, s9  }
0x11: {  	s3 =	simm.s32 $0x0;
	s29 =	smul.u32 $0x180, s7;
	s7 =	simm.s32 $0x24A00  }
0x12: {  	s6 =	smax.u32 s30, $0x1;
	[smem:$0x7FF] =	sst s3;
	s7 =	simm.s32 @!p0 $0xA00  }
0x13: {  	_ =	strace $0x80000047;
	s31 =	sshrl.u32 s29, $0x3;
	s7 =	sadd.s32 s7, s8  }
0x14: {  	v0 =	vimm.s32 $0x0;
	v1 =	vlaneseq.u32;
	v2 =	vimm.s32 $0x1;
	s9 =	simm.s32 $0x12080;
	s8 =	simm.s32 $0x12000;
	s7 =	sadd.s32 s7, s31  }
.LBB2_1:
0x15: {  	[tilespmem:s8], [sflag:$0x1] =	stream.linear.gather [hbm4b:s2+s3], $0x80, $0x38;
	[tilespmem:$0x13080] =	vst v63  }
0x16: {  	_ =	swait.ge [sflag:s4], $0x80  }
0x17: {  	[sflag:s4] =	ssyncset.done $0x0  }
0x18: {  	[sflag:s4] =	ssyncadd.s32 $0xFFFFFF80  }
0x19: {  	[tilespmem:s3], [sflag:$0x1] =	stream.linear.gather [hbm4b:s7+s3], $0x12000, $0x38;
	[tilespmem:$0x13080] =	vst v63  }
0x1a: {  	_ =	swait.ge [sflag:s4], $0x12000  }
0x1b: {  	[sflag:s4] =	ssyncset.done $0x0  }
0x1c: {  	[sflag:s4] =	ssyncadd.s32 $0xFFFEE000  }
0x1d: {  	[tilespmem:$0x12080] =	vst v0  }
0x1e: {  	[tilespmem:$0x12100] =	vst v0  }
0x1f: {  	[tilespmem:$0x12180] =	vst v0  }
0x20: {  	[tilespmem:$0x12200] =	vst v0  }
0x21: {  	[tilespmem:$0x12280] =	vst v0  }
0x22: {  	[tilespmem:$0x12300] =	vst v0  }
0x23: {  	[tilespmem:$0x12380] =	vst v0  }
0x24: {  	[tilespmem:$0x12400] =	vst v0  }
0x25: {  	[tilespmem:$0x12480] =	vst v0  }
0x26: {  	[tilespmem:$0x12500] =	vst v0  }
0x27: {  	[tilespmem:$0x12580] =	vst v0  }
0x28: {  	[tilespmem:$0x12600] =	vst v0  }
0x29: {  	[tilespmem:$0x12680] =	vst v0  }
0x2a: {  	[tilespmem:$0x12700] =	vst v0  }
0x2b: {  	[tilespmem:$0x12780] =	vst v0  }
0x2c: {  	[tilespmem:$0x12800] =	vst v0  }
0x2d: {  	[tilespmem:$0x12880] =	vst v0  }
0x2e: {  	[tilespmem:$0x12900] =	vst v0  }
0x2f: {  	[tilespmem:$0x12980] =	vst v0  }
0x30: {  	[tilespmem:$0x12A00] =	vst v0  }
0x31: {  	[tilespmem:$0x12A80] =	vst v0  }
0x32: {  	[tilespmem:$0x12B00] =	vst v0  }
0x33: {  	[tilespmem:$0x12B80] =	vst v0  }
0x34: {  	[tilespmem:$0x12C00] =	vst v0  }
0x35: {  	[tilespmem:$0x12C80] =	vst v0  }
0x36: {  	[tilespmem:$0x12D00] =	vst v0  }
0x37: {  	[tilespmem:$0x12D80] =	vst v0  }
0x38: {  	[tilespmem:$0x12E00] =	vst v0  }
0x39: {  	[tilespmem:$0x12E80] =	vst v0  }
0x3a: {  	[tilespmem:$0x12F00] =	vst v0  }
0x3b: {  	[tilespmem:$0x12F80] =	vst v0  }
0x3c: {  	s13 =	simm.s32 $0x0;
	[tilespmem:$0x13000] =	vst v0  }
0x3d: {  	v3 =	vld [tilespmem:s13+$0x0];
	_ =	sdelay $0x4  }
0x3e: {  	v4 =	vmul.f32 $2.500000000e+01, v3;
	_ =	sdelay $0x1  }
0x3f: {  	v4 =	vadd.f32 $9.999999740e-06, v4;
	_ =	sdelay $0x1  }
0x40: {  	v4 =	vtrunc.f32 v4  }
0x41: {  	v4 =	vcvt.f32.s32 v4;
	_ =	sdelay $0x5  }
0x42: {  	v5 =	vld.idx.msk [tilespmem:v4+s8+$0x0], $0xffff;
	_ =	sdelay $0x4  }
0x43: {  	vm0 =	vlt.f32 v3, v5  }
0x44: {  	v3 =	vsel vm0, $0xFFFFFFFF, v0  }
0x45: {  	v3 =	vadd.s32 v3, v4  }
0x46: {  	v3 =	vshll.u32 v3, $0x7  }
0x47: {  	v3 =	vor.u32 v1, v3;
	_ =	sdelay $0x4  }
0x48: {  	[tilespmem:v3+s9+$0x0] =	vst.idx.add.s32.msk $0xffff, v2  }
0x49: {  	v3 =	vld [tilespmem:s13+$0x10];
	_ =	sdelay $0x4  }
0x4a: {  	v4 =	vmul.f32 $2.500000000e+01, v3;
	_ =	sdelay $0x1  }
0x4b: {  	v4 =	vadd.f32 $9.999999740e-06, v4;
	_ =	sdelay $0x1  }
0x4c: {  	v4 =	vtrunc.f32 v4  }
0x4d: {  	v4 =	vcvt.f32.s32 v4;
	_ =	sdelay $0x5  }
0x4e: {  	v5 =	vld.idx.msk [tilespmem:v4+s8+$0x0], $0xffff;
	_ =	sdelay $0x4  }
0x4f: {  	vm14 =	vlt.f32 v3, v5  }
0x50: {  	v3 =	vsel vm14, $0xFFFFFFFF, v0  }
0x51: {  	v3 =	vadd.s32 v3, v4  }
0x52: {  	v3 =	vshll.u32 v3, $0x7  }
0x53: {  	v3 =	vor.u32 v1, v3;
	_ =	sdelay $0x4  }
0x54: {  	[tilespmem:v3+s9+$0x0] =	vst.idx.add.s32.msk $0xffff, v2  }
0x55: {  	v3 =	vld [tilespmem:s13+$0x20];
	_ =	sdelay $0x4  }
0x56: {  	v4 =	vmul.f32 $2.500000000e+01, v3;
	_ =	sdelay $0x1  }
0x57: {  	v4 =	vadd.f32 $9.999999740e-06, v4;
	_ =	sdelay $0x1  }
0x58: {  	v4 =	vtrunc.f32 v4  }
0x59: {  	v4 =	vcvt.f32.s32 v4;
	_ =	sdelay $0x1  }
0x5a: {  	s11 =	simm.s32 $0x180  }
0x5b: {  	v5 =	vld [tilespmem:s11+$0x0];
	_ =	sdelay $0x2  }
0x5c: {  	v6 =	vld.idx.msk [tilespmem:v4+s8+$0x0], $0xffff;
	_ =	sdelay $0x1  }
0x5d: {  	v7 =	vmul.f32 $2.500000000e+01, v5;
	_ =	sdelay $0x1  }
0x5e: {  	v7 =	vadd.f32 $9.999999740e-06, v7  }
0x5f: {  	vm15 =	vlt.f32 v3, v6  }
0x60: {  	v3 =	vtrunc.f32 v7;
	v6 =	vsel vm15, $0xFFFFFFFF, v0  }
0x61: {  	v3 =	vcvt.f32.s32 v3;
	v4 =	vadd.s32 v6, v4  }
0x62: {  	v4 =	vshll.u32 v4, $0x7  }
0x63: {  	v4 =	vor.u32 v1, v4;
	_ =	sdelay $0x3  }
0x64: {  	v6 =	vld.idx.msk [tilespmem:v3+s8+$0x0], $0xffff  }
0x65: {  	[tilespmem:v4+s9+$0x0] =	vst.idx.add.s32.msk $0xffff, v2  }
0x66: {  	v4 =	vld [tilespmem:s13+$0x30];
	_ =	sdelay $0x2  }
0x67: {  	vm4 =	vlt.f32 v5, v6  }
0x68: {  	v5 =	vsel vm4, $0xFFFFFFFF, v0  }
0x69: {  	v3 =	vadd.s32 v5, v3;
	v5 =	vmul.f32 $2.500000000e+01, v4  }
0x6a: {  	v3 =	vshll.u32 v3, $0x7  }
0x6b: {  	v3 =	vor.u32 v1, v3;
	v5 =	vadd.f32 $9.999999740e-06, v5;
	_ =	sdelay $0x1  }
0x6c: {  	v5 =	vtrunc.f32 v5  }
0x6d: {  	v5 =	vcvt.f32.s32 v5;
	_ =	sdelay $0x1  }
0x6e: {  	[tilespmem:v3+s9+$0x0] =	vst.idx.add.s32.msk $0xffff, v2  }
0x6f: {  	v3 =	vld [tilespmem:s11+$0x10];
	_ =	sdelay $0x2  }
0x70: {  	v6 =	vld.idx.msk [tilespmem:v5+s8+$0x0], $0xffff;
	_ =	sdelay $0x1  }
0x71: {  	v7 =	vmul.f32 $2.500000000e+01, v3;
	_ =	sdelay $0x1  }
0x72: {  	v7 =	vadd.f32 $9.999999740e-06, v7  }
0x73: {  	vm5 =	vlt.f32 v4, v6  }
0x74: {  	v4 =	vtrunc.f32 v7;
	v6 =	vsel vm5, $0xFFFFFFFF, v0  }
0x75: {  	v4 =	vcvt.f32.s32 v4;
	v5 =	vadd.s32 v6, v5  }
0x76: {  	v5 =	vshll.u32 v5, $0x7  }
0x77: {  	v5 =	vor.u32 v1, v5;
	_ =	sdelay $0x3  }
0x78: {  	v6 =	vld.idx.msk [tilespmem:v4+s8+$0x0], $0xffff  }
0x79: {  	[tilespmem:v5+s9+$0x0] =	vst.idx.add.s32.msk $0xffff, v2  }
0x7a: {  	v5 =	vld [tilespmem:s13+$0x40];
	_ =	sdelay $0x2  }
0x7b: {  	vm6 =	vlt.f32 v3, v6  }
0x7c: {  	v3 =	vsel vm6, $0xFFFFFFFF, v0  }
0x7d: {  	v3 =	vadd.s32 v3, v4;
	v4 =	vmul.f32 $2.500000000e+01, v5  }
0x7e: {  	v3 =	vshll.u32 v3, $0x7  }
0x7f: {  	v3 =	vor.u32 v1, v3;
	v4 =	vadd.f32 $9.999999740e-06, v4;
	_ =	sdelay $0x1  }
0x80: {  	v4 =	vtrunc.f32 v4  }
0x81: {  	v4 =	vcvt.f32.s32 v4;
	_ =	sdelay $0x1  }
0x82: {  	[tilespmem:v3+s9+$0x0] =	vst.idx.add.s32.msk $0xffff, v2  }
0x83: {  	v3 =	vld [tilespmem:s11+$0x20];
	_ =	sdelay $0x2  }
0x84: {  	v6 =	vld.idx.msk [tilespmem:v4+s8+$0x0], $0xffff;
	_ =	sdelay $0x1  }
0x85: {  	v7 =	vmul.f32 $2.500000000e+01, v3;
	_ =	sdelay $0x1  }
0x86: {  	v7 =	vadd.f32 $9.999999740e-06, v7  }
0x87: {  	vm7 =	vlt.f32 v5, v6  }
0x88: {  	v5 =	vtrunc.f32 v7;
	v6 =	vsel vm7, $0xFFFFFFFF, v0  }
0x89: {  	v5 =	vcvt.f32.s32 v5;
	v4 =	vadd.s32 v6, v4  }
0x8a: {  	v4 =	vshll.u32 v4, $0x7  }
0x8b: {  	s12 =	simm.s32 $0x300;
	v4 =	vor.u32 v1, v4  }
0x8c: {  	v6 =	vld [tilespmem:s12+$0x0];
	_ =	sdelay $0x2  }
0x8d: {  	v7 =	vld.idx.msk [tilespmem:v5+s8+$0x0], $0xffff  }
0x8e: {  	[tilespmem:v4+s9+$0x0] =	vst.idx.add.s32.msk $0xffff, v2  }
0x8f: {  	v4 =	vmul.f32 $2.500000000e+01, v6;
	v8 =	vld [tilespmem:s13+$0x50];
	_ =	sdelay $0x1  }
0x90: {  	v4 =	vadd.f32 $9.999999740e-06, v4  }
0x91: {  	vm8 =	vlt.f32 v3, v7  }
0x92: {  	v3 =	vtrunc.f32 v4;
	v4 =	vsel vm8, $0xFFFFFFFF, v0  }
0x93: {  	v3 =	vcvt.f32.s32 v3;
	v4 =	vadd.s32 v4, v5;
	v5 =	vmul.f32 $2.500000000e+01, v8  }
0x94: {  	v4 =	vshll.u32 v4, $0x7  }
0x95: {  	v4 =	vor.u32 v1, v4;
	v5 =	vadd.f32 $9.999999740e-06, v5;
	_ =	sdelay $0x1  }
0x96: {  	v5 =	vtrunc.f32 v5  }
0x97: {  	v5 =	vcvt.f32.s32 v5  }
0x98: {  	v7 =	vld.idx.msk [tilespmem:v3+s8+$0x0], $0xffff  }
0x99: {  	[tilespmem:v4+s9+$0x0] =	vst.idx.add.s32.msk $0xffff, v2  }
0x9a: {  	v4 =	vld [tilespmem:s11+$0x30];
	_ =	sdelay $0x2  }
0x9b: {  	vm9 =	vlt.f32 v6, v7;
	v6 =	vld.idx.msk [tilespmem:v5+s8+$0x0], $0xffff  }
0x9c: {  	v7 =	vsel vm9, $0xFFFFFFFF, v0  }
0x9d: {  	v3 =	vadd.s32 v7, v3;
	v7 =	vmul.f32 $2.500000000e+01, v4  }
0x9e: {  	v3 =	vshll.u32 v3, $0x7  }
0x9f: {  	v3 =	vor.u32 v1, v3;
	v7 =	vadd.f32 $9.999999740e-06, v7  }
0xa0: {  	vm10 =	vlt.f32 v8, v6  }
0xa1: {  	v6 =	vtrunc.f32 v7;
	v7 =	vsel vm10, $0xFFFFFFFF, v0  }
0xa2: {  	v6 =	vcvt.f32.s32 v6;
	v5 =	vadd.s32 v7, v5  }
0xa3: {  	v5 =	vshll.u32 v5, $0x7  }
0xa4: {  	[tilespmem:v3+s9+$0x0] =	vst.idx.add.s32.msk $0xffff, v2;
	v3 =	vor.u32 v1, v5  }
0xa5: {  	v5 =	vld [tilespmem:s12+$0x10];
	_ =	sdelay $0x2  }
0xa6: {  	v7 =	vld.idx.msk [tilespmem:v6+s8+$0x0], $0xffff  }
0xa7: {  	[tilespmem:v3+s9+$0x0] =	vst.idx.add.s32.msk $0xffff, v2  }
0xa8: {  	v3 =	vmul.f32 $2.500000000e+01, v5;
	v8 =	vld [tilespmem:s13+$0x60];
	_ =	sdelay $0x1  }
0xa9: {  	v3 =	vadd.f32 $9.999999740e-06, v3  }
0xaa: {  	vm11 =	vlt.f32 v4, v7  }
0xab: {  	v3 =	vtrunc.f32 v3;
	v4 =	vsel vm11, $0xFFFFFFFF, v0  }
0xac: {  	v3 =	vcvt.f32.s32 v3;
	v4 =	vadd.s32 v4, v6;
	v6 =	vmul.f32 $2.500000000e+01, v8  }
0xad: {  	v4 =	vshll.u32 v4, $0x7  }
0xae: {  	v4 =	vor.u32 v1, v4;
	v6 =	vadd.f32 $9.999999740e-06, v6;
	_ =	sdelay $0x1  }
0xaf: {  	v6 =	vtrunc.f32 v6  }
0xb0: {  	v6 =	vcvt.f32.s32 v6  }
0xb1: {  	v7 =	vld.idx.msk [tilespmem:v3+s8+$0x0], $0xffff  }
0xb2: {  	[tilespmem:v4+s9+$0x0] =	vst.idx.add.s32.msk $0xffff, v2  }
0xb3: {  	v4 =	vld [tilespmem:s11+$0x40];
	_ =	sdelay $0x2  }
0xb4: {  	vm12 =	vlt.f32 v5, v7;
	v5 =	vld.idx.msk [tilespmem:v6+s8+$0x0], $0xffff  }
0xb5: {  	v7 =	vsel vm12, $0xFFFFFFFF, v0  }
0xb6: {  	v3 =	vadd.s32 v7, v3;
	v7 =	vmul.f32 $2.500000000e+01, v4  }
0xb7: {  	v3 =	vshll.u32 v3, $0x7  }
0xb8: {  	v3 =	vor.u32 v1, v3;
	v7 =	vadd.f32 $9.999999740e-06, v7  }
0xb9: {  	vm13 =	vlt.f32 v8, v5  }
0xba: {  	v7 =	vtrunc.f32 v7;
	v5 =	vsel vm13, $0xFFFFFFFF, v0  }
0xbb: {  	v5 =	vadd.s32 v5, v6;
	v6 =	vcvt.f32.s32 v7  }
0xbc: {  	v5 =	vshll.u32 v5, $0x7  }
0xbd: {  	[tilespmem:v3+s9+$0x0] =	vst.idx.add.s32.msk $0xffff, v2;
	v3 =	vor.u32 v1, v5  }
0xbe: {  	v5 =	vld [tilespmem:s12+$0x20];
	_ =	sdelay $0x2  }
0xbf: {  	v7 =	vld.idx.msk [tilespmem:v6+s8+$0x0], $0xffff  }
0xc0: {  	[tilespmem:v3+s9+$0x0] =	vst.idx.add.s32.msk $0xffff, v2  }
0xc1: {  	v3 =	vmul.f32 $2.500000000e+01, v5;
	v8 =	vld [tilespmem:s13+$0x70];
	_ =	sdelay $0x1  }
0xc2: {  	v3 =	vadd.f32 $9.999999740e-06, v3  }
0xc3: {  	vm14 =	vlt.f32 v4, v7  }
0xc4: {  	v3 =	vtrunc.f32 v3;
	v4 =	vsel vm14, $0xFFFFFFFF, v0  }
0xc5: {  	v3 =	vcvt.f32.s32 v3;
	v7 =	vmul.f32 $2.500000000e+01, v8;
	v4 =	vadd.s32 v4, v6  }
0xc6: {  	v4 =	vshll.u32 v4, $0x7  }
0xc7: {  	s14 =	simm.s32 $0x480;
	v6 =	vadd.f32 $9.999999740e-06, v7;
	v4 =	vor.u32 v1, v4  }
0xc8: {  	v7 =	vld [tilespmem:s14+$0x0]  }
0xc9: {  	v6 =	vtrunc.f32 v6  }
0xca: {  	v6 =	vcvt.f32.s32 v6  }
0xcb: {  	v9 =	vld.idx.msk [tilespmem:v3+s8+$0x0], $0xffff  }
0xcc: {  	[tilespmem:v4+s9+$0x0] =	vst.idx.add.s32.msk $0xffff, v2  }
0xcd: {  	v4 =	vmul.f32 $2.500000000e+01, v7;
	v10 =	vld [tilespmem:s11+$0x50];
	_ =	sdelay $0x1  }
0xce: {  	v4 =	vadd.f32 $9.999999740e-06, v4  }
0xcf: {  	vm15 =	vlt.f32 v5, v9;
	v5 =	vld.idx.msk [tilespmem:v6+s8+$0x0], $0xffff  }
0xd0: {  	v4 =	vtrunc.f32 v4;
	v9 =	vsel vm15, $0xFFFFFFFF, v0  }
0xd1: {  	v4 =	vcvt.f32.s32 v4;
	v3 =	vadd.s32 v9, v3;
	v9 =	vmul.f32 $2.500000000e+01, v10  }
0xd2: {  	v3 =	vshll.u32 v3, $0x7  }
0xd3: {  	v3 =	vor.u32 v1, v3;
	v9 =	vadd.f32 $9.999999740e-06, v9  }
0xd4: {  	vm4 =	vlt.f32 v8, v5  }
0xd5: {  	v5 =	vtrunc.f32 v9;
	v8 =	vsel vm4, $0xFFFFFFFF, v0  }
0xd6: {  	v5 =	vcvt.f32.s32 v5;
	v6 =	vadd.s32 v8, v6  }
0xd7: {  	v8 =	vld.idx.msk [tilespmem:v4+s8+$0x0], $0xffff;
	v6 =	vshll.u32 v6, $0x7  }
0xd8: {  	[tilespmem:v3+s9+$0x0] =	vst.idx.add.s32.msk $0xffff, v2;
	v3 =	vor.u32 v1, v6  }
0xd9: {  	v6 =	vld [tilespmem:s12+$0x30];
	_ =	sdelay $0x2  }
0xda: {  	vm5 =	vlt.f32 v7, v8;
	v7 =	vld.idx.msk [tilespmem:v5+s8+$0x0], $0xffff  }
0xdb: {  	v8 =	vsel vm5, $0xFFFFFFFF, v0;
	[tilespmem:v3+s9+$0x0] =	vst.idx.add.s32.msk $0xffff, v2  }
0xdc: {  	v3 =	vadd.s32 v8, v4;
	v4 =	vmul.f32 $2.500000000e+01, v6;
	v8 =	vld [tilespmem:s13+$0x80]  }
0xdd: {  	v3 =	vshll.u32 v3, $0x7  }
0xde: {  	v3 =	vor.u32 v1, v3;
	v4 =	vadd.f32 $9.999999740e-06, v4  }
0xdf: {  	vm6 =	vlt.f32 v10, v7  }
0xe0: {  	v4 =	vtrunc.f32 v4;
	v7 =	vsel vm6, $0xFFFFFFFF, v0  }
0xe1: {  	v4 =	vcvt.f32.s32 v4;
	v9 =	vmul.f32 $2.500000000e+01, v8;
	v5 =	vadd.s32 v7, v5  }
0xe2: {  	v5 =	vshll.u32 v5, $0x7  }
0xe3: {  	[tilespmem:v3+s9+$0x0] =	vst.idx.add.s32.msk $0xffff, v2;
	v3 =	vadd.f32 $9.999999740e-06, v9;
	v5 =	vor.u32 v1, v5  }
0xe4: {  	v7 =	vld [tilespmem:s14+$0x10]  }
0xe5: {  	v3 =	vtrunc.f32 v3  }
0xe6: {  	v3 =	vcvt.f32.s32 v3  }
0xe7: {  	v9 =	vld.idx.msk [tilespmem:v4+s8+$0x0], $0xffff  }
0xe8: {  	[tilespmem:v5+s9+$0x0] =	vst.idx.add.s32.msk $0xffff, v2  }
0xe9: {  	v5 =	vmul.f32 $2.500000000e+01, v7;
	v10 =	vld [tilespmem:s11+$0x60];
	_ =	sdelay $0x1  }
0xea: {  	v5 =	vadd.f32 $9.999999740e-06, v5  }
0xeb: {  	vm7 =	vlt.f32 v6, v9;
	v11 =	vld.idx.msk [tilespmem:v3+s8+$0x0], $0xffff  }
0xec: {  	v5 =	vtrunc.f32 v5;
	v6 =	vsel vm7, $0xFFFFFFFF, v0  }
0xed: {  	v5 =	vcvt.f32.s32 v5;
	v4 =	vadd.s32 v6, v4;
	v6 =	vmul.f32 $2.500000000e+01, v10  }
0xee: {  	v4 =	vshll.u32 v4, $0x7  }
0xef: {  	v4 =	vor.u32 v1, v4;
	v6 =	vadd.f32 $9.999999740e-06, v6  }
0xf0: {  	vm8 =	vlt.f32 v8, v11  }
0xf1: {  	v6 =	vtrunc.f32 v6;
	v8 =	vsel vm8, $0xFFFFFFFF, v0  }
0xf2: {  	v6 =	vcvt.f32.s32 v6;
	v3 =	vadd.s32 v8, v3  }
0xf3: {  	v8 =	vld.idx.msk [tilespmem:v5+s8+$0x0], $0xffff;
	v3 =	vshll.u32 v3, $0x7  }
0xf4: {  	[tilespmem:v4+s9+$0x0] =	vst.idx.add.s32.msk $0xffff, v2;
	v3 =	vor.u32 v1, v3  }
0xf5: {  	v4 =	vld [tilespmem:s12+$0x40];
	_ =	sdelay $0x2  }
0xf6: {  	vm9 =	vlt.f32 v7, v8;
	v7 =	vld.idx.msk [tilespmem:v6+s8+$0x0], $0xffff  }
0xf7: {  	v8 =	vsel vm9, $0xFFFFFFFF, v0;
	[tilespmem:v3+s9+$0x0] =	vst.idx.add.s32.msk $0xffff, v2  }
0xf8: {  	v3 =	vadd.s32 v8, v5;
	v8 =	vmul.f32 $2.500000000e+01, v4;
	v5 =	vld [tilespmem:s13+$0x90]  }
0xf9: {  	v3 =	vshll.u32 v3, $0x7  }
0xfa: {  	v3 =	vor.u32 v1, v3;
	v8 =	vadd.f32 $9.999999740e-06, v8  }
0xfb: {  	vm10 =	vlt.f32 v10, v7  }
0xfc: {  	v8 =	vtrunc.f32 v8;
	v7 =	vsel vm10, $0xFFFFFFFF, v0  }
0xfd: {  	v9 =	vmul.f32 $2.500000000e+01, v5;
	v6 =	vadd.s32 v7, v6;
	v7 =	vcvt.f32.s32 v8  }
0xfe: {  	v6 =	vshll.u32 v6, $0x7  }
0xff: {  	[tilespmem:v3+s9+$0x0] =	vst.idx.add.s32.msk $0xffff, v2;
	v3 =	vadd.f32 $9.999999740e-06, v9;
	v6 =	vor.u32 v1, v6  }
0x100: {  	v8 =	vld [tilespmem:s14+$0x20]  }
0x101: {  	v3 =	vtrunc.f32 v3  }
0x102: {  	v3 =	vcvt.f32.s32 v3  }
0x103: {  	v9 =	vld.idx.msk [tilespmem:v7+s8+$0x0], $0xffff  }
0x104: {  	[tilespmem:v6+s9+$0x0] =	vst.idx.add.s32.msk $0xffff, v2  }
0x105: {  	v6 =	vmul.f32 $2.500000000e+01, v8;
	v10 =	vld [tilespmem:s11+$0x70];
	_ =	sdelay $0x1  }
0x106: {  	v6 =	vadd.f32 $9.999999740e-06, v6  }
0x107: {  	v11 =	vld.idx.msk [tilespmem:v3+s8+$0x0], $0xffff;
	vm11 =	vlt.f32 v4, v9  }
0x108: {  	v4 =	vtrunc.f32 v6;
	v6 =	vsel vm11, $0xFFFFFFFF, v0  }
0x109: {  	v4 =	vcvt.f32.s32 v4;
	v9 =	vmul.f32 $2.500000000e+01, v10;
	v6 =	vadd.s32 v6, v7  }
0x10a: {  	v6 =	vshll.u32 v6, $0x7  }
0x10b: {  	s15 =	simm.s32 $0x600;
	v7 =	vadd.f32 $9.999999740e-06, v9;
	v6 =	vor.u32 v1, v6  }
0x10c: {  	v9 =	vld [tilespmem:s15+$0x0];
	vm12 =	vlt.f32 v5, v11  }
0x10d: {  	v5 =	vsel vm12, $0xFFFFFFFF, v0;
	v7 =	vtrunc.f32 v7  }
0x10e: {  	v3 =	vadd.s32 v5, v3;
	v5 =	vcvt.f32.s32 v7  }
0x10f: {  	v7 =	vld.idx.msk [tilespmem:v4+s8+$0x0], $0xffff;
	v3 =	vshll.u32 v3, $0x7  }
0x110: {  	v3 =	vor.u32 v1, v3;
	[tilespmem:v6+s9+$0x0] =	vst.idx.add.s32.msk $0xffff, v2  }
0x111: {  	v6 =	vmul.f32 $2.500000000e+01, v9;
	v11 =	vld [tilespmem:s12+$0x50];
	_ =	sdelay $0x1  }
0x112: {  	v6 =	vadd.f32 $9.999999740e-06, v6  }
0x113: {  	vm13 =	vlt.f32 v8, v7;
	v7 =	vld.idx.msk [tilespmem:v5+s8+$0x0], $0xffff  }
0x114: {  	v6 =	vtrunc.f32 v6;
	v8 =	vsel vm13, $0xFFFFFFFF, v0;
	[tilespmem:v3+s9+$0x0] =	vst.idx.add.s32.msk $0xffff, v2  }
0x115: {  	v3 =	vcvt.f32.s32 v6;
	v4 =	vadd.s32 v8, v4;
	v6 =	vld [tilespmem:s13+$0xA0];
	v8 =	vmul.f32 $2.500000000e+01, v11  }
0x116: {  	v4 =	vshll.u32 v4, $0x7  }
0x117: {  	v4 =	vor.u32 v1, v4;
	v8 =	vadd.f32 $9.999999740e-06, v8  }
0x118: {  	vm14 =	vlt.f32 v10, v7  }
0x119: {  	v7 =	vtrunc.f32 v8;
	v8 =	vsel vm14, $0xFFFFFFFF, v0  }
0x11a: {  	v10 =	vmul.f32 $2.500000000e+01, v6;
	v7 =	vcvt.f32.s32 v7;
	v5 =	vadd.s32 v8, v5  }
0x11b: {  	v8 =	vld.idx.msk [tilespmem:v3+s8+$0x0], $0xffff;
	v5 =	vshll.u32 v5, $0x7  }
0x11c: {  	[tilespmem:v4+s9+$0x0] =	vst.idx.add.s32.msk $0xffff, v2;
	v4 =	vadd.f32 $9.999999740e-06, v10;
	v5 =	vor.u32 v1, v5  }
0x11d: {  	v10 =	vld [tilespmem:s14+$0x30]  }
0x11e: {  	v4 =	vtrunc.f32 v4  }
0x11f: {  	v4 =	vcvt.f32.s32 v4  }
0x120: {  	vm15 =	vlt.f32 v9, v8;
	v8 =	vld.idx.msk [tilespmem:v7+s8+$0x0], $0xffff  }
0x121: {  	v9 =	vsel vm15, $0xFFFFFFFF, v0;
	[tilespmem:v5+s9+$0x0] =	vst.idx.add.s32.msk $0xffff, v2  }
0x122: {  	v3 =	vadd.s32 v9, v3;
	v5 =	vmul.f32 $2.500000000e+01, v10;
	v9 =	vld [tilespmem:s11+$0x80]  }
0x123: {  	v3 =	vshll.u32 v3, $0x7  }
0x124: {  	v3 =	vor.u32 v1, v3;
	v5 =	vadd.f32 $9.999999740e-06, v5  }
0x125: {  	v12 =	vld.idx.msk [tilespmem:v4+s8+$0x0], $0xffff;
	vm4 =	vlt.f32 v11, v8  }
0x126: {  	v5 =	vtrunc.f32 v5;
	v8 =	vsel vm4, $0xFFFFFFFF, v0  }
0x127: {  	v5 =	vcvt.f32.s32 v5;
	v11 =	vmul.f32 $2.500000000e+01, v9;
	v7 =	vadd.s32 v8, v7  }
0x128: {  	v7 =	vshll.u32 v7, $0x7  }
0x129: {  	[tilespmem:v3+s9+$0x0] =	vst.idx.add.s32.msk $0xffff, v2;
	v3 =	vadd.f32 $9.999999740e-06, v11;
	v7 =	vor.u32 v1, v7  }
0x12a: {  	v8 =	vld [tilespmem:s15+$0x10];
	vm5 =	vlt.f32 v6, v12  }
0x12b: {  	v3 =	vtrunc.f32 v3;
	v6 =	vsel vm5, $0xFFFFFFFF, v0  }
0x12c: {  	v3 =	vcvt.f32.s32 v3;
	v4 =	vadd.s32 v6, v4  }
0x12d: {  	v6 =	vld.idx.msk [tilespmem:v5+s8+$0x0], $0xffff;
	v4 =	vshll.u32 v4, $0x7  }
0x12e: {  	v4 =	vor.u32 v1, v4;
	[tilespmem:v7+s9+$0x0] =	vst.idx.add.s32.msk $0xffff, v2  }
0x12f: {  	v7 =	vmul.f32 $2.500000000e+01, v8;
	v11 =	vld [tilespmem:s12+$0x60];
	_ =	sdelay $0x1  }
0x130: {  	v7 =	vadd.f32 $9.999999740e-06, v7  }
0x131: {  	vm6 =	vlt.f32 v10, v6;
	v12 =	vld.idx.msk [tilespmem:v3+s8+$0x0], $0xffff  }
0x132: {  	v6 =	vtrunc.f32 v7;
	[tilespmem:v4+s9+$0x0] =	vst.idx.add.s32.msk $0xffff, v2;
	v4 =	vsel vm6, $0xFFFFFFFF, v0  }
0x133: {  	v6 =	vcvt.f32.s32 v6;
	v7 =	vld [tilespmem:s13+$0xB0];
	v4 =	vadd.s32 v4, v5;
	v5 =	vmul.f32 $2.500000000e+01, v11  }
0x134: {  	v4 =	vshll.u32 v4, $0x7  }
0x135: {  	v4 =	vor.u32 v1, v4;
	v5 =	vadd.f32 $9.999999740e-06, v5  }
0x136: {  	vm7 =	vlt.f32 v9, v12  }
0x137: {  	v5 =	vtrunc.f32 v5;
	v9 =	vsel vm7, $0xFFFFFFFF, v0  }
0x138: {  	v10 =	vmul.f32 $2.500000000e+01, v7;
	v5 =	vcvt.f32.s32 v5;
	v3 =	vadd.s32 v9, v3  }
0x139: {  	v9 =	vld.idx.msk [tilespmem:v6+s8+$0x0], $0xffff;
	v3 =	vshll.u32 v3, $0x7  }
0x13a: {  	v10 =	vadd.f32 $9.999999740e-06, v10;
	[tilespmem:v4+s9+$0x0] =	vst.idx.add.s32.msk $0xffff, v2;
	v3 =	vor.u32 v1, v3  }
0x13b: {  	v4 =	vld [tilespmem:s14+$0x40]  }
0x13c: {  	v10 =	vtrunc.f32 v10  }
0x13d: {  	v10 =	vcvt.f32.s32 v10  }
0x13e: {  	vm8 =	vlt.f32 v8, v9;
	v8 =	vld.idx.msk [tilespmem:v5+s8+$0x0], $0xffff  }
0x13f: {  	v9 =	vsel vm8, $0xFFFFFFFF, v0;
	[tilespmem:v3+s9+$0x0] =	vst.idx.add.s32.msk $0xffff, v2  }
0x140: {  	v3 =	vadd.s32 v9, v6;
	v6 =	vld [tilespmem:s11+$0x90];
	v9 =	vmul.f32 $2.500000000e+01, v4  }
0x141: {  	v3 =	vshll.u32 v3, $0x7  }
0x142: {  	v3 =	vor.u32 v1, v3;
	v9 =	vadd.f32 $9.999999740e-06, v9  }
0x143: {  	v12 =	vld.idx.msk [tilespmem:v10+s8+$0x0], $0xffff;
	vm9 =	vlt.f32 v11, v8  }
0x144: {  	v8 =	vsel vm9, $0xFFFFFFFF, v0;
	v9 =	vtrunc.f32 v9  }
0x145: {  	v11 =	vmul.f32 $2.500000000e+01, v6;
	v5 =	vadd.s32 v8, v5;
	v8 =	vcvt.f32.s32 v9  }
0x146: {  	v5 =	vshll.u32 v5, $0x7  }
0x147: {  	[tilespmem:v3+s9+$0x0] =	vst.idx.add.s32.msk $0xffff, v2;
	v3 =	vadd.f32 $9.999999740e-06, v11;
	v5 =	vor.u32 v1, v5  }
0x148: {  	v9 =	vld [tilespmem:s15+$0x20];
	vm10 =	vlt.f32 v7, v12  }
0x149: {  	v3 =	vtrunc.f32 v3;
	v7 =	vsel vm10, $0xFFFFFFFF, v0  }
0x14a: {  	v3 =	vcvt.f32.s32 v3;
	v7 =	vadd.s32 v7, v10  }
0x14b: {  	v7 =	vshll.u32 v7, $0x7;
	v10 =	vld.idx.msk [tilespmem:v8+s8+$0x0], $0xffff  }
0x14c: {  	v7 =	vor.u32 v1, v7;
	[tilespmem:v5+s9+$0x0] =	vst.idx.add.s32.msk $0xffff, v2  }
0x14d: {  	v5 =	vmul.f32 $2.500000000e+01, v9;
	v11 =	vld [tilespmem:s12+$0x70];
	_ =	sdelay $0x1  }
0x14e: {  	v5 =	vadd.f32 $9.999999740e-06, v5  }
0x14f: {  	v12 =	vld.idx.msk [tilespmem:v3+s8+$0x0], $0xffff;
	vm11 =	vlt.f32 v4, v10  }
0x150: {  	v4 =	vtrunc.f32 v5;
	[tilespmem:v7+s9+$0x0] =	vst.idx.add.s32.msk $0xffff, v2;
	v5 =	vsel vm11, $0xFFFFFFFF, v0  }
0x151: {  	v4 =	vcvt.f32.s32 v4;
	v7 =	vld [tilespmem:s13+$0xC0];
	v10 =	vmul.f32 $2.500000000e+01, v11;
	v5 =	vadd.s32 v5, v8  }
0x152: {  	v5 =	vshll.u32 v5, $0x7  }
0x153: {  	s16 =	simm.s32 $0x780;
	v8 =	vadd.f32 $9.999999740e-06, v10;
	v5 =	vor.u32 v1, v5  }
0x154: {  	v10 =	vld [tilespmem:s16+$0x0];
	vm12 =	vlt.f32 v6, v12  }
0x155: {  	v6 =	vsel vm12, $0xFFFFFFFF, v0;
	v8 =	vtrunc.f32 v8  }
0x156: {  	v12 =	vmul.f32 $2.500000000e+01, v7;
	v3 =	vadd.s32 v6, v3;
	v6 =	vcvt.f32.s32 v8  }
0x157: {  	v8 =	vld.idx.msk [tilespmem:v4+s8+$0x0], $0xffff;
	v3 =	vshll.u32 v3, $0x7  }
0x158: {  	v12 =	vadd.f32 $9.999999740e-06, v12;
	v3 =	vor.u32 v1, v3;
	[tilespmem:v5+s9+$0x0] =	vst.idx.add.s32.msk $0xffff, v2  }
0x159: {  	v5 =	vmul.f32 $2.500000000e+01, v10;
	v13 =	vld [tilespmem:s14+$0x50]  }
0x15a: {  	v12 =	vtrunc.f32 v12  }
0x15b: {  	v5 =	vadd.f32 $9.999999740e-06, v5;
	v12 =	vcvt.f32.s32 v12  }
0x15c: {  	vm13 =	vlt.f32 v9, v8;
	v8 =	vld.idx.msk [tilespmem:v6+s8+$0x0], $0xffff  }
0x15d: {  	v5 =	vtrunc.f32 v5;
	v9 =	vsel vm13, $0xFFFFFFFF, v0;
	[tilespmem:v3+s9+$0x0] =	vst.idx.add.s32.msk $0xffff, v2  }
0x15e: {  	v3 =	vcvt.f32.s32 v5;
	v4 =	vadd.s32 v9, v4;
	v5 =	vld [tilespmem:s11+$0xA0];
	v9 =	vmul.f32 $2.500000000e+01, v13  }
0x15f: {  	v4 =	vshll.u32 v4, $0x7  }
0x160: {  	v4 =	vor.u32 v1, v4;
	v9 =	vadd.f32 $9.999999740e-06, v9  }
0x161: {  	v14 =	vld.idx.msk [tilespmem:v12+s8+$0x0], $0xffff;
	vm14 =	vlt.f32 v11, v8  }
0x162: {  	v8 =	vtrunc.f32 v9;
	v9 =	vsel vm14, $0xFFFFFFFF, v0  }
0x163: {  	v11 =	vmul.f32 $2.500000000e+01, v5;
	v8 =	vcvt.f32.s32 v8;
	v6 =	vadd.s32 v9, v6  }
0x164: {  	v9 =	vld.idx.msk [tilespmem:v3+s8+$0x0], $0xffff;
	v6 =	vshll.u32 v6, $0x7  }
0x165: {  	[tilespmem:v4+s9+$0x0] =	vst.idx.add.s32.msk $0xffff, v2;
	v4 =	vadd.f32 $9.999999740e-06, v11;
	v6 =	vor.u32 v1, v6  }
0x166: {  	v11 =	vld [tilespmem:s15+$0x30];
	vm15 =	vlt.f32 v7, v14  }
0x167: {  	v7 =	vsel vm15, $0xFFFFFFFF, v0;
	v4 =	vtrunc.f32 v4  }
0x168: {  	v7 =	vadd.s32 v7, v12;
	v4 =	vcvt.f32.s32 v4  }
0x169: {  	vm4 =	vlt.f32 v10, v9;
	v7 =	vshll.u32 v7, $0x7;
	v9 =	vld.idx.msk [tilespmem:v8+s8+$0x0], $0xffff  }
0x16a: {  	v10 =	vsel vm4, $0xFFFFFFFF, v0;
	v7 =	vor.u32 v1, v7;
	[tilespmem:v6+s9+$0x0] =	vst.idx.add.s32.msk $0xffff, v2  }
0x16b: {  	v3 =	vadd.s32 v10, v3;
	v6 =	vmul.f32 $2.500000000e+01, v11;
	v10 =	vld [tilespmem:s12+$0x80]  }
0x16c: {  	v3 =	vshll.u32 v3, $0x7  }
0x16d: {  	v3 =	vor.u32 v1, v3;
	v6 =	vadd.f32 $9.999999740e-06, v6  }
0x16e: {  	v12 =	vld.idx.msk [tilespmem:v4+s8+$0x0], $0xffff;
	vm5 =	vlt.f32 v13, v9  }
0x16f: {  	v6 =	vtrunc.f32 v6;
	[tilespmem:v7+s9+$0x0] =	vst.idx.add.s32.msk $0xffff, v2;
	v7 =	vsel vm5, $0xFFFFFFFF, v0  }
0x170: {  	v6 =	vcvt.f32.s32 v6;
	v9 =	vld [tilespmem:s13+$0xD0];
	v13 =	vmul.f32 $2.500000000e+01, v10;
	v7 =	vadd.s32 v7, v8  }
0x171: {  	v7 =	vshll.u32 v7, $0x7  }
0x172: {  	[tilespmem:v3+s9+$0x0] =	vst.idx.add.s32.msk $0xffff, v2;
	v3 =	vadd.f32 $9.999999740e-06, v13;
	v7 =	vor.u32 v1, v7  }
0x173: {  	v8 =	vld [tilespmem:s16+$0x10];
	vm6 =	vlt.f32 v5, v12  }
0x174: {  	v3 =	vtrunc.f32 v3;
	v5 =	vsel vm6, $0xFFFFFFFF, v0  }
0x175: {  	v12 =	vmul.f32 $2.500000000e+01, v9;
	v3 =	vcvt.f32.s32 v3;
	v4 =	vadd.s32 v5, v4  }
0x176: {  	v5 =	vld.idx.msk [tilespmem:v6+s8+$0x0], $0xffff;
	v4 =	vshll.u32 v4, $0x7  }
0x177: {  	v12 =	vadd.f32 $9.999999740e-06, v12;
	v4 =	vor.u32 v1, v4;
	[tilespmem:v7+s9+$0x0] =	vst.idx.add.s32.msk $0xffff, v2  }
0x178: {  	v7 =	vmul.f32 $2.500000000e+01, v8;
	v13 =	vld [tilespmem:s14+$0x60]  }
0x179: {  	v12 =	vtrunc.f32 v12  }
0x17a: {  	v7 =	vadd.f32 $9.999999740e-06, v7;
	v12 =	vcvt.f32.s32 v12  }
0x17b: {  	vm7 =	vlt.f32 v11, v5;
	v14 =	vld.idx.msk [tilespmem:v3+s8+$0x0], $0xffff  }
0x17c: {  	v5 =	vtrunc.f32 v7;
	[tilespmem:v4+s9+$0x0] =	vst.idx.add.s32.msk $0xffff, v2;
	v4 =	vsel vm7, $0xFFFFFFFF, v0  }
0x17d: {  	v5 =	vcvt.f32.s32 v5;
	v7 =	vld [tilespmem:s11+$0xB0];
	v4 =	vadd.s32 v4, v6;
	v6 =	vmul.f32 $2.500000000e+01, v13;
	_ =	sdelay $0x1  }
0x17e: {  	v4 =	vshll.u32 v4, $0x7;
	v6 =	vadd.f32 $9.999999740e-06, v6  }
0x17f: {  	v4 =	vor.u32 v1, v4;
	v11 =	vld.idx.msk [tilespmem:v12+s8+$0x0], $0xffff;
	vm8 =	vlt.f32 v10, v14  }
0x180: {  	v6 =	vtrunc.f32 v6;
	v10 =	vsel vm8, $0xFFFFFFFF, v0  }
0x181: {  	v14 =	vmul.f32 $2.500000000e+01, v7;
	v6 =	vcvt.f32.s32 v6;
	v3 =	vadd.s32 v10, v3  }
0x182: {  	v10 =	vld.idx.msk [tilespmem:v5+s8+$0x0], $0xffff;
	v3 =	vshll.u32 v3, $0x7  }
0x183: {  	v14 =	vadd.f32 $9.999999740e-06, v14;
	v3 =	vor.u32 v1, v3  }
0x184: {  	[tilespmem:v4+s9+$0x0] =	vst.idx.add.s32.msk $0xffff, v2;
	vm9 =	vlt.f32 v9, v11  }
0x185: {  	v4 =	vld [tilespmem:s15+$0x40];
	v9 =	vtrunc.f32 v14;
	v11 =	vsel vm9, $0xFFFFFFFF, v0  }
0x186: {  	v9 =	vcvt.f32.s32 v9;
	v11 =	vadd.s32 v11, v12  }
0x187: {  	vm10 =	vlt.f32 v8, v10;
	v8 =	vshll.u32 v11, $0x7;
	v10 =	vld.idx.msk [tilespmem:v6+s8+$0x0], $0xffff  }
0x188: {  	v11 =	vsel vm10, $0xFFFFFFFF, v0;
	v8 =	vor.u32 v1, v8;
	[tilespmem:v3+s9+$0x0] =	vst.idx.add.s32.msk $0xffff, v2  }
0x189: {  	v3 =	vadd.s32 v11, v5;
	v5 =	vld [tilespmem:s12+$0x90]  }
0x18a: {  	v11 =	vmul.f32 $2.500000000e+01, v4;
	v3 =	vshll.u32 v3, $0x7  }
0x18b: {  	v3 =	vor.u32 v1, v3  }
0x18c: {  	v11 =	vadd.f32 $9.999999740e-06, v11;
	v12 =	vld.idx.msk [tilespmem:v9+s8+$0x0], $0xffff  }
0x18d: {  	vm11 =	vlt.f32 v13, v10;
	[tilespmem:v8+s9+$0x0] =	vst.idx.add.s32.msk $0xffff, v2  }
0x18e: {  	v8 =	vsel vm11, $0xFFFFFFFF, v0;
	v10 =	vtrunc.f32 v11;
	v11 =	vld [tilespmem:s13+$0xE0];
	v13 =	vmul.f32 $2.500000000e+01, v5  }
0x18f: {  	v6 =	vadd.s32 v8, v6;
	v8 =	vcvt.f32.s32 v10  }
0x190: {  	v6 =	vshll.u32 v6, $0x7;
	[tilespmem:v3+s9+$0x0] =	vst.idx.add.s32.msk $0xffff, v2;
	v3 =	vadd.f32 $9.999999740e-06, v13  }
0x191: {  	v6 =	vor.u32 v1, v6;
	v10 =	vld [tilespmem:s16+$0x20];
	vm12 =	vlt.f32 v7, v12  }
0x192: {  	v3 =	vtrunc.f32 v3;
	v7 =	vsel vm12, $0xFFFFFFFF, v0  }
0x193: {  	v12 =	vmul.f32 $2.500000000e+01, v11;
	v3 =	vcvt.f32.s32 v3;
	v7 =	vadd.s32 v7, v9  }
0x194: {  	v7 =	vshll.u32 v7, $0x7  }
0x195: {  	v9 =	vld.idx.msk [tilespmem:v8+s8+$0x0], $0xffff;
	v12 =	vadd.f32 $9.999999740e-06, v12;
	v7 =	vor.u32 v1, v7  }
0x196: {  	[tilespmem:v6+s9+$0x0] =	vst.idx.add.s32.msk $0xffff, v2;
	v6 =	vmul.f32 $2.500000000e+01, v10  }
0x197: {  	v13 =	vld [tilespmem:s14+$0x70];
	v12 =	vtrunc.f32 v12  }
0x198: {  	v6 =	vadd.f32 $9.999999740e-06, v6;
	v12 =	vcvt.f32.s32 v12  }
0x199: {  	v14 =	vld.idx.msk [tilespmem:v3+s8+$0x0], $0xffff  }
0x19a: {  	vm13 =	vlt.f32 v4, v9;
	v4 =	vtrunc.f32 v6;
	[tilespmem:v7+s9+$0x0] =	vst.idx.add.s32.msk $0xffff, v2  }
0x19b: {  	v6 =	vsel vm13, $0xFFFFFFFF, v0;
	v4 =	vcvt.f32.s32 v4;
	v7 =	vld [tilespmem:s11+$0xC0]  }
0x19c: {  	s17 =	simm.s32 $0x900;
	v9 =	vmul.f32 $2.500000000e+01, v13;
	v6 =	vadd.s32 v6, v8  }
0x19d: {  	v8 =	vld [tilespmem:s17+$0x0];
	v6 =	vshll.u32 v6, $0x7  }
0x19e: {  	v9 =	vadd.f32 $9.999999740e-06, v9;
	v6 =	vor.u32 v1, v6;
	v15 =	vld.idx.msk [tilespmem:v12+s8+$0x0], $0xffff  }
0x19f: {  	vm14 =	vlt.f32 v5, v14  }
0x1a0: {  	v5 =	vsel vm14, $0xFFFFFFFF, v0;
	v9 =	vtrunc.f32 v9;
	v14 =	vmul.f32 $2.500000000e+01, v7  }
0x1a1: {  	v3 =	vadd.s32 v5, v3;
	v5 =	vcvt.f32.s32 v9;
	v9 =	vld.idx.msk [tilespmem:v4+s8+$0x0], $0xffff  }
0x1a2: {  	v3 =	vshll.u32 v3, $0x7;
	v14 =	vadd.f32 $9.999999740e-06, v14  }
0x1a3: {  	v3 =	vor.u32 v1, v3;
	[tilespmem:v6+s9+$0x0] =	vst.idx.add.s32.msk $0xffff, v2;
	v6 =	vmul.f32 $2.500000000e+01, v8;
	vm15 =	vlt.f32 v11, v15  }
0x1a4: {  	v11 =	vld [tilespmem:s15+$0x50];
	v14 =	vtrunc.f32 v14;
	v15 =	vsel vm15, $0xFFFFFFFF, v0  }
0x1a5: {  	v6 =	vadd.f32 $9.999999740e-06, v6;
	v14 =	vcvt.f32.s32 v14;
	v12 =	vadd.s32 v15, v12  }
0x1a6: {  	vm4 =	vlt.f32 v10, v9;
	v9 =	vshll.u32 v12, $0x7  }
0x1a7: {  	v10 =	vld.idx.msk [tilespmem:v5+s8+$0x0], $0xffff;
	v6 =	vtrunc.f32 v6;
	v9 =	vor.u32 v1, v9  }
0x1a8: {  	v12 =	vsel vm4, $0xFFFFFFFF, v0;
	[tilespmem:v3+s9+$0x0] =	vst.idx.add.s32.msk $0xffff, v2;
	v3 =	vcvt.f32.s32 v6  }
0x1a9: {  	v4 =	vadd.s32 v12, v4;
	v6 =	vld [tilespmem:s12+$0xA0];
	v12 =	vmul.f32 $2.500000000e+01, v11  }
0x1aa: {  	v4 =	vshll.u32 v4, $0x7  }
0x1ab: {  	v4 =	vor.u32 v1, v4;
	v12 =	vadd.f32 $9.999999740e-06, v12;
	v15 =	vld.idx.msk [tilespmem:v14+s8+$0x0], $0xffff  }
0x1ac: {  	vm5 =	vlt.f32 v13, v10;
	[tilespmem:v9+s9+$0x0] =	vst.idx.add.s32.msk $0xffff, v2  }
0x1ad: {  	v9 =	vtrunc.f32 v12;
	v10 =	vsel vm5, $0xFFFFFFFF, v0;
	v12 =	vld [tilespmem:s13+$0xF0]  }
0x1ae: {  	v13 =	vmul.f32 $2.500000000e+01, v6;
	v9 =	vcvt.f32.s32 v9;
	v5 =	vadd.s32 v10, v5;
	v10 =	vld.idx.msk [tilespmem:v3+s8+$0x0], $0xffff  }
0x1af: {  	v5 =	vshll.u32 v5, $0x7  }
0x1b0: {  	[tilespmem:v4+s9+$0x0] =	vst.idx.add.s32.msk $0xffff, v2;
	v4 =	vadd.f32 $9.999999740e-06, v13;
	v5 =	vor.u32 v1, v5  }
0x1b1: {  	vm6 =	vlt.f32 v7, v15  }
0x1b2: {  	v13 =	vld [tilespmem:s16+$0x30];
	v7 =	vsel vm6, $0xFFFFFFFF, v0;
	v4 =	vtrunc.f32 v4;
	v15 =	vmul.f32 $2.500000000e+01, v12  }
0x1b3: {  	v7 =	vadd.s32 v7, v14;
	v4 =	vcvt.f32.s32 v4;
	vm7 =	vlt.f32 v8, v10  }
0x1b4: {  	v7 =	vshll.u32 v7, $0x7;
	v8 =	vld.idx.msk [tilespmem:v9+s8+$0x0], $0xffff;
	v10 =	vsel vm7, $0xFFFFFFFF, v0;
	v14 =	vadd.f32 $9.999999740e-06, v15  }
0x1b5: {  	v7 =	vor.u32 v1, v7;
	[tilespmem:v5+s9+$0x0] =	vst.idx.add.s32.msk $0xffff, v2;
	v3 =	vadd.s32 v10, v3  }
0x1b6: {  	v10 =	vld [tilespmem:s14+$0x80];
	v3 =	vshll.u32 v3, $0x7;
	v14 =	vtrunc.f32 v14  }
0x1b7: {  	v5 =	vmul.f32 $2.500000000e+01, v13;
	v3 =	vor.u32 v1, v3;
	v14 =	vcvt.f32.s32 v14;
	_ =	sdelay $0x1  }
0x1b8: {  	v5 =	vadd.f32 $9.999999740e-06, v5;
	v15 =	vld.idx.msk [tilespmem:v4+s8+$0x0], $0xffff  }
0x1b9: {  	vm8 =	vlt.f32 v11, v8;
	[tilespmem:v7+s9+$0x0] =	vst.idx.add.s32.msk $0xffff, v2  }
0x1ba: {  	v5 =	vtrunc.f32 v5;
	v7 =	vsel vm8, $0xFFFFFFFF, v0;
	v8 =	vld [tilespmem:s11+$0xD0];
	v11 =	vmul.f32 $2.500000000e+01, v10  }
0x1bb: {  	v5 =	vcvt.f32.s32 v5;
	v7 =	vadd.s32 v7, v9;
	[tilespmem:v3+s9+$0x0] =	vst.idx.add.s32.msk $0xffff, v2  }
0x1bc: {  	v7 =	vshll.u32 v7, $0x7;
	v3 =	vadd.f32 $9.999999740e-06, v11;
	v9 =	vld.idx.msk [tilespmem:v14+s8+$0x0], $0xffff  }
0x1bd: {  	v7 =	vor.u32 v1, v7;
	vm9 =	vlt.f32 v6, v15;
	v6 =	vld [tilespmem:s17+$0x10]  }
0x1be: {  	v3 =	vtrunc.f32 v3;
	v11 =	vsel vm9, $0xFFFFFFFF, v0  }
0x1bf: {  	v15 =	vmul.f32 $2.500000000e+01, v8;
	v3 =	vcvt.f32.s32 v3;
	v4 =	vadd.s32 v11, v4  }
0x1c0: {  	v4 =	vshll.u32 v4, $0x7  }
0x1c1: {  	v11 =	vld.idx.msk [tilespmem:v5+s8+$0x0], $0xffff;
	v15 =	vadd.f32 $9.999999740e-06, v15;
	v4 =	vor.u32 v1, v4  }
0x1c2: {  	[tilespmem:v7+s9+$0x0] =	vst.idx.add.s32.msk $0xffff, v2;
	vm10 =	vlt.f32 v12, v9;
	v9 =	vmul.f32 $2.500000000e+01, v6  }
0x1c3: {  	v7 =	vld [tilespmem:s15+$0x60];
	v12 =	vsel vm10, $0xFFFFFFFF, v0;
	v15 =	vtrunc.f32 v15  }
0x1c4: {  	v12 =	vadd.s32 v12, v14;
	v14 =	vcvt.f32.s32 v15;
	v9 =	vadd.f32 $9.999999740e-06, v9  }
0x1c5: {  	v12 =	vshll.u32 v12, $0x7;
	v15 =	vld.idx.msk [tilespmem:v3+s8+$0x0], $0xffff  }
0x1c6: {  	vm11 =	vlt.f32 v13, v11;
	v12 =	vor.u32 v1, v12;
	[tilespmem:v4+s9+$0x0] =	vst.idx.add.s32.msk $0xffff, v2;
	v4 =	vtrunc.f32 v9  }
0x1c7: {  	v9 =	vsel vm11, $0xFFFFFFFF, v0;
	v11 =	vld [tilespmem:s12+$0xB0];
	v4 =	vcvt.f32.s32 v4  }
0x1c8: {  	v13 =	vmul.f32 $2.500000000e+01, v7;
	v5 =	vadd.s32 v9, v5  }
0x1c9: {  	v5 =	vshll.u32 v5, $0x7  }
0x1ca: {  	v9 =	vadd.f32 $9.999999740e-06, v13;
	v5 =	vor.u32 v1, v5;
	v13 =	vld.idx.msk [tilespmem:v14+s8+$0x0], $0xffff  }
0x1cb: {  	vm12 =	vlt.f32 v10, v15;
	[tilespmem:v12+s9+$0x0] =	vst.idx.add.s32.msk $0xffff, v2  }
0x1cc: {  	v9 =	vtrunc.f32 v9;
	v10 =	vsel vm12, $0xFFFFFFFF, v0;
	v12 =	vld [tilespmem:s13+$0x100];
	v15 =	vmul.f32 $2.500000000e+01, v11  }
0x1cd: {  	v9 =	vcvt.f32.s32 v9;
	v3 =	vadd.s32 v10, v3;
	v10 =	vld.idx.msk [tilespmem:v4+s8+$0x0], $0xffff  }
0x1ce: {  	v3 =	vshll.u32 v3, $0x7;
	v15 =	vadd.f32 $9.999999740e-06, v15  }
0x1cf: {  	v3 =	vor.u32 v1, v3;
	[tilespmem:v5+s9+$0x0] =	vst.idx.add.s32.msk $0xffff, v2;
	vm13 =	vlt.f32 v8, v13  }
0x1d0: {  	v13 =	vld [tilespmem:s16+$0x40];
	v5 =	vtrunc.f32 v15;
	v8 =	vsel vm13, $0xFFFFFFFF, v0  }
0x1d1: {  	v15 =	vmul.f32 $2.500000000e+01, v12;
	v5 =	vcvt.f32.s32 v5;
	v8 =	vadd.s32 v8, v14  }
0x1d2: {  	v8 =	vshll.u32 v8, $0x7;
	vm14 =	vlt.f32 v6, v10  }
0x1d3: {  	v14 =	vld.idx.msk [tilespmem:v9+s8+$0x0], $0xffff;
	v15 =	vadd.f32 $9.999999740e-06, v15;
	v8 =	vor.u32 v1, v8;
	v6 =	vsel vm14, $0xFFFFFFFF, v0  }
0x1d4: {  	[tilespmem:v3+s9+$0x0] =	vst.idx.add.s32.msk $0xffff, v2;
	v4 =	vadd.s32 v6, v4  }
0x1d5: {  	v3 =	vld [tilespmem:s14+$0x90];
	v10 =	vtrunc.f32 v15;
	v15 =	vmul.f32 $2.500000000e+01, v13;
	v4 =	vshll.u32 v4, $0x7  }
0x1d6: {  	v6 =	vcvt.f32.s32 v10;
	v4 =	vor.u32 v1, v4  }
0x1d7: {  	v10 =	vld.idx.msk [tilespmem:v5+s8+$0x0], $0xffff;
	v15 =	vadd.f32 $9.999999740e-06, v15  }
0x1d8: {  	vm15 =	vlt.f32 v7, v14;
	[tilespmem:v8+s9+$0x0] =	vst.idx.add.s32.msk $0xffff, v2  }
0x1d9: {  	s18 =	simm.s32 $0xA80;
	v8 =	vsel vm15, $0xFFFFFFFF, v0;
	v7 =	vld [tilespmem:s11+$0xE0];
	v15 =	vtrunc.f32 v15  }
0x1da: {  	v14 =	vmul.f32 $2.500000000e+01, v3;
	v8 =	vadd.s32 v8, v9;
	v9 =	vcvt.f32.s32 v15;
	v15 =	vld [tilespmem:s18+$0x0]  }
0x1db: {  	v8 =	vshll.u32 v8, $0x7;
	[tilespmem:v4+s9+$0x0] =	vst.idx.add.s32.msk $0xffff, v2  }
0x1dc: {  	v14 =	vadd.f32 $9.999999740e-06, v14;
	v8 =	vor.u32 v1, v8;
	v16 =	vld.idx.msk [tilespmem:v6+s8+$0x0], $0xffff  }
0x1dd: {  	vm4 =	vlt.f32 v11, v10;
	v11 =	vld [tilespmem:s17+$0x20]  }
0x1de: {  	v4 =	vtrunc.f32 v14;
	v10 =	vsel vm4, $0xFFFFFFFF, v0;
	v14 =	vmul.f32 $2.500000000e+01, v7  }
0x1df: {  	v4 =	vcvt.f32.s32 v4;
	v5 =	vadd.s32 v10, v5;
	v10 =	vmul.f32 $2.500000000e+01, v15  }
0x1e0: {  	v5 =	vshll.u32 v5, $0x7;
	v14 =	vadd.f32 $9.999999740e-06, v14;
	v17 =	vld.idx.msk [tilespmem:v9+s8+$0x0], $0xffff  }
0x1e1: {  	v5 =	vor.u32 v1, v5;
	[tilespmem:v8+s9+$0x0] =	vst.idx.add.s32.msk $0xffff, v2;
	vm5 =	vlt.f32 v12, v16;
	v8 =	vadd.f32 $9.999999740e-06, v10  }
0x1e2: {  	v16 =	vmul.f32 $2.500000000e+01, v11;
	v10 =	vtrunc.f32 v14;
	v12 =	vsel vm5, $0xFFFFFFFF, v0;
	v14 =	vld [tilespmem:s15+$0x70]  }
0x1e3: {  	v10 =	vcvt.f32.s32 v10;
	v6 =	vadd.s32 v12, v6  }
0x1e4: {  	v16 =	vadd.f32 $9.999999740e-06, v16;
	v6 =	vshll.u32 v6, $0x7  }
0x1e5: {  	v8 =	vtrunc.f32 v8;
	v12 =	vld.idx.msk [tilespmem:v4+s8+$0x0], $0xffff;
	v6 =	vor.u32 v1, v6  }
0x1e6: {  	[tilespmem:v5+s9+$0x0] =	vst.idx.add.s32.msk $0xffff, v2;
	v5 =	vcvt.f32.s32 v8;
	vm6 =	vlt.f32 v13, v17;
	v13 =	vtrunc.f32 v16  }
0x1e7: {  	v8 =	vld [tilespmem:s12+$0xC0];
	v13 =	vcvt.f32.s32 v13;
	v17 =	vmul.f32 $2.500000000e+01, v14  }
0x1e8: {  	v16 =	vsel vm6, $0xFFFFFFFF, v0  }
0x1e9: {  	v9 =	vadd.s32 v16, v9;
	v16 =	vld.idx.msk [tilespmem:v10+s8+$0x0], $0xffff;
	v17 =	vadd.f32 $9.999999740e-06, v17  }
0x1ea: {  	v9 =	vshll.u32 v9, $0x7;
	vm7 =	vlt.f32 v3, v12;
	[tilespmem:v6+s9+$0x0] =	vst.idx.add.s32.msk $0xffff, v2  }
0x1eb: {  	v3 =	vor.u32 v1, v9;
	v9 =	vsel vm7, $0xFFFFFFFF, v0;
	v6 =	vld [tilespmem:s13+$0x110];
	v17 =	vtrunc.f32 v17  }
0x1ec: {  	v12 =	vmul.f32 $2.500000000e+01, v8;
	v4 =	vadd.s32 v9, v4;
	v9 =	vcvt.f32.s32 v17;
	v17 =	vld.idx.msk [tilespmem:v5+s8+$0x0], $0xffff  }
0x1ed: {  	v4 =	vshll.u32 v4, $0x7;
	v18 =	vld.idx.msk [tilespmem:v13+s8+$0x0], $0xffff  }
0x1ee: {  	v12 =	vadd.f32 $9.999999740e-06, v12;
	v4 =	vor.u32 v1, v4  }
0x1ef: {  	vm8 =	vlt.f32 v7, v16  }
0x1f0: {  	[tilespmem:v3+s9+$0x0] =	vst.idx.add.s32.msk $0xffff, v2;
	v7 =	vtrunc.f32 v12;
	v12 =	vsel vm8, $0xFFFFFFFF, v0  }
0x1f1: {  	v3 =	vmul.f32 $2.500000000e+01, v6;
	v7 =	vcvt.f32.s32 v7;
	v10 =	vadd.s32 v12, v10;
	v12 =	vld [tilespmem:s16+$0x50]  }
0x1f2: {  	v10 =	vshll.u32 v10, $0x7;
	vm9 =	vlt.f32 v15, v17;
	vm1 =	vlt.f32 v11, v18;
	v16 =	vld.idx.msk [tilespmem:v9+s8+$0x0], $0xffff  }
0x1f3: {  	v3 =	vadd.f32 $9.999999740e-06, v3;
	v10 =	vor.u32 v1, v10;
	[tilespmem:v4+s9+$0x0] =	vst.idx.add.s32.msk $0xffff, v2;
	v11 =	vsel vm1, $0xFFFFFFFF, v0  }
0x1f4: {  	v4 =	vsel vm9, $0xFFFFFFFF, v0;
	v15 =	vld [tilespmem:s14+$0xA0];
	v11 =	vadd.s32 v11, v13  }
0x1f5: {  	v4 =	vadd.s32 v4, v5;
	v3 =	vtrunc.f32 v3;
	v5 =	vshll.u32 v11, $0x7  }
0x1f6: {  	v3 =	vcvt.f32.s32 v3;
	v13 =	vmul.f32 $2.500000000e+01, v12;
	v5 =	vor.u32 v1, v5  }
0x1f7: {  	v11 =	vld.idx.msk [tilespmem:v7+s8+$0x0], $0xffff  }
0x1f8: {  	v4 =	vshll.u32 v4, $0x7;
	[tilespmem:v10+s9+$0x0] =	vst.idx.add.s32.msk $0xffff, v2;
	v10 =	vadd.f32 $9.999999740e-06, v13  }
0x1f9: {  	v4 =	vor.u32 v1, v4;
	vm10 =	vlt.f32 v14, v16;
	v13 =	vld [tilespmem:s11+$0xF0];
	v16 =	vmul.f32 $2.500000000e+01, v15  }
0x1fa: {  	v14 =	vsel vm10, $0xFFFFFFFF, v0;
	v10 =	vtrunc.f32 v10  }
0x1fb: {  	v9 =	vadd.s32 v14, v9;
	v10 =	vcvt.f32.s32 v10;
	v16 =	vadd.f32 $9.999999740e-06, v16;
	[tilespmem:v5+s9+$0x0] =	vst.idx.add.s32.msk $0xffff, v2  }
0x1fc: {  	v9 =	vshll.u32 v9, $0x7;
	v14 =	vld.idx.msk [tilespmem:v3+s8+$0x0], $0xffff;
	vm11 =	vlt.f32 v8, v11  }
0x1fd: {  	v5 =	vor.u32 v1, v9;
	v8 =	vld [tilespmem:s17+$0x30];
	v9 =	vsel vm11, $0xFFFFFFFF, v0;
	v16 =	vtrunc.f32 v16  }
0x1fe: {  	[tilespmem:v4+s9+$0x0] =	vst.idx.add.s32.msk $0xffff, v2;
	v11 =	vmul.f32 $2.500000000e+01, v13;
	v4 =	vadd.s32 v9, v7;
	v7 =	vcvt.f32.s32 v16;
	_ =	sdelay $0x1  }
0x1ff: {  	v9 =	vld [tilespmem:s18+$0x10];
	v4 =	vshll.u32 v4, $0x7;
	v11 =	vadd.f32 $9.999999740e-06, v11  }
0x200: {  	v4 =	vor.u32 v1, v4;
	vm12 =	vlt.f32 v6, v14;
	v6 =	vld.idx.msk [tilespmem:v10+s8+$0x0], $0xffff  }
0x201: {  	[tilespmem:v5+s9+$0x0] =	vst.idx.add.s32.msk $0xffff, v2;
	v5 =	vmul.f32 $2.500000000e+01, v8;
	v11 =	vtrunc.f32 v11;
	v14 =	vsel vm12, $0xFFFFFFFF, v0  }
0x202: {  	v11 =	vcvt.f32.s32 v11;
	v3 =	vadd.s32 v14, v3;
	v14 =	vld [tilespmem:s15+$0x80]  }
0x203: {  	v5 =	vadd.f32 $9.999999740e-06, v5;
	v3 =	vshll.u32 v3, $0x7;
	v17 =	vld.idx.msk [tilespmem:v7+s8+$0x0], $0xffff  }
0x204: {  	v16 =	vmul.f32 $2.500000000e+01, v9;
	v3 =	vor.u32 v1, v3  }
0x205: {  	[tilespmem:v4+s9+$0x0] =	vst.idx.add.s32.msk $0xffff, v2;
	v5 =	vtrunc.f32 v5;
	vm13 =	vlt.f32 v12, v6  }
0x206: {  	v4 =	vadd.f32 $9.999999740e-06, v16;
	v6 =	vld [tilespmem:s12+$0xD0];
	v5 =	vcvt.f32.s32 v5;
	v12 =	vsel vm13, $0xFFFFFFFF, v0  }
0x207: {  	v16 =	vmul.f32 $2.500000000e+01, v14;
	v10 =	vadd.s32 v12, v10  }
0x208: {  	v4 =	vtrunc.f32 v4;
	v12 =	vld.idx.msk [tilespmem:v11+s8+$0x0], $0xffff;
	v10 =	vshll.u32 v10, $0x7;
	vm14 =	vlt.f32 v15, v17  }
0x209: {  	[tilespmem:v3+s9+$0x0] =	vst.idx.add.s32.msk $0xffff, v2;
	v3 =	vadd.f32 $9.999999740e-06, v16;
	v10 =	vor.u32 v1, v10;
	v15 =	vsel vm14, $0xFFFFFFFF, v0  }
0x20a: {  	v4 =	vcvt.f32.s32 v4;
	v7 =	vadd.s32 v15, v7  }
0x20b: {  	v16 =	vld [tilespmem:s13+$0x120];
	v17 =	vmul.f32 $2.500000000e+01, v6;
	v3 =	vtrunc.f32 v3;
	v7 =	vshll.u32 v7, $0x7  }
0x20c: {  	v15 =	vld.idx.msk [tilespmem:v5+s8+$0x0], $0xffff;
	v3 =	vcvt.f32.s32 v3;
	v7 =	vor.u32 v1, v7  }
0x20d: {  	v17 =	vadd.f32 $9.999999740e-06, v17  }
0x20e: {  	vm15 =	vlt.f32 v13, v12;
	[tilespmem:v10+s9+$0x0] =	vst.idx.add.s32.msk $0xffff, v2  }
0x20f: {  	v10 =	vsel vm15, $0xFFFFFFFF, v0;
	v13 =	vtrunc.f32 v17;
	v17 =	vld [tilespmem:s16+$0x60]  }
0x210: {  	v12 =	vmul.f32 $2.500000000e+01, v16;
	v10 =	vadd.s32 v10, v11;
	v11 =	vcvt.f32.s32 v13;
	v13 =	vld.idx.msk [tilespmem:v4+s8+$0x0], $0xffff  }
0x211: {  	v10 =	vshll.u32 v10, $0x7;
	vm4 =	vlt.f32 v8, v15;
	[tilespmem:v7+s9+$0x0] =	vst.idx.add.s32.msk $0xffff, v2  }
0x212: {  	v12 =	vadd.f32 $9.999999740e-06, v12;
	v10 =	vor.u32 v1, v10;
	v7 =	vsel vm4, $0xFFFFFFFF, v0;
	v18 =	vld.idx.msk [tilespmem:v3+s8+$0x0], $0xffff  }
0x213: {  	v5 =	vadd.s32 v7, v5  }
0x214: {  	v8 =	vtrunc.f32 v12;
	v12 =	vld [tilespmem:s14+$0xB0];
	v5 =	vshll.u32 v5, $0x7;
	v7 =	vmul.f32 $2.500000000e+01, v17  }
0x215: {  	v8 =	vcvt.f32.s32 v8;
	v5 =	vor.u32 v1, v5  }
0x216: {  	v15 =	vld.idx.msk [tilespmem:v11+s8+$0x0], $0xffff;
	v7 =	vadd.f32 $9.999999740e-06, v7  }
0x217: {  	vm5 =	vlt.f32 v9, v13;
	[tilespmem:v10+s9+$0x0] =	vst.idx.add.s32.msk $0xffff, v2;
	vm6 =	vlt.f32 v14, v18  }
0x218: {  	v9 =	vsel vm5, $0xFFFFFFFF, v0;
	v10 =	vld [tilespmem:s11+$0x100];
	v7 =	vtrunc.f32 v7;
	v13 =	vsel vm6, $0xFFFFFFFF, v0  }
0x219: {  	v14 =	vmul.f32 $2.500000000e+01, v12;
	v7 =	vcvt.f32.s32 v7;
	v3 =	vadd.s32 v13, v3  }
0x21a: {  	v4 =	vadd.s32 v9, v4;
	[tilespmem:v5+s9+$0x0] =	vst.idx.add.s32.msk $0xffff, v2;
	v3 =	vshll.u32 v3, $0x7  }
0x21b: {  	v4 =	vshll.u32 v4, $0x7;
	v9 =	vld.idx.msk [tilespmem:v8+s8+$0x0], $0xffff;
	v13 =	vadd.f32 $9.999999740e-06, v14;
	v3 =	vor.u32 v1, v3  }
0x21c: {  	v4 =	vor.u32 v1, v4;
	vm7 =	vlt.f32 v6, v15;
	v5 =	vld [tilespmem:s17+$0x40]  }
0x21d: {  	s19 =	simm.s32 $0xC00;
	v6 =	vtrunc.f32 v13;
	v13 =	vsel vm7, $0xFFFFFFFF, v0;
	v14 =	vmul.f32 $2.500000000e+01, v10  }
0x21e: {  	v15 =	vld [tilespmem:s19+$0x0];
	v6 =	vcvt.f32.s32 v6;
	v11 =	vadd.s32 v13, v11  }
0x21f: {  	v11 =	vshll.u32 v11, $0x7;
	v13 =	vadd.f32 $9.999999740e-06, v14;
	v14 =	vld.idx.msk [tilespmem:v7+s8+$0x0], $0xffff  }
0x220: {  	v11 =	vor.u32 v1, v11;
	vm8 =	vlt.f32 v16, v9;
	[tilespmem:v3+s9+$0x0] =	vst.idx.add.s32.msk $0xffff, v2  }
0x221: {  	v16 =	vmul.f32 $2.500000000e+01, v5;
	v3 =	vtrunc.f32 v13;
	v9 =	vsel vm8, $0xFFFFFFFF, v0;
	v13 =	vld [tilespmem:s15+$0x90]  }
0x222: {  	[tilespmem:v4+s9+$0x0] =	vst.idx.add.s32.msk $0xffff, v2;
	v3 =	vcvt.f32.s32 v3;
	v4 =	vadd.s32 v9, v8  }
0x223: {  	v8 =	vld [tilespmem:s18+$0x20];
	v9 =	vmul.f32 $2.500000000e+01, v15;
	v16 =	vadd.f32 $9.999999740e-06, v16;
	v4 =	vshll.u32 v4, $0x7  }
0x224: {  	v18 =	vld.idx.msk [tilespmem:v6+s8+$0x0], $0xffff;
	v4 =	vor.u32 v1, v4;
	vm9 =	vlt.f32 v17, v14  }
0x225: {  	v9 =	vadd.f32 $9.999999740e-06, v9;
	[tilespmem:v11+s9+$0x0] =	vst.idx.add.s32.msk $0xffff, v2;
	v14 =	vtrunc.f32 v16;
	v11 =	vsel vm9, $0xFFFFFFFF, v0  }
0x226: {  	v16 =	vld [tilespmem:s12+$0xE0];
	v17 =	vmul.f32 $2.500000000e+01, v13;
	v7 =	vadd.s32 v11, v7;
	v11 =	vcvt.f32.s32 v14  }
0x227: {  	v9 =	vtrunc.f32 v9;
	v7 =	vshll.u32 v7, $0x7  }
0x228: {  	v14 =	vmul.f32 $2.500000000e+01, v8;
	v19 =	vld.idx.msk [tilespmem:v3+s8+$0x0], $0xffff;
	v17 =	vadd.f32 $9.999999740e-06, v17;
	v7 =	vor.u32 v1, v7  }
0x229: {  	v9 =	vcvt.f32.s32 v9;
	[tilespmem:v4+s9+$0x0] =	vst.idx.add.s32.msk $0xffff, v2;
	vm10 =	vlt.f32 v12, v18  }
0x22a: {  	v4 =	vadd.f32 $9.999999740e-06, v14;
	v12 =	vld [tilespmem:s13+$0x130];
	v14 =	vtrunc.f32 v17;
	v17 =	vsel vm10, $0xFFFFFFFF, v0  }
0x22b: {  	v18 =	vmul.f32 $2.500000000e+01, v16;
	v14 =	vcvt.f32.s32 v14;
	v6 =	vadd.s32 v17, v6  }
0x22c: {  	v6 =	vshll.u32 v6, $0x7;
	v17 =	vld.idx.msk [tilespmem:v11+s8+$0x0], $0xffff  }
0x22d: {  	v4 =	vtrunc.f32 v4;
	v18 =	vadd.f32 $9.999999740e-06, v18;
	v6 =	vor.u32 v1, v6;
	[tilespmem:v7+s9+$0x0] =	vst.idx.add.s32.msk $0xffff, v2  }
0x22e: {  	v4 =	vcvt.f32.s32 v4;
	vm11 =	vlt.f32 v10, v19;
	v7 =	vld [tilespmem:s16+$0x70]  }
0x22f: {  	v10 =	vtrunc.f32 v18;
	v18 =	vsel vm11, $0xFFFFFFFF, v0;
	v19 =	vmul.f32 $2.500000000e+01, v12  }
0x230: {  	v20 =	vld.idx.msk [tilespmem:v9+s8+$0x0], $0xffff;
	v10 =	vcvt.f32.s32 v10;
	v3 =	vadd.s32 v18, v3  }
0x231: {  	v3 =	vshll.u32 v3, $0x7;
	v18 =	vadd.f32 $9.999999740e-06, v19;
	v19 =	vld.idx.msk [tilespmem:v14+s8+$0x0], $0xffff  }
0x232: {  	v3 =	vor.u32 v1, v3;
	vm12 =	vlt.f32 v5, v17;
	[tilespmem:v6+s9+$0x0] =	vst.idx.add.s32.msk $0xffff, v2  }
0x233: {  	v5 =	vtrunc.f32 v18;
	v17 =	vsel vm12, $0xFFFFFFFF, v0;
	v6 =	vld [tilespmem:s14+$0xC0];
	v18 =	vmul.f32 $2.500000000e+01, v7  }
0x234: {  	v5 =	vcvt.f32.s32 v5;
	v11 =	vadd.s32 v17, v11  }
0x235: {  	v17 =	vld.idx.msk [tilespmem:v4+s8+$0x0], $0xffff;
	v11 =	vshll.u32 v11, $0x7;
	v18 =	vadd.f32 $9.999999740e-06, v18  }
0x236: {  	vm13 =	vlt.f32 v15, v20;
	v15 =	vld.idx.msk [tilespmem:v10+s8+$0x0], $0xffff;
	v11 =	vor.u32 v1, v11;
	vm14 =	vlt.f32 v13, v19  }
0x237: {  	[tilespmem:v3+s9+$0x0] =	vst.idx.add.s32.msk $0xffff, v2;
	v3 =	vsel vm14, $0xFFFFFFFF, v0;
	v18 =	vtrunc.f32 v18  }
0x238: {  	v19 =	vld [tilespmem:s11+$0x110];
	v55 =	vmul.f32 $2.500000000e+01, v6;
	v3 =	vadd.s32 v3, v14;
	v14 =	vcvt.f32.s32 v18  }
0x239: {  	v13 =	vsel vm13, $0xFFFFFFFF, v0;
	v3 =	vshll.u32 v3, $0x7  }
0x23a: {  	v9 =	vadd.s32 v13, v9;
	v13 =	vld.idx.msk [tilespmem:v5+s8+$0x0], $0xffff;
	v18 =	vadd.f32 $9.999999740e-06, v55;
	v3 =	vor.u32 v1, v3  }
0x23b: {  	v9 =	vshll.u32 v9, $0x7;
	vm4 =	vlt.f32 v8, v17;
	vm15 =	vlt.f32 v16, v15;
	[tilespmem:v11+s9+$0x0] =	vst.idx.add.s32.msk $0xffff, v2  }
0x23c: {  	v9 =	vor.u32 v1, v9;
	v11 =	vsel vm15, $0xFFFFFFFF, v0;
	v15 =	vld [tilespmem:s17+$0x50];
	v8 =	vtrunc.f32 v18  }
0x23d: {  	v16 =	vmul.f32 $2.500000000e+01, v19;
	v10 =	vadd.s32 v11, v10;
	v8 =	vcvt.f32.s32 v8  }
0x23e: {  	v11 =	vsel vm4, $0xFFFFFFFF, v0;
	v10 =	vshll.u32 v10, $0x7;
	v17 =	vld.idx.msk [tilespmem:v14+s8+$0x0], $0xffff  }
0x23f: {  	v4 =	vadd.s32 v11, v4;
	v11 =	vadd.f32 $9.999999740e-06, v16;
	v10 =	vor.u32 v1, v10;
	[tilespmem:v3+s9+$0x0] =	vst.idx.add.s32.msk $0xffff, v2  }
0x240: {  	vm5 =	vlt.f32 v12, v13;
	v3 =	vshll.u32 v4, $0x7;
	v4 =	vld [tilespmem:s15+$0xA0]  }
0x241: {  	[tilespmem:v9+s9+$0x0] =	vst.idx.add.s32.msk $0xffff, v2;
	v9 =	vtrunc.f32 v11;
	v11 =	vsel vm5, $0xFFFFFFFF, v0;
	v12 =	vmul.f32 $2.500000000e+01, v15  }
0x242: {  	v13 =	vld [tilespmem:s19+$0x10];
	v3 =	vor.u32 v1, v3;
	v9 =	vcvt.f32.s32 v9;
	v5 =	vadd.s32 v11, v5  }
0x243: {  	v5 =	vshll.u32 v5, $0x7;
	v12 =	vadd.f32 $9.999999740e-06, v12;
	v11 =	vld.idx.msk [tilespmem:v8+s8+$0x0], $0xffff  }
0x244: {  	v5 =	vor.u32 v1, v5;
	[tilespmem:v10+s9+$0x0] =	vst.idx.add.s32.msk $0xffff, v2;
	vm6 =	vlt.f32 v7, v17  }
0x245: {  	v7 =	vld [tilespmem:s12+$0xF0];
	v10 =	vtrunc.f32 v12;
	v12 =	vsel vm6, $0xFFFFFFFF, v0;
	v16 =	vmul.f32 $2.500000000e+01, v4  }
0x246: {  	v10 =	vcvt.f32.s32 v10;
	v12 =	vadd.s32 v12, v14  }
0x247: {  	[tilespmem:v3+s9+$0x0] =	vst.idx.add.s32.msk $0xffff, v2;
	v3 =	vshll.u32 v12, $0x7;
	v12 =	vadd.f32 $9.999999740e-06, v16  }
0x248: {  	v14 =	vld.idx.msk [tilespmem:v9+s8+$0x0], $0xffff;
	v3 =	vor.u32 v1, v3;
	vm7 =	vlt.f32 v6, v11  }
0x249: {  	v6 =	vmul.f32 $2.500000000e+01, v13;
	[tilespmem:v5+s9+$0x0] =	vst.idx.add.s32.msk $0xffff, v2;
	v5 =	vsel vm7, $0xFFFFFFFF, v0;
	v11 =	vtrunc.f32 v12  }
0x24a: {  	v12 =	vld [tilespmem:s13+$0x140];
	v16 =	vmul.f32 $2.500000000e+01, v7;
	v5 =	vadd.s32 v5, v8;
	v8 =	vcvt.f32.s32 v11  }
0x24b: {  	v6 =	vadd.f32 $9.999999740e-06, v6;
	v11 =	vld [tilespmem:s18+$0x30];
	v5 =	vshll.u32 v5, $0x7  }
0x24c: {  	v16 =	vadd.f32 $9.999999740e-06, v16;
	v17 =	vld.idx.msk [tilespmem:v10+s8+$0x0], $0xffff;
	v5 =	vor.u32 v1, v5  }
0x24d: {  	v6 =	vtrunc.f32 v6;
	vm8 =	vlt.f32 v19, v14;
	[tilespmem:v3+s9+$0x0] =	vst.idx.add.s32.msk $0xffff, v2  }
0x24e: {  	v3 =	vcvt.f32.s32 v6;
	v6 =	vtrunc.f32 v16;
	v14 =	vsel vm8, $0xFFFFFFFF, v0;
	v16 =	vld [tilespmem:s16+$0x80]  }
0x24f: {  	v18 =	vmul.f32 $2.500000000e+01, v12;
	v6 =	vcvt.f32.s32 v6;
	v9 =	vadd.s32 v14, v9  }
0x250: {  	v14 =	vmul.f32 $2.500000000e+01, v11;
	v9 =	vshll.u32 v9, $0x7;
	v19 =	vld.idx.msk [tilespmem:v8+s8+$0x0], $0xffff  }
0x251: {  	v18 =	vadd.f32 $9.999999740e-06, v18;
	v9 =	vor.u32 v1, v9;
	[tilespmem:v5+s9+$0x0] =	vst.idx.add.s32.msk $0xffff, v2  }
0x252: {  	vm9 =	vlt.f32 v15, v17;
	v5 =	vadd.f32 $9.999999740e-06, v14;
	v14 =	vld [tilespmem:s14+$0xD0]  }
0x253: {  	v17 =	vsel vm9, $0xFFFFFFFF, v0;
	v15 =	vtrunc.f32 v18;
	v18 =	vmul.f32 $2.500000000e+01, v16  }
0x254: {  	v10 =	vadd.s32 v17, v10;
	v56 =	vld.idx.msk [tilespmem:v3+s8+$0x0], $0xffff;
	v5 =	vtrunc.f32 v5;
	v15 =	vcvt.f32.s32 v15  }
0x255: {  	v10 =	vshll.u32 v10, $0x7;
	v5 =	vcvt.f32.s32 v5;
	v17 =	vld.idx.msk [tilespmem:v6+s8+$0x0], $0xffff;
	v18 =	vadd.f32 $9.999999740e-06, v18  }
0x256: {  	[tilespmem:v9+s9+$0x0] =	vst.idx.add.s32.msk $0xffff, v2;
	v9 =	vor.u32 v1, v10;
	vm10 =	vlt.f32 v4, v19  }
0x257: {  	v4 =	vld [tilespmem:s11+$0x120];
	v10 =	vtrunc.f32 v18;
	v18 =	vsel vm10, $0xFFFFFFFF, v0;
	v19 =	vmul.f32 $2.500000000e+01, v14  }
0x258: {  	v10 =	vcvt.f32.s32 v10;
	v8 =	vadd.s32 v18, v8  }
0x259: {  	v8 =	vshll.u32 v8, $0x7;
	v18 =	vadd.f32 $9.999999740e-06, v19  }
0x25a: {  	v19 =	vld.idx.msk [tilespmem:v15+s8+$0x0], $0xffff;
	vm11 =	vlt.f32 v7, v17;
	v7 =	vor.u32 v1, v8  }
0x25b: {  	vm12 =	vlt.f32 v13, v56;
	v8 =	vld.idx.msk [tilespmem:v5+s8+$0x0], $0xffff;
	v13 =	vsel vm11, $0xFFFFFFFF, v0;
	v17 =	vtrunc.f32 v18  }
0x25c: {  	[tilespmem:v9+s9+$0x0] =	vst.idx.add.s32.msk $0xffff, v2;
	v18 =	vmul.f32 $2.500000000e+01, v4;
	v6 =	vadd.s32 v13, v6;
	v9 =	vcvt.f32.s32 v17  }
0x25d: {  	v13 =	vsel vm12, $0xFFFFFFFF, v0;
	v17 =	vld [tilespmem:s17+$0x60];
	v6 =	vshll.u32 v6, $0x7  }
0x25e: {  	v3 =	vadd.s32 v13, v3;
	v13 =	vadd.f32 $9.999999740e-06, v18;
	v6 =	vor.u32 v1, v6;
	v18 =	vld.idx.msk [tilespmem:v10+s8+$0x0], $0xffff  }
0x25f: {  	s20 =	simm.s32 $0xD80;
	v3 =	vshll.u32 v3, $0x7;
	vm13 =	vlt.f32 v12, v19;
	[tilespmem:v7+s9+$0x0] =	vst.idx.add.s32.msk $0xffff, v2  }
0x260: {  	v3 =	vor.u32 v1, v3;
	v19 =	vld [tilespmem:s20+$0x0];
	v7 =	vtrunc.f32 v13;
	v12 =	vsel vm13, $0xFFFFFFFF, v0  }
0x261: {  	v13 =	vld [tilespmem:s15+$0xB0];
	vm14 =	vlt.f32 v11, v8;
	v7 =	vcvt.f32.s32 v7;
	v8 =	vadd.s32 v12, v15  }
0x262: {  	v11 =	vsel vm14, $0xFFFFFFFF, v0;
	v8 =	vshll.u32 v8, $0x7;
	v15 =	vld.idx.msk [tilespmem:v9+s8+$0x0], $0xffff  }
0x263: {  	v5 =	vadd.s32 v11, v5;
	v8 =	vor.u32 v1, v8;
	[tilespmem:v6+s9+$0x0] =	vst.idx.add.s32.msk $0xffff, v2  }
0x264: {  	v12 =	vmul.f32 $2.500000000e+01, v17;
	v5 =	vshll.u32 v5, $0x7;
	v11 =	vld [tilespmem:s12+$0x100]  }
0x265: {  	vm15 =	vlt.f32 v16, v18;
	[tilespmem:v3+s9+$0x0] =	vst.idx.add.s32.msk $0xffff, v2;
	v3 =	vor.u32 v1, v5  }
0x266: {  	v6 =	vadd.f32 $9.999999740e-06, v12;
	v5 =	vsel vm15, $0xFFFFFFFF, v0;
	v12 =	vmul.f32 $2.500000000e+01, v13;
	v16 =	vld [tilespmem:s19+$0x20]  }
0x267: {  	v18 =	vmul.f32 $2.500000000e+01, v19;
	v5 =	vadd.s32 v5, v10;
	v10 =	vld.idx.msk [tilespmem:v7+s8+$0x0], $0xffff  }
0x268: {  	v6 =	vtrunc.f32 v6;
	v5 =	vshll.u32 v5, $0x7;
	v12 =	vadd.f32 $9.999999740e-06, v12;
	[tilespmem:v8+s9+$0x0] =	vst.idx.add.s32.msk $0xffff, v2  }
0x269: {  	v6 =	vcvt.f32.s32 v6;
	v5 =	vor.u32 v1, v5;
	vm4 =	vlt.f32 v14, v15;
	v8 =	vld [tilespmem:s13+$0x150]  }
0x26a: {  	v12 =	vtrunc.f32 v12;
	v14 =	vsel vm4, $0xFFFFFFFF, v0;
	v15 =	vmul.f32 $2.500000000e+01, v11;
	[tilespmem:v3+s9+$0x0] =	vst.idx.add.s32.msk $0xffff, v2  }
0x26b: {  	v3 =	vcvt.f32.s32 v12;
	v9 =	vadd.s32 v14, v9;
	v12 =	vld [tilespmem:s18+$0x40]  }
0x26c: {  	v9 =	vshll.u32 v9, $0x7;
	v14 =	vadd.f32 $9.999999740e-06, v15;
	v15 =	vadd.f32 $9.999999740e-06, v18  }
0x26d: {  	v9 =	vor.u32 v1, v9;
	vm5 =	vlt.f32 v4, v10;
	v4 =	vmul.f32 $2.500000000e+01, v16  }
0x26e: {  	[tilespmem:v5+s9+$0x0] =	vst.idx.add.s32.msk $0xffff, v2;
	v14 =	vtrunc.f32 v14;
	v18 =	vsel vm5, $0xFFFFFFFF, v0;
	v57 =	vmul.f32 $2.500000000e+01, v8  }
0x26f: {  	v10 =	vld.idx.msk [tilespmem:v6+s8+$0x0], $0xffff;
	v5 =	vcvt.f32.s32 v14;
	v7 =	vadd.s32 v18, v7;
	v14 =	vtrunc.f32 v15  }
0x270: {  	v4 =	vadd.f32 $9.999999740e-06, v4;
	v15 =	vld [tilespmem:s16+$0x90];
	v7 =	vshll.u32 v7, $0x7;
	v58 =	vmul.f32 $2.500000000e+01, v12  }
0x271: {  	v14 =	vcvt.f32.s32 v14;
	v18 =	vadd.f32 $9.999999740e-06, v57;
	v7 =	vor.u32 v1, v7  }
0x272: {  	v21 =	vld.idx.msk [tilespmem:v3+s8+$0x0], $0xffff  }
0x273: {  	v4 =	vtrunc.f32 v4;
	[tilespmem:v9+s9+$0x0] =	vst.idx.add.s32.msk $0xffff, v2;
	v9 =	vtrunc.f32 v18;
	v18 =	vadd.f32 $9.999999740e-06, v58  }
0x274: {  	v4 =	vcvt.f32.s32 v4;
	v59 =	vld [tilespmem:s14+$0xE0];
	vm6 =	vlt.f32 v17, v10;
	v9 =	vcvt.f32.s32 v9  }
0x275: {  	v10 =	vsel vm6, $0xFFFFFFFF, v0;
	v17 =	vmul.f32 $2.500000000e+01, v15;
	v18 =	vtrunc.f32 v18;
	v22 =	vld.idx.msk [tilespmem:v5+s8+$0x0], $0xffff  }
0x276: {  	v6 =	vadd.s32 v10, v6;
	v10 =	vcvt.f32.s32 v18;
	[tilespmem:v7+s9+$0x0] =	vst.idx.add.s32.msk $0xffff, v2  }
0x277: {  	v6 =	vshll.u32 v6, $0x7;
	v7 =	vadd.f32 $9.999999740e-06, v17;
	vm7 =	vlt.f32 v13, v21;
	v13 =	vld.idx.msk [tilespmem:v14+s8+$0x0], $0xffff  }
0x278: {  	v17 =	vld [tilespmem:s11+$0x130];
	v6 =	vor.u32 v1, v6  }
0x279: {  	v18 =	vsel vm7, $0xFFFFFFFF, v0;
	v60 =	vmul.f32 $2.500000000e+01, v59;
	v7 =	vtrunc.f32 v7  }
0x27a: {  	v3 =	vadd.s32 v18, v3;
	v23 =	vld.idx.msk [tilespmem:v4+s8+$0x0], $0xffff;
	v7 =	vcvt.f32.s32 v7  }
0x27b: {  	v3 =	vshll.u32 v3, $0x7;
	v18 =	vld.idx.msk [tilespmem:v9+s8+$0x0], $0xffff;
	v21 =	vadd.f32 $9.999999740e-06, v60;
	vm8 =	vlt.f32 v11, v22  }
0x27c: {  	v3 =	vor.u32 v1, v3;
	v62 =	vsel vm8, $0xFFFFFFFF, v0;
	vm9 =	vlt.f32 v19, v13  }
0x27d: {  	v61 =	vld.idx.msk [tilespmem:v10+s8+$0x0], $0xffff;
	v11 =	vtrunc.f32 v21;
	v24 =	vmul.f32 $2.500000000e+01, v17;
	v5 =	vadd.s32 v62, v5  }
0x27e: {  	[tilespmem:v6+s9+$0x0] =	vst.idx.add.s32.msk $0xffff, v2;
	v6 =	vsel vm9, $0xFFFFFFFF, v0;
	v13 =	vcvt.f32.s32 v11;
	v5 =	vshll.u32 v5, $0x7  }
0x27f: {  	v11 =	vld [tilespmem:s17+$0x70];
	v6 =	vadd.s32 v6, v14;
	vm11 =	vlt.f32 v16, v23;
	v19 =	vadd.f32 $9.999999740e-06, v24  }
0x280: {  	v5 =	vor.u32 v1, v5;
	v6 =	vshll.u32 v6, $0x7;
	vm10 =	vlt.f32 v8, v18;
	v14 =	vld.idx.msk [tilespmem:v7+s8+$0x0], $0xffff  }
0x281: {  	[tilespmem:v3+s9+$0x0] =	vst.idx.add.s32.msk $0xffff, v2;
	v8 =	vtrunc.f32 v19;
	v18 =	vsel vm10, $0xFFFFFFFF, v0;
	v19 =	vor.u32 v1, v6  }
0x282: {  	v63 =	vcvt.f32.s32 v8;
	v3 =	vadd.s32 v18, v9;
	v8 =	vld [tilespmem:s15+$0xC0];
	vm12 =	vlt.f32 v12, v61  }
0x283: {  	v12 =	vsel vm11, $0xFFFFFFFF, v0;
	v3 =	vshll.u32 v3, $0x7;
	v6 =	vsel vm12, $0xFFFFFFFF, v0  }
0x284: {  	v9 =	vmul.f32 $2.500000000e+01, v11;
	v4 =	vadd.s32 v12, v4;
	v16 =	vld.idx.msk [tilespmem:v13+s8+$0x0], $0xffff;
	v3 =	vor.u32 v1, v3  }
0x285: {  	v6 =	vadd.s32 v6, v10;
	[tilespmem:v5+s9+$0x0] =	vst.idx.add.s32.msk $0xffff, v2;
	v4 =	vshll.u32 v4, $0x7  }
0x286: {  	v5 =	vshll.u32 v6, $0x7;
	v9 =	vadd.f32 $9.999999740e-06, v9;
	v6 =	vld [tilespmem:s12+$0x110];
	vm13 =	vlt.f32 v15, v14  }
0x287: {  	[tilespmem:v19+s9+$0x0] =	vst.idx.add.s32.msk $0xffff, v2;
	v5 =	vor.u32 v1, v5;
	v10 =	vsel vm13, $0xFFFFFFFF, v0;
	v14 =	vmul.f32 $2.500000000e+01, v8  }
0x288: {  	v4 =	vor.u32 v1, v4;
	v9 =	vtrunc.f32 v9;
	v7 =	vadd.s32 v10, v7;
	v18 =	vld.idx.msk [tilespmem:v63+s8+$0x0], $0xffff  }
0x289: {  	v12 =	vcvt.f32.s32 v9;
	v7 =	vshll.u32 v7, $0x7;
	[tilespmem:v3+s9+$0x0] =	vst.idx.add.s32.msk $0xffff, v2;
	v9 =	vadd.f32 $9.999999740e-06, v14  }
0x28a: {  	vm14 =	vlt.f32 v59, v16;
	v7 =	vor.u32 v1, v7;
	v3 =	vld [tilespmem:s13+$0x160]  }
0x28b: {  	v15 =	vld [tilespmem:s20+$0x10];
	v10 =	vsel vm14, $0xFFFFFFFF, v0;
	v14 =	vmul.f32 $2.500000000e+01, v6;
	v9 =	vtrunc.f32 v9  }
0x28c: {  	[tilespmem:v5+s9+$0x0] =	vst.idx.add.s32.msk $0xffff, v2;
	v5 =	vadd.s32 v10, v13;
	v10 =	vcvt.f32.s32 v9  }
0x28d: {  	v13 =	vld [tilespmem:s18+$0x50];
	v5 =	vshll.u32 v5, $0x7;
	v16 =	vadd.f32 $9.999999740e-06, v14  }
0x28e: {  	[tilespmem:v4+s9+$0x0] =	vst.idx.add.s32.msk $0xffff, v2;
	v9 =	vor.u32 v1, v5;
	vm15 =	vlt.f32 v17, v18  }
0x28f: {  	v14 =	vld.idx.msk [tilespmem:v12+s8+$0x0], $0xffff;
	v5 =	vtrunc.f32 v16;
	v17 =	vsel vm15, $0xFFFFFFFF, v0;
	v4 =	vmul.f32 $2.500000000e+01, v3  }
0x290: {  	s21 =	simm.s32 $0x3C00;
	v16 =	vmul.f32 $2.500000000e+01, v15;
	[tilespmem:v7+s9+$0x0] =	vst.idx.add.s32.msk $0xffff, v2;
	v7 =	vcvt.f32.s32 v5;
	v5 =	vadd.s32 v17, v63  }
.LBB2_2:
0x291: {  	p0 =	sne.s32 s21, $0x47A00;
	v17 =	vld [tilespmem:s16+$0xA0];
	v5 =	vshll.u32 v5, $0x7;
	v4 =	vadd.f32 $9.999999740e-06, v4  }
0x292: {  	v16 =	vadd.f32 $9.999999740e-06, v16;
	v18 =	vmul.f32 $2.500000000e+01, v13;
	v19 =	vld.idx.msk [tilespmem:v10+s8+$0x0], $0xffff;
	v5 =	vor.u32 v1, v5  }
0x293: {  	[tilespmem:v9+s9+$0x0] =	vst.idx.add.s32.msk $0xffff, v2;
	v4 =	vtrunc.f32 v4  }
0x294: {  	v9 =	vtrunc.f32 v16;
	v16 =	vadd.f32 $9.999999740e-06, v18;
	v18 =	vld [tilespmem:s14+$0xF0];
	v20 =	vcvt.f32.s32 v4  }
0x295: {  	vm0 =	vlt.f32 v11, v14;
	v9 =	vcvt.f32.s32 v9;
	v4 =	vld [tilespmem:s19+$0x30]  }
0x296: {  	v14 =	vsel vm0, $0xFFFFFFFF, v0;
	v11 =	vtrunc.f32 v16;
	v16 =	vmul.f32 $2.500000000e+01, v17;
	v21 =	vld.idx.msk [tilespmem:v7+s8+$0x0], $0xffff  }
0x297: {  	v12 =	vadd.s32 v14, v12;
	v11 =	vcvt.f32.s32 v11;
	[tilespmem:v5+s9+$0x0] =	vst.idx.add.s32.msk $0xffff, v2  }
0x298: {  	v5 =	vshll.u32 v12, $0x7;
	vm0 =	vlt.f32 v8, v19;
	v12 =	vadd.f32 $9.999999740e-06, v16;
	v8 =	vld [tilespmem:s11+$0x140]  }
0x299: {  	v5 =	vor.u32 v1, v5;
	v14 =	vsel vm0, $0xFFFFFFFF, v0;
	v16 =	vmul.f32 $2.500000000e+01, v18  }
0x29a: {  	v10 =	vadd.s32 v14, v10;
	v12 =	vtrunc.f32 v12;
	v14 =	vld.idx.msk [tilespmem:v20+s8+$0x0], $0xffff  }
0x29b: {  	v10 =	vshll.u32 v10, $0x7;
	v12 =	vcvt.f32.s32 v12;
	v16 =	vadd.f32 $9.999999740e-06, v16  }
0x29c: {  	v22 =	vmul.f32 $2.500000000e+01, v4;
	v10 =	vor.u32 v1, v10;
	vm0 =	vlt.f32 v6, v21;
	v19 =	vld.idx.msk [tilespmem:v9+s8+$0x0], $0xffff  }
0x29d: {  	v21 =	vsel vm0, $0xFFFFFFFF, v0;
	v6 =	vld.idx.msk [tilespmem:v11+s8+$0x0], $0xffff;
	v16 =	vtrunc.f32 v16;
	v23 =	vmul.f32 $2.500000000e+01, v8  }
0x29e: {  	v22 =	vadd.f32 $9.999999740e-06, v22;
	v7 =	vadd.s32 v21, v7;
	[tilespmem:v5+s9+$0x0] =	vst.idx.add.s32.msk $0xffff, v2;
	v5 =	vcvt.f32.s32 v16  }
0x29f: {  	v7 =	vshll.u32 v7, $0x7;
	v16 =	vld [tilespmem:s17+$0x80];
	v21 =	vadd.f32 $9.999999740e-06, v23  }
0x2a0: {  	v22 =	vtrunc.f32 v22;
	v7 =	vor.u32 v1, v7;
	vm0 =	vlt.f32 v3, v14  }
0x2a1: {  	v14 =	vcvt.f32.s32 v22;
	v22 =	vsel vm0, $0xFFFFFFFF, v0;
	v3 =	vld.idx.msk [tilespmem:v12+s8+$0x0], $0xffff;
	v21 =	vtrunc.f32 v21  }
0x2a2: {  	v20 =	vadd.s32 v22, v20;
	[tilespmem:v10+s9+$0x0] =	vst.idx.add.s32.msk $0xffff, v2;
	v10 =	vcvt.f32.s32 v21  }
0x2a3: {  	vm0 =	vlt.f32 v15, v19;
	vm1 =	vlt.f32 v13, v6;
	v13 =	vshll.u32 v20, $0x7;
	v6 =	vld [tilespmem:s15+$0xD0]  }
0x2a4: {  	v15 =	vsel vm1, $0xFFFFFFFF, v0;
	v13 =	vor.u32 v1, v13;
	v19 =	vmul.f32 $2.500000000e+01, v16;
	v20 =	vld.idx.msk [tilespmem:v5+s8+$0x0], $0xffff  }
0x2a5: {  	v21 =	vsel vm0, $0xFFFFFFFF, v0;
	v11 =	vadd.s32 v15, v11;
	[tilespmem:v7+s9+$0x0] =	vst.idx.add.s32.msk $0xffff, v2  }
0x2a6: {  	v7 =	vadd.s32 v21, v9;
	v9 =	vshll.u32 v11, $0x7;
	v11 =	vadd.f32 $9.999999740e-06, v19;
	v15 =	vld [tilespmem:s12+$0x120]  }
0x2a7: {  	v7 =	vshll.u32 v7, $0x7;
	v9 =	vor.u32 v1, v9;
	vm0 =	vlt.f32 v17, v3;
	v19 =	vld.idx.msk [tilespmem:v14+s8+$0x0], $0xffff  }
0x2a8: {  	v3 =	vtrunc.f32 v11;
	v11 =	vsel vm0, $0xFFFFFFFF, v0;
	v17 =	vmul.f32 $2.500000000e+01, v6;
	v21 =	vld.idx.msk [tilespmem:v10+s8+$0x0], $0xffff  }
0x2a9: {  	v7 =	vor.u32 v1, v7;
	v22 =	vcvt.f32.s32 v3;
	v3 =	vadd.s32 v11, v12;
	[tilespmem:v13+s9+$0x0] =	vst.idx.add.s32.msk $0xffff, v2  }
0x2aa: {  	s22 =	sshra.s32 s21, $0x2;
	vm0 =	vlt.f32 v18, v20;
	v11 =	vshll.u32 v3, $0x7;
	v12 =	vadd.f32 $9.999999740e-06, v17;
	v13 =	vld [tilespmem:s13+$0x170];
	s13 =	smov.u32 s11;
	s11 =	smov.u32 s12  }
0x2ab: {  	v17 =	vsel vm0, $0xFFFFFFFF, v0;
	s12 =	smov.u32 s14;
	s14 =	smov.u32 s15;
	s15 =	smov.u32 s16;
	v3 =	vld [tilespmem:s22+$0x0];
	v11 =	vor.u32 v1, v11;
	v18 =	vmul.f32 $2.500000000e+01, v15  }
0x2ac: {  	s16 =	smov.u32 s17;
	s17 =	smov.u32 s18;
	s18 =	smov.u32 s19;
	v5 =	vadd.s32 v17, v5;
	[tilespmem:v9+s9+$0x0] =	vst.idx.add.s32.msk $0xffff, v2;
	v9 =	vtrunc.f32 v12  }
0x2ad: {  	s19 =	smov.u32 s20;
	s20 =	smov.u32 s22;
	v5 =	vshll.u32 v5, $0x7;
	v12 =	vld [tilespmem:s17+$0x60];
	v9 =	vcvt.f32.s32 v9;
	v17 =	vadd.f32 $9.999999740e-06, v18  }
0x2ae: {  	v5 =	vor.u32 v1, v5;
	vm0 =	vlt.f32 v8, v21;
	[tilespmem:v7+s9+$0x0] =	vst.idx.add.s32.msk $0xffff, v2  }
0x2af: {  	v7 =	vld.idx.msk [tilespmem:v22+s8+$0x0], $0xffff;
	v8 =	vtrunc.f32 v17;
	v17 =	vsel vm0, $0xFFFFFFFF, v0;
	v18 =	vmul.f32 $2.500000000e+01, v13  }
0x2b0: {  	vm0 =	vlt.f32 v4, v19;
	[tilespmem:v11+s9+$0x0] =	vst.idx.add.s32.msk $0xffff, v2;
	v8 =	vcvt.f32.s32 v8;
	v4 =	vadd.s32 v17, v10  }
0x2b1: {  	v10 =	vsel vm0, $0xFFFFFFFF, v0;
	v11 =	vld [tilespmem:s15+$0xB0];
	v17 =	vshll.u32 v4, $0x7;
	v18 =	vadd.f32 $9.999999740e-06, v18  }
0x2b2: {  	v10 =	vadd.s32 v10, v14;
	v4 =	vld [tilespmem:s19+$0x20];
	v14 =	vmul.f32 $2.500000000e+01, v12;
	v17 =	vor.u32 v1, v17  }
0x2b3: {  	v19 =	vmul.f32 $2.500000000e+01, v3;
	v10 =	vshll.u32 v10, $0x7;
	v20 =	vld.idx.msk [tilespmem:v9+s8+$0x0], $0xffff;
	v18 =	vtrunc.f32 v18  }
0x2b4: {  	v10 =	vor.u32 v1, v10;
	v14 =	vadd.f32 $9.999999740e-06, v14;
	[tilespmem:v5+s9+$0x0] =	vst.idx.add.s32.msk $0xffff, v2;
	v5 =	vcvt.f32.s32 v18  }
0x2b5: {  	v18 =	vadd.f32 $9.999999740e-06, v19;
	vm0 =	vlt.f32 v16, v7;
	v7 =	vld [tilespmem:s12+$0x100]  }
0x2b6: {  	v16 =	vsel vm0, $0xFFFFFFFF, v0;
	v14 =	vtrunc.f32 v14;
	v19 =	vmul.f32 $2.500000000e+01, v11;
	v21 =	vld.idx.msk [tilespmem:v8+s8+$0x0], $0xffff  }
0x2b7: {  	v16 =	vadd.s32 v16, v22;
	v14 =	vcvt.f32.s32 v14;
	[tilespmem:v17+s9+$0x0] =	vst.idx.add.s32.msk $0xffff, v2  }
0x2b8: {  	v17 =	vtrunc.f32 v18;
	v16 =	vshll.u32 v16, $0x7;
	v18 =	vadd.f32 $9.999999740e-06, v19;
	v19 =	vld [tilespmem:s13+$0x150]  }
0x2b9: {  	v22 =	vmul.f32 $2.500000000e+01, v4;
	vm0 =	vlt.f32 v6, v20;
	[tilespmem:v10+s9+$0x0] =	vst.idx.add.s32.msk $0xffff, v2;
	v10 =	vor.u32 v1, v16  }
0x2ba: {  	v16 =	vsel vm0, $0xFFFFFFFF, v0;
	v6 =	vtrunc.f32 v18;
	v18 =	vmul.f32 $2.500000000e+01, v7;
	v20 =	vld.idx.msk [tilespmem:v5+s8+$0x0], $0xffff  }
0x2bb: {  	v17 =	vcvt.f32.s32 v17;
	v9 =	vadd.s32 v16, v9;
	v23 =	vld [tilespmem:s18+$0x40];
	v6 =	vcvt.f32.s32 v6  }
0x2bc: {  	v16 =	vadd.f32 $9.999999740e-06, v22;
	v9 =	vshll.u32 v9, $0x7;
	v18 =	vadd.f32 $9.999999740e-06, v18  }
0x2bd: {  	vm0 =	vlt.f32 v15, v21;
	v9 =	vor.u32 v1, v9;
	v22 =	vld.idx.msk [tilespmem:v14+s8+$0x0], $0xffff;
	v15 =	vmul.f32 $2.500000000e+01, v19  }
0x2be: {  	v16 =	vtrunc.f32 v16;
	[tilespmem:v10+s9+$0x0] =	vst.idx.add.s32.msk $0xffff, v2;
	v10 =	vtrunc.f32 v18;
	v18 =	vsel vm0, $0xFFFFFFFF, v0  }
0x2bf: {  	v21 =	vld [tilespmem:s16+$0x90];
	v10 =	vcvt.f32.s32 v10;
	v8 =	vadd.s32 v18, v8;
	v15 =	vadd.f32 $9.999999740e-06, v15  }
0x2c0: {  	vm0 =	vlt.f32 v13, v20;
	v18 =	vmul.f32 $2.500000000e+01, v23;
	v8 =	vshll.u32 v8, $0x7  }
0x2c1: {  	v20 =	vsel vm0, $0xFFFFFFFF, v0;
	v13 =	vld.idx.msk [tilespmem:v6+s8+$0x0], $0xffff;
	v8 =	vor.u32 v1, v8;
	v15 =	vtrunc.f32 v15  }
0x2c2: {  	v16 =	vcvt.f32.s32 v16;
	v5 =	vadd.s32 v20, v5;
	[tilespmem:v9+s9+$0x0] =	vst.idx.add.s32.msk $0xffff, v2;
	v9 =	vcvt.f32.s32 v15  }
0x2c3: {  	v15 =	vadd.f32 $9.999999740e-06, v18;
	vm0 =	vlt.f32 v12, v22;
	v5 =	vshll.u32 v5, $0x7;
	v18 =	vld [tilespmem:s14+$0xE0]  }
0x2c4: {  	v20 =	vsel vm0, $0xFFFFFFFF, v0;
	v5 =	vor.u32 v1, v5;
	v12 =	vld.idx.msk [tilespmem:v17+s8+$0x0], $0xffff;
	v22 =	vmul.f32 $2.500000000e+01, v21  }
0x2c5: {  	v15 =	vtrunc.f32 v15;
	v14 =	vadd.s32 v20, v14;
	v20 =	vld.idx.msk [tilespmem:v10+s8+$0x0], $0xffff  }
0x2c6: {  	v15 =	vcvt.f32.s32 v15;
	v14 =	vshll.u32 v14, $0x7;
	v22 =	vadd.f32 $9.999999740e-06, v22;
	[tilespmem:v8+s9+$0x0] =	vst.idx.add.s32.msk $0xffff, v2  }
0x2c7: {  	v8 =	vor.u32 v1, v14;
	vm0 =	vlt.f32 v11, v13;
	v14 =	vld [tilespmem:s11+$0x130]  }
0x2c8: {  	v13 =	vsel vm0, $0xFFFFFFFF, v0;
	v11 =	vtrunc.f32 v22;
	v22 =	vmul.f32 $2.500000000e+01, v18;
	v24 =	vld.idx.msk [tilespmem:v9+s8+$0x0], $0xffff  }
0x2c9: {  	v6 =	vadd.s32 v13, v6;
	v25 =	vcvt.f32.s32 v11;
	[tilespmem:v5+s9+$0x0] =	vst.idx.add.s32.msk $0xffff, v2  }
0x2ca: {  	vm0 =	vlt.f32 v3, v12;
	v5 =	vshll.u32 v6, $0x7;
	v3 =	vld.idx.msk [tilespmem:v16+s8+$0x0], $0xffff;
	v6 =	vadd.f32 $9.999999740e-06, v22  }
0x2cb: {  	v11 =	vsel vm0, $0xFFFFFFFF, v0;
	v5 =	vor.u32 v1, v5;
	vm0 =	vlt.f32 v7, v20  }
0x2cc: {  	v12 =	vsel vm0, $0xFFFFFFFF, v0;
	v7 =	vld.idx.msk [tilespmem:v15+s8+$0x0], $0xffff;
	v6 =	vtrunc.f32 v6;
	v13 =	vmul.f32 $2.500000000e+01, v14  }
0x2cd: {  	v11 =	vadd.s32 v11, v17;
	[tilespmem:v8+s9+$0x0] =	vst.idx.add.s32.msk $0xffff, v2;
	v17 =	vcvt.f32.s32 v6;
	v6 =	vadd.s32 v12, v10  }
0x2ce: {  	v8 =	vshll.u32 v11, $0x7;
	v11 =	vld [tilespmem:s17+$0x70];
	v6 =	vshll.u32 v6, $0x7;
	v10 =	vadd.f32 $9.999999740e-06, v13  }
0x2cf: {  	vm0 =	vlt.f32 v19, v24;
	v12 =	vor.u32 v1, v8;
	v13 =	vld.idx.msk [tilespmem:v25+s8+$0x0], $0xffff;
	v6 =	vor.u32 v1, v6  }
0x2d0: {  	vm1 =	vlt.f32 v4, v3;
	v4 =	vsel vm0, $0xFFFFFFFF, v0;
	[tilespmem:v5+s9+$0x0] =	vst.idx.add.s32.msk $0xffff, v2;
	v3 =	vtrunc.f32 v10  }
0x2d1: {  	v5 =	vsel vm1, $0xFFFFFFFF, v0;
	v8 =	vld [tilespmem:s15+$0xC0];
	v19 =	vcvt.f32.s32 v3;
	v3 =	vadd.s32 v4, v9  }
0x2d2: {  	v4 =	vadd.s32 v5, v16;
	vm0 =	vlt.f32 v23, v7;
	v3 =	vshll.u32 v3, $0x7  }
0x2d3: {  	v5 =	vsel vm0, $0xFFFFFFFF, v0;
	v7 =	vmul.f32 $2.500000000e+01, v11;
	v9 =	vld.idx.msk [tilespmem:v17+s8+$0x0], $0xffff;
	v3 =	vor.u32 v1, v3  }
0x2d4: {  	v4 =	vshll.u32 v4, $0x7;
	v5 =	vadd.s32 v5, v15;
	[tilespmem:v6+s9+$0x0] =	vst.idx.add.s32.msk $0xffff, v2  }
0x2d5: {  	v5 =	vshll.u32 v5, $0x7;
	vm0 =	vlt.f32 v21, v13;
	v7 =	vadd.f32 $9.999999740e-06, v7;
	v6 =	vld [tilespmem:s12+$0x110]  }
0x2d6: {  	v5 =	vor.u32 v1, v5;
	v10 =	vsel vm0, $0xFFFFFFFF, v0;
	[tilespmem:v12+s9+$0x0] =	vst.idx.add.s32.msk $0xffff, v2;
	v13 =	vmul.f32 $2.500000000e+01, v8  }
0x2d7: {  	v4 =	vor.u32 v1, v4;
	v10 =	vadd.s32 v10, v25;
	v7 =	vtrunc.f32 v7;
	v16 =	vld.idx.msk [tilespmem:v19+s8+$0x0], $0xffff  }
0x2d8: {  	v12 =	vcvt.f32.s32 v7;
	v7 =	vshll.u32 v10, $0x7;
	v10 =	vadd.f32 $9.999999740e-06, v13;
	[tilespmem:v3+s9+$0x0] =	vst.idx.add.s32.msk $0xffff, v2  }
0x2d9: {  	vm0 =	vlt.f32 v18, v9;
	v7 =	vor.u32 v1, v7;
	v3 =	vld [tilespmem:s13+$0x160]  }
0x2da: {  	v13 =	vsel vm0, $0xFFFFFFFF, v0;
	v15 =	vld [tilespmem:s20+$0x10];
	v9 =	vtrunc.f32 v10;
	v18 =	vmul.f32 $2.500000000e+01, v6  }
.Ltmp0:
0x2db: {  	[tilespmem:v5+s9+$0x0] =	vst.idx.add.s32.msk $0xffff, v2;
	v10 =	vcvt.f32.s32 v9;
	v5 =	vadd.s32 v13, v17;
	(pc) =	sbr.rel @p0 .LBB2_2-.Ltmp0, $4  }
0x2dc: {  	v13 =	vld [tilespmem:s18+$0x50];
	v5 =	vshll.u32 v5, $0x7;
	v17 =	vadd.f32 $9.999999740e-06, v18  }
0x2dd: {  	vm0 =	vlt.f32 v14, v16;
	[tilespmem:v4+s9+$0x0] =	vst.idx.add.s32.msk $0xffff, v2;
	v9 =	vor.u32 v1, v5  }
0x2de: {  	v14 =	vld.idx.msk [tilespmem:v12+s8+$0x0], $0xffff;
	v5 =	vtrunc.f32 v17;
	v17 =	vsel vm0, $0xFFFFFFFF, v0;
	v4 =	vmul.f32 $2.500000000e+01, v3  }
0x2df: {  	s21 =	sadd.s32 $0x600, s21;
	v16 =	vmul.f32 $2.500000000e+01, v15;
	[tilespmem:v7+s9+$0x0] =	vst.idx.add.s32.msk $0xffff, v2;
	v7 =	vcvt.f32.s32 v5;
	v5 =	vadd.s32 v17, v19  }
0x2e0: {  	_ = 	snop  }
0x2e1: {  	v16 =	vadd.f32 $9.999999740e-06, v16;
	_ =	sdelay $0x1  }
0x2e2: {  	v16 =	vtrunc.f32 v16  }
0x2e3: {  	v16 =	vcvt.f32.s32 v16;
	_ =	sdelay $0x5  }
0x2e4: {  	v17 =	vld.idx.msk [tilespmem:v16+s8+$0x0], $0xffff;
	_ =	sdelay $0x4  }
0x2e5: {  	vm0 =	vlt.f32 v15, v17  }
0x2e6: {  	v15 =	vsel vm0, $0xFFFFFFFF, v0  }
0x2e7: {  	v15 =	vadd.s32 v15, v16  }
0x2e8: {  	v15 =	vshll.u32 v15, $0x7  }
0x2e9: {  	v15 =	vor.u32 v1, v15;
	_ =	sdelay $0x4  }
0x2ea: {  	[tilespmem:v15+s9+$0x0] =	vst.idx.add.s32.msk $0xffff, v2  }
0x2eb: {  	v15 =	vld [tilespmem:s20+$0x20];
	_ =	sdelay $0x4  }
0x2ec: {  	v44 =	vmul.f32 $2.500000000e+01, v15;
	_ =	sdelay $0x1  }
0x2ed: {  	v16 =	vadd.f32 $9.999999740e-06, v44;
	_ =	sdelay $0x1  }
0x2ee: {  	v16 =	vtrunc.f32 v16  }
0x2ef: {  	v16 =	vcvt.f32.s32 v16;
	_ =	sdelay $0x5  }
0x2f0: {  	v45 =	vld.idx.msk [tilespmem:v16+s8+$0x0], $0xffff;
	_ =	sdelay $0x4  }
0x2f1: {  	vm10 =	vlt.f32 v15, v45  }
0x2f2: {  	v15 =	vsel vm10, $0xFFFFFFFF, v0  }
0x2f3: {  	v15 =	vadd.s32 v15, v16  }
0x2f4: {  	v15 =	vshll.u32 v15, $0x7  }
0x2f5: {  	v15 =	vor.u32 v1, v15;
	_ =	sdelay $0x1  }
0x2f6: {  	v46 =	vld [tilespmem:s19+$0x30];
	_ =	sdelay $0x2  }
0x2f7: {  	[tilespmem:v15+s9+$0x0] =	vst.idx.add.s32.msk $0xffff, v2  }
0x2f8: {  	v15 =	vld [tilespmem:s20+$0x30]  }
0x2f9: {  	v47 =	vmul.f32 $2.500000000e+01, v46;
	_ =	sdelay $0x1  }
0x2fa: {  	v17 =	vadd.f32 $9.999999740e-06, v47;
	_ =	sdelay $0x1  }
0x2fb: {  	v17 =	vtrunc.f32 v17;
	v18 =	vmul.f32 $2.500000000e+01, v15  }
0x2fc: {  	v17 =	vcvt.f32.s32 v17  }
0x2fd: {  	v18 =	vadd.f32 $9.999999740e-06, v18;
	_ =	sdelay $0x1  }
0x2fe: {  	v18 =	vtrunc.f32 v18  }
0x2ff: {  	v18 =	vcvt.f32.s32 v18;
	_ =	sdelay $0x1  }
0x300: {  	v19 =	vld.idx.msk [tilespmem:v17+s8+$0x0], $0xffff;
	_ =	sdelay $0x3  }
0x301: {  	v20 =	vld.idx.msk [tilespmem:v18+s8+$0x0], $0xffff  }
0x302: {  	vm11 =	vlt.f32 v46, v19  }
0x303: {  	v16 =	vsel vm11, $0xFFFFFFFF, v0  }
0x304: {  	v16 =	vadd.s32 v16, v17  }
0x305: {  	v48 =	vshll.u32 v16, $0x7  }
0x306: {  	vm12 =	vlt.f32 v15, v20;
	v15 =	vor.u32 v1, v48  }
0x307: {  	v49 =	vsel vm12, $0xFFFFFFFF, v0  }
0x308: {  	v16 =	vadd.s32 v49, v18  }
0x309: {  	v16 =	vshll.u32 v16, $0x7  }
0x30a: {  	v16 =	vor.u32 v1, v16  }
0x30b: {  	[tilespmem:v15+s9+$0x0] =	vst.idx.add.s32.msk $0xffff, v2  }
0x30c: {  	v15 =	vld [tilespmem:s19+$0x40];
	_ =	sdelay $0x2  }
0x30d: {  	[tilespmem:v16+s9+$0x0] =	vst.idx.add.s32.msk $0xffff, v2  }
0x30e: {  	v16 =	vld [tilespmem:s20+$0x40]  }
0x30f: {  	v50 =	vmul.f32 $2.500000000e+01, v15;
	_ =	sdelay $0x1  }
0x310: {  	v17 =	vadd.f32 $9.999999740e-06, v50;
	_ =	sdelay $0x1  }
0x311: {  	v51 =	vmul.f32 $2.500000000e+01, v16;
	v17 =	vtrunc.f32 v17  }
0x312: {  	v17 =	vcvt.f32.s32 v17  }
0x313: {  	v18 =	vadd.f32 $9.999999740e-06, v51;
	_ =	sdelay $0x1  }
0x314: {  	v18 =	vtrunc.f32 v18  }
0x315: {  	v18 =	vcvt.f32.s32 v18;
	_ =	sdelay $0x1  }
0x316: {  	v52 =	vld.idx.msk [tilespmem:v17+s8+$0x0], $0xffff;
	_ =	sdelay $0x3  }
0x317: {  	v53 =	vld.idx.msk [tilespmem:v18+s8+$0x0], $0xffff  }
0x318: {  	vm13 =	vlt.f32 v15, v52  }
0x319: {  	v15 =	vsel vm13, $0xFFFFFFFF, v0  }
0x31a: {  	v15 =	vadd.s32 v15, v17  }
0x31b: {  	v15 =	vshll.u32 v15, $0x7  }
0x31c: {  	vm14 =	vlt.f32 v16, v53;
	v15 =	vor.u32 v1, v15  }
0x31d: {  	v16 =	vsel vm14, $0xFFFFFFFF, v0  }
0x31e: {  	v16 =	vadd.s32 v16, v18  }
0x31f: {  	v16 =	vshll.u32 v16, $0x7  }
0x320: {  	v16 =	vor.u32 v1, v16  }
0x321: {  	[tilespmem:v15+s9+$0x0] =	vst.idx.add.s32.msk $0xffff, v2  }
0x322: {  	v15 =	vld [tilespmem:s19+$0x50]  }
0x323: {  	v54 =	vmul.f32 $2.500000000e+01, v13;
	_ =	sdelay $0x1  }
0x324: {  	v17 =	vadd.f32 $9.999999740e-06, v54;
	[tilespmem:v16+s9+$0x0] =	vst.idx.add.s32.msk $0xffff, v2  }
0x325: {  	v16 =	vld [tilespmem:s20+$0x50]  }
0x326: {  	v17 =	vtrunc.f32 v17;
	v55 =	vmul.f32 $2.500000000e+01, v15  }
0x327: {  	v17 =	vcvt.f32.s32 v17  }
0x328: {  	v18 =	vadd.f32 $9.999999740e-06, v55;
	_ =	sdelay $0x1  }
0x329: {  	v56 =	vmul.f32 $2.500000000e+01, v16;
	v18 =	vtrunc.f32 v18  }
0x32a: {  	v18 =	vcvt.f32.s32 v18  }
0x32b: {  	v19 =	vadd.f32 $9.999999740e-06, v56  }
0x32c: {  	v57 =	vld.idx.msk [tilespmem:v17+s8+$0x0], $0xffff  }
0x32d: {  	v19 =	vtrunc.f32 v19  }
0x32e: {  	v19 =	vcvt.f32.s32 v19;
	_ =	sdelay $0x1  }
0x32f: {  	v21 =	vld.idx.msk [tilespmem:v18+s8+$0x0], $0xffff  }
0x330: {  	vm15 =	vlt.f32 v13, v57  }
0x331: {  	v13 =	vsel vm15, $0xFFFFFFFF, v0  }
0x332: {  	v13 =	vadd.s32 v13, v17  }
0x333: {  	v13 =	vshll.u32 v13, $0x7;
	v22 =	vld.idx.msk [tilespmem:v19+s8+$0x0], $0xffff  }
0x334: {  	v13 =	vor.u32 v1, v13;
	vm4 =	vlt.f32 v15, v21  }
0x335: {  	v15 =	vsel vm4, $0xFFFFFFFF, v0  }
0x336: {  	v15 =	vadd.s32 v15, v18  }
0x337: {  	v15 =	vshll.u32 v15, $0x7  }
0x338: {  	vm5 =	vlt.f32 v16, v22;
	v15 =	vor.u32 v1, v15  }
0x339: {  	[tilespmem:v13+s9+$0x0] =	vst.idx.add.s32.msk $0xffff, v2;
	v16 =	vsel vm5, $0xFFFFFFFF, v0  }
0x33a: {  	v13 =	vld [tilespmem:s18+$0x60];
	v16 =	vadd.s32 v16, v19  }
0x33b: {  	v16 =	vshll.u32 v16, $0x7  }
0x33c: {  	v16 =	vor.u32 v1, v16  }
0x33d: {  	[tilespmem:v15+s9+$0x0] =	vst.idx.add.s32.msk $0xffff, v2  }
0x33e: {  	v15 =	vld [tilespmem:s19+$0x60]  }
0x33f: {  	v58 =	vmul.f32 $2.500000000e+01, v13;
	_ =	sdelay $0x1  }
0x340: {  	v17 =	vadd.f32 $9.999999740e-06, v58;
	[tilespmem:v16+s9+$0x0] =	vst.idx.add.s32.msk $0xffff, v2  }
0x341: {  	v16 =	vld [tilespmem:s20+$0x60]  }
0x342: {  	v17 =	vtrunc.f32 v17;
	v59 =	vmul.f32 $2.500000000e+01, v15  }
0x343: {  	v17 =	vcvt.f32.s32 v17  }
0x344: {  	v18 =	vadd.f32 $9.999999740e-06, v59;
	_ =	sdelay $0x1  }
0x345: {  	v60 =	vmul.f32 $2.500000000e+01, v16;
	v18 =	vtrunc.f32 v18  }
0x346: {  	v18 =	vcvt.f32.s32 v18  }
0x347: {  	v19 =	vadd.f32 $9.999999740e-06, v60  }
0x348: {  	v61 =	vld.idx.msk [tilespmem:v17+s8+$0x0], $0xffff  }
0x349: {  	v19 =	vtrunc.f32 v19  }
0x34a: {  	v19 =	vcvt.f32.s32 v19;
	_ =	sdelay $0x1  }
0x34b: {  	v62 =	vld.idx.msk [tilespmem:v18+s8+$0x0], $0xffff  }
0x34c: {  	vm6 =	vlt.f32 v13, v61  }
0x34d: {  	v13 =	vsel vm6, $0xFFFFFFFF, v0  }
0x34e: {  	v13 =	vadd.s32 v13, v17  }
0x34f: {  	v13 =	vshll.u32 v13, $0x7;
	v63 =	vld.idx.msk [tilespmem:v19+s8+$0x0], $0xffff  }
0x350: {  	v13 =	vor.u32 v1, v13;
	vm7 =	vlt.f32 v15, v62  }
0x351: {  	v15 =	vsel vm7, $0xFFFFFFFF, v0  }
0x352: {  	v15 =	vadd.s32 v15, v18  }
0x353: {  	v15 =	vshll.u32 v15, $0x7  }
0x354: {  	vm8 =	vlt.f32 v16, v63;
	v15 =	vor.u32 v1, v15  }
0x355: {  	[tilespmem:v13+s9+$0x0] =	vst.idx.add.s32.msk $0xffff, v2;
	v16 =	vsel vm8, $0xFFFFFFFF, v0  }
0x356: {  	v13 =	vld [tilespmem:s18+$0x70];
	v16 =	vadd.s32 v16, v19  }
0x357: {  	v16 =	vshll.u32 v16, $0x7  }
0x358: {  	v16 =	vor.u32 v1, v16  }
0x359: {  	[tilespmem:v15+s9+$0x0] =	vst.idx.add.s32.msk $0xffff, v2  }
0x35a: {  	v15 =	vld [tilespmem:s19+$0x70]  }
0x35b: {  	v21 =	vmul.f32 $2.500000000e+01, v13;
	_ =	sdelay $0x1  }
0x35c: {  	v17 =	vadd.f32 $9.999999740e-06, v21;
	[tilespmem:v16+s9+$0x0] =	vst.idx.add.s32.msk $0xffff, v2  }
0x35d: {  	v16 =	vld [tilespmem:s20+$0x70]  }
0x35e: {  	v17 =	vtrunc.f32 v17;
	v22 =	vmul.f32 $2.500000000e+01, v15  }
0x35f: {  	v17 =	vcvt.f32.s32 v17  }
0x360: {  	v18 =	vadd.f32 $9.999999740e-06, v22;
	_ =	sdelay $0x1  }
0x361: {  	v23 =	vmul.f32 $2.500000000e+01, v16;
	v18 =	vtrunc.f32 v18  }
0x362: {  	v18 =	vcvt.f32.s32 v18  }
0x363: {  	v19 =	vadd.f32 $9.999999740e-06, v23  }
0x364: {  	v24 =	vld.idx.msk [tilespmem:v17+s8+$0x0], $0xffff  }
0x365: {  	v19 =	vtrunc.f32 v19  }
0x366: {  	vm9 =	vlt.f32 v11, v14;
	v19 =	vcvt.f32.s32 v19  }
0x367: {  	v11 =	vsel vm9, $0xFFFFFFFF, v0  }
0x368: {  	v11 =	vadd.s32 v11, v12;
	v25 =	vld.idx.msk [tilespmem:v18+s8+$0x0], $0xffff  }
0x369: {  	v11 =	vshll.u32 v11, $0x7;
	vm10 =	vlt.f32 v13, v24  }
0x36a: {  	v11 =	vor.u32 v1, v11;
	v27 =	vsel vm10, $0xFFFFFFFF, v0  }
0x36b: {  	v12 =	vadd.s32 v27, v17  }
0x36c: {  	v12 =	vshll.u32 v12, $0x7;
	v26 =	vld.idx.msk [tilespmem:v19+s8+$0x0], $0xffff  }
0x36d: {  	v12 =	vor.u32 v1, v12;
	vm11 =	vlt.f32 v15, v25  }
0x36e: {  	v28 =	vsel vm11, $0xFFFFFFFF, v0  }
0x36f: {  	[tilespmem:v11+s9+$0x0] =	vst.idx.add.s32.msk $0xffff, v2;
	v13 =	vadd.s32 v28, v18  }
0x370: {  	v30 =	vld [tilespmem:s17+$0x80];
	v13 =	vshll.u32 v13, $0x7  }
0x371: {  	vm12 =	vlt.f32 v16, v26;
	v13 =	vor.u32 v1, v13  }
0x372: {  	[tilespmem:v12+s9+$0x0] =	vst.idx.add.s32.msk $0xffff, v2;
	v14 =	vsel vm12, $0xFFFFFFFF, v0  }
0x373: {  	v12 =	vld [tilespmem:s18+$0x80];
	v14 =	vadd.s32 v14, v19  }
0x374: {  	v29 =	vshll.u32 v14, $0x7  }
0x375: {  	v31 =	vmul.f32 $2.500000000e+01, v30;
	v11 =	vor.u32 v1, v29  }
0x376: {  	[tilespmem:v13+s9+$0x0] =	vst.idx.add.s32.msk $0xffff, v2  }
0x377: {  	v15 =	vadd.f32 $9.999999740e-06, v31;
	v13 =	vld [tilespmem:s19+$0x80]  }
0x378: {  	v32 =	vmul.f32 $2.500000000e+01, v12  }
0x379: {  	v15 =	vtrunc.f32 v15  }
0x37a: {  	v15 =	vcvt.f32.s32 v15;
	v16 =	vadd.f32 $9.999999740e-06, v32;
	[tilespmem:v11+s9+$0x0] =	vst.idx.add.s32.msk $0xffff, v2  }
0x37b: {  	v11 =	vld [tilespmem:s20+$0x80]  }
0x37c: {  	v16 =	vtrunc.f32 v16;
	v33 =	vmul.f32 $2.500000000e+01, v13  }
0x37d: {  	v16 =	vcvt.f32.s32 v16  }
0x37e: {  	v17 =	vadd.f32 $9.999999740e-06, v33;
	_ =	sdelay $0x1  }
0x37f: {  	v35 =	vld.idx.msk [tilespmem:v15+s8+$0x0], $0xffff;
	v34 =	vmul.f32 $2.500000000e+01, v11;
	v17 =	vtrunc.f32 v17  }
0x380: {  	v17 =	vcvt.f32.s32 v17  }
0x381: {  	v18 =	vadd.f32 $9.999999740e-06, v34  }
0x382: {  	v36 =	vld.idx.msk [tilespmem:v16+s8+$0x0], $0xffff  }
0x383: {  	v18 =	vtrunc.f32 v18  }
0x384: {  	vm13 =	vlt.f32 v30, v35;
	v18 =	vcvt.f32.s32 v18  }
0x385: {  	v14 =	vsel vm13, $0xFFFFFFFF, v0  }
0x386: {  	v14 =	vadd.s32 v14, v15;
	v37 =	vld.idx.msk [tilespmem:v17+s8+$0x0], $0xffff  }
0x387: {  	v39 =	vshll.u32 v14, $0x7;
	vm14 =	vlt.f32 v12, v36  }
0x388: {  	v12 =	vor.u32 v1, v39;
	v40 =	vsel vm14, $0xFFFFFFFF, v0  }
0x389: {  	v14 =	vadd.s32 v40, v16  }
0x38a: {  	v41 =	vshll.u32 v14, $0x7;
	v38 =	vld.idx.msk [tilespmem:v18+s8+$0x0], $0xffff  }
0x38b: {  	vm15 =	vlt.f32 v13, v37;
	v13 =	vor.u32 v1, v41  }
0x38c: {  	v42 =	vsel vm15, $0xFFFFFFFF, v0  }
0x38d: {  	[tilespmem:v12+s9+$0x0] =	vst.idx.add.s32.msk $0xffff, v2;
	v14 =	vadd.s32 v42, v17  }
0x38e: {  	v46 =	vld [tilespmem:s17+$0x90];
	v43 =	vshll.u32 v14, $0x7  }
0x38f: {  	vm4 =	vlt.f32 v11, v38;
	v11 =	vor.u32 v1, v43  }
0x390: {  	v44 =	vsel vm4, $0xFFFFFFFF, v0;
	[tilespmem:v13+s9+$0x0] =	vst.idx.add.s32.msk $0xffff, v2  }
0x391: {  	v14 =	vadd.s32 v44, v18;
	v13 =	vld [tilespmem:s18+$0x90]  }
0x392: {  	v45 =	vshll.u32 v14, $0x7  }
0x393: {  	v47 =	vmul.f32 $2.500000000e+01, v46;
	v12 =	vor.u32 v1, v45  }
0x394: {  	[tilespmem:v11+s9+$0x0] =	vst.idx.add.s32.msk $0xffff, v2  }
0x395: {  	v15 =	vadd.f32 $9.999999740e-06, v47;
	v11 =	vld [tilespmem:s19+$0x90]  }
0x396: {  	v48 =	vmul.f32 $2.500000000e+01, v13  }
0x397: {  	v15 =	vtrunc.f32 v15  }
0x398: {  	v15 =	vcvt.f32.s32 v15;
	[tilespmem:v12+s9+$0x0] =	vst.idx.add.s32.msk $0xffff, v2;
	v16 =	vadd.f32 $9.999999740e-06, v48  }
0x399: {  	v12 =	vld [tilespmem:s20+$0x90]  }
0x39a: {  	v49 =	vmul.f32 $2.500000000e+01, v11;
	v16 =	vtrunc.f32 v16  }
0x39b: {  	v16 =	vcvt.f32.s32 v16  }
0x39c: {  	v17 =	vadd.f32 $9.999999740e-06, v49;
	_ =	sdelay $0x1  }
0x39d: {  	v51 =	vld.idx.msk [tilespmem:v15+s8+$0x0], $0xffff;
	v50 =	vmul.f32 $2.500000000e+01, v12;
	v17 =	vtrunc.f32 v17  }
0x39e: {  	v17 =	vcvt.f32.s32 v17  }
0x39f: {  	v18 =	vadd.f32 $9.999999740e-06, v50  }
0x3a0: {  	v52 =	vld.idx.msk [tilespmem:v16+s8+$0x0], $0xffff  }
0x3a1: {  	v18 =	vtrunc.f32 v18  }
0x3a2: {  	vm5 =	vlt.f32 v46, v51;
	v18 =	vcvt.f32.s32 v18  }
0x3a3: {  	v14 =	vsel vm5, $0xFFFFFFFF, v0  }
0x3a4: {  	v14 =	vadd.s32 v14, v15;
	v53 =	vld.idx.msk [tilespmem:v17+s8+$0x0], $0xffff  }
0x3a5: {  	v55 =	vshll.u32 v14, $0x7;
	vm6 =	vlt.f32 v13, v52  }
0x3a6: {  	v13 =	vor.u32 v1, v55;
	v56 =	vsel vm6, $0xFFFFFFFF, v0  }
0x3a7: {  	v14 =	vadd.s32 v56, v16  }
0x3a8: {  	v54 =	vld.idx.msk [tilespmem:v18+s8+$0x0], $0xffff;
	v57 =	vshll.u32 v14, $0x7  }
0x3a9: {  	vm7 =	vlt.f32 v11, v53;
	v11 =	vor.u32 v1, v57  }
0x3aa: {  	v61 =	vld [tilespmem:s16+$0xA0];
	v58 =	vsel vm7, $0xFFFFFFFF, v0  }
0x3ab: {  	[tilespmem:v13+s9+$0x0] =	vst.idx.add.s32.msk $0xffff, v2;
	v14 =	vadd.s32 v58, v17  }
0x3ac: {  	v63 =	vld [tilespmem:s17+$0xA0];
	v59 =	vshll.u32 v14, $0x7  }
0x3ad: {  	vm8 =	vlt.f32 v12, v54;
	v12 =	vor.u32 v1, v59  }
0x3ae: {  	v60 =	vsel vm8, $0xFFFFFFFF, v0;
	[tilespmem:v11+s9+$0x0] =	vst.idx.add.s32.msk $0xffff, v2  }
0x3af: {  	v23 =	vmul.f32 $2.500000000e+01, v61;
	v14 =	vadd.s32 v60, v18;
	v11 =	vld [tilespmem:s18+$0xA0]  }
0x3b0: {  	v62 =	vshll.u32 v14, $0x7  }
0x3b1: {  	v16 =	vadd.f32 $9.999999740e-06, v23;
	v24 =	vmul.f32 $2.500000000e+01, v63;
	v13 =	vor.u32 v1, v62  }
0x3b2: {  	[tilespmem:v12+s9+$0x0] =	vst.idx.add.s32.msk $0xffff, v2  }
0x3b3: {  	v16 =	vtrunc.f32 v16;
	v17 =	vadd.f32 $9.999999740e-06, v24;
	v12 =	vld [tilespmem:s19+$0xA0]  }
0x3b4: {  	v16 =	vcvt.f32.s32 v16;
	v25 =	vmul.f32 $2.500000000e+01, v11  }
0x3b5: {  	v17 =	vtrunc.f32 v17  }
0x3b6: {  	v17 =	vcvt.f32.s32 v17;
	[tilespmem:v13+s9+$0x0] =	vst.idx.add.s32.msk $0xffff, v2;
	v18 =	vadd.f32 $9.999999740e-06, v25  }
0x3b7: {  	v13 =	vld [tilespmem:s20+$0xA0]  }
0x3b8: {  	v26 =	vmul.f32 $2.500000000e+01, v12;
	v18 =	vtrunc.f32 v18  }
0x3b9: {  	v18 =	vcvt.f32.s32 v18  }
0x3ba: {  	v28 =	vld.idx.msk [tilespmem:v16+s8+$0x0], $0xffff;
	v19 =	vadd.f32 $9.999999740e-06, v26;
	_ =	sdelay $0x1  }
0x3bb: {  	v29 =	vld.idx.msk [tilespmem:v17+s8+$0x0], $0xffff;
	v27 =	vmul.f32 $2.500000000e+01, v13;
	v19 =	vtrunc.f32 v19  }
0x3bc: {  	v19 =	vcvt.f32.s32 v19  }
0x3bd: {  	v20 =	vadd.f32 $9.999999740e-06, v27  }
0x3be: {  	vm9 =	vlt.f32 v61, v28;
	v23 =	vld.idx.msk [tilespmem:v18+s8+$0x0], $0xffff  }
0x3bf: {  	v15 =	vsel vm9, $0xFFFFFFFF, v0;
	v20 =	vtrunc.f32 v20  }
0x3c0: {  	v15 =	vadd.s32 v15, v16;
	vm10 =	vlt.f32 v63, v29;
	v20 =	vcvt.f32.s32 v20  }
0x3c1: {  	v31 =	vshll.u32 v15, $0x7;
	v32 =	vsel vm10, $0xFFFFFFFF, v0  }
0x3c2: {  	v14 =	vor.u32 v1, v31;
	v15 =	vadd.s32 v32, v17;
	v30 =	vld.idx.msk [tilespmem:v19+s8+$0x0], $0xffff  }
0x3c3: {  	v34 =	vshll.u32 v15, $0x7;
	vm11 =	vlt.f32 v11, v23  }
0x3c4: {  	v11 =	vor.u32 v1, v34;
	v35 =	vsel vm11, $0xFFFFFFFF, v0  }
0x3c5: {  	v15 =	vadd.s32 v35, v18  }
0x3c6: {  	v33 =	vld.idx.msk [tilespmem:v20+s8+$0x0], $0xffff;
	v36 =	vshll.u32 v15, $0x7  }
0x3c7: {  	[tilespmem:v14+s9+$0x0] =	vst.idx.add.s32.msk $0xffff, v2;
	vm12 =	vlt.f32 v12, v30;
	v12 =	vor.u32 v1, v36  }
0x3c8: {  	v40 =	vld [tilespmem:s16+$0xB0];
	v37 =	vsel vm12, $0xFFFFFFFF, v0  }
0x3c9: {  	[tilespmem:v11+s9+$0x0] =	vst.idx.add.s32.msk $0xffff, v2;
	v15 =	vadd.s32 v37, v19  }
0x3ca: {  	v42 =	vld [tilespmem:s17+$0xB0];
	v38 =	vshll.u32 v15, $0x7  }
0x3cb: {  	vm13 =	vlt.f32 v13, v33;
	v13 =	vor.u32 v1, v38  }
0x3cc: {  	v39 =	vsel vm13, $0xFFFFFFFF, v0;
	[tilespmem:v12+s9+$0x0] =	vst.idx.add.s32.msk $0xffff, v2  }
0x3cd: {  	v43 =	vmul.f32 $2.500000000e+01, v40;
	v14 =	vadd.s32 v39, v20;
	v12 =	vld [tilespmem:s18+$0xB0]  }
0x3ce: {  	v41 =	vshll.u32 v14, $0x7  }
0x3cf: {  	v16 =	vadd.f32 $9.999999740e-06, v43;
	v44 =	vmul.f32 $2.500000000e+01, v42;
	v11 =	vor.u32 v1, v41  }
0x3d0: {  	[tilespmem:v13+s9+$0x0] =	vst.idx.add.s32.msk $0xffff, v2  }
0x3d1: {  	v16 =	vtrunc.f32 v16;
	v17 =	vadd.f32 $9.999999740e-06, v44;
	v13 =	vld [tilespmem:s19+$0xB0]  }
0x3d2: {  	v16 =	vcvt.f32.s32 v16;
	v45 =	vmul.f32 $2.500000000e+01, v12  }
0x3d3: {  	v17 =	vtrunc.f32 v17  }
0x3d4: {  	v17 =	vcvt.f32.s32 v17;
	[tilespmem:v11+s9+$0x0] =	vst.idx.add.s32.msk $0xffff, v2;
	v18 =	vadd.f32 $9.999999740e-06, v45  }
0x3d5: {  	v11 =	vld [tilespmem:s20+$0xB0]  }
0x3d6: {  	v46 =	vmul.f32 $2.500000000e+01, v13;
	v18 =	vtrunc.f32 v18  }
0x3d7: {  	v18 =	vcvt.f32.s32 v18  }
0x3d8: {  	v48 =	vld.idx.msk [tilespmem:v16+s8+$0x0], $0xffff;
	v19 =	vadd.f32 $9.999999740e-06, v46;
	_ =	sdelay $0x1  }
0x3d9: {  	v49 =	vld.idx.msk [tilespmem:v17+s8+$0x0], $0xffff;
	v47 =	vmul.f32 $2.500000000e+01, v11;
	v19 =	vtrunc.f32 v19  }
0x3da: {  	v19 =	vcvt.f32.s32 v19  }
0x3db: {  	v20 =	vadd.f32 $9.999999740e-06, v47  }
0x3dc: {  	vm14 =	vlt.f32 v40, v48;
	v50 =	vld.idx.msk [tilespmem:v18+s8+$0x0], $0xffff  }
0x3dd: {  	v15 =	vsel vm14, $0xFFFFFFFF, v0;
	v20 =	vtrunc.f32 v20  }
0x3de: {  	v15 =	vadd.s32 v15, v16;
	vm15 =	vlt.f32 v42, v49;
	v20 =	vcvt.f32.s32 v20  }
0x3df: {  	v52 =	vshll.u32 v15, $0x7;
	v53 =	vsel vm15, $0xFFFFFFFF, v0  }
0x3e0: {  	v14 =	vor.u32 v1, v52;
	v15 =	vadd.s32 v53, v17;
	v51 =	vld.idx.msk [tilespmem:v19+s8+$0x0], $0xffff  }
0x3e1: {  	v55 =	vshll.u32 v15, $0x7;
	vm4 =	vlt.f32 v12, v50  }
0x3e2: {  	v12 =	vor.u32 v1, v55;
	v56 =	vsel vm4, $0xFFFFFFFF, v0  }
0x3e3: {  	v26 =	vld.idx.msk [tilespmem:v10+s8+$0x0], $0xffff;
	v15 =	vadd.s32 v56, v18  }
0x3e4: {  	v54 =	vld.idx.msk [tilespmem:v20+s8+$0x0], $0xffff;
	v57 =	vshll.u32 v15, $0x7  }
0x3e5: {  	[tilespmem:v14+s9+$0x0] =	vst.idx.add.s32.msk $0xffff, v2;
	vm5 =	vlt.f32 v13, v51;
	v13 =	vor.u32 v1, v57  }
0x3e6: {  	v61 =	vld [tilespmem:s16+$0xC0];
	v58 =	vsel vm5, $0xFFFFFFFF, v0  }
0x3e7: {  	[tilespmem:v12+s9+$0x0] =	vst.idx.add.s32.msk $0xffff, v2;
	v15 =	vadd.s32 v58, v19  }
0x3e8: {  	v63 =	vld [tilespmem:s17+$0xC0];
	v59 =	vshll.u32 v15, $0x7  }
0x3e9: {  	vm6 =	vlt.f32 v11, v54;
	v11 =	vor.u32 v1, v59  }
0x3ea: {  	v60 =	vsel vm6, $0xFFFFFFFF, v0;
	[tilespmem:v13+s9+$0x0] =	vst.idx.add.s32.msk $0xffff, v2  }
0x3eb: {  	vm7 =	vlt.f32 v8, v26;
	v21 =	vmul.f32 $2.500000000e+01, v61;
	v14 =	vadd.s32 v60, v20;
	v13 =	vld [tilespmem:s18+$0xC0]  }
0x3ec: {  	v8 =	vsel vm7, $0xFFFFFFFF, v0;
	v62 =	vshll.u32 v14, $0x7  }
0x3ed: {  	v16 =	vadd.f32 $9.999999740e-06, v21;
	v22 =	vmul.f32 $2.500000000e+01, v63;
	v12 =	vor.u32 v1, v62  }
0x3ee: {  	v8 =	vadd.s32 v8, v10;
	[tilespmem:v11+s9+$0x0] =	vst.idx.add.s32.msk $0xffff, v2  }
0x3ef: {  	v8 =	vshll.u32 v8, $0x7;
	v16 =	vtrunc.f32 v16;
	v17 =	vadd.f32 $9.999999740e-06, v22;
	v11 =	vld [tilespmem:s19+$0xC0]  }
0x3f0: {  	v8 =	vor.u32 v1, v8;
	v16 =	vcvt.f32.s32 v16;
	v23 =	vmul.f32 $2.500000000e+01, v13  }
0x3f1: {  	v17 =	vtrunc.f32 v17  }
0x3f2: {  	v17 =	vcvt.f32.s32 v17;
	[tilespmem:v12+s9+$0x0] =	vst.idx.add.s32.msk $0xffff, v2;
	v18 =	vadd.f32 $9.999999740e-06, v23  }
0x3f3: {  	v12 =	vld [tilespmem:s20+$0xC0]  }
0x3f4: {  	v24 =	vmul.f32 $2.500000000e+01, v11;
	v18 =	vtrunc.f32 v18  }
0x3f5: {  	[tilespmem:v8+s9+$0x0] =	vst.idx.add.s32.msk $0xffff, v2;
	v18 =	vcvt.f32.s32 v18  }
0x3f6: {  	v27 =	vld.idx.msk [tilespmem:v16+s8+$0x0], $0xffff;
	v19 =	vadd.f32 $9.999999740e-06, v24  }
0x3f7: {  	v36 =	vld [tilespmem:s15+$0xD0]  }
0x3f8: {  	v28 =	vld.idx.msk [tilespmem:v17+s8+$0x0], $0xffff;
	v25 =	vmul.f32 $2.500000000e+01, v12;
	v19 =	vtrunc.f32 v19  }
0x3f9: {  	v19 =	vcvt.f32.s32 v19  }
0x3fa: {  	v20 =	vadd.f32 $9.999999740e-06, v25  }
0x3fb: {  	vm8 =	vlt.f32 v61, v27;
	v29 =	vld.idx.msk [tilespmem:v18+s8+$0x0], $0xffff  }
0x3fc: {  	v40 =	vmul.f32 $2.500000000e+01, v36;
	v30 =	vsel vm8, $0xFFFFFFFF, v0;
	v20 =	vtrunc.f32 v20  }
0x3fd: {  	v10 =	vadd.s32 v30, v16;
	vm9 =	vlt.f32 v63, v28;
	v20 =	vcvt.f32.s32 v20  }
0x3fe: {  	v10 =	vshll.u32 v10, $0x7;
	v14 =	vsel vm9, $0xFFFFFFFF, v0  }
0x3ff: {  	v15 =	vadd.f32 $9.999999740e-06, v40;
	v10 =	vor.u32 v1, v10;
	v14 =	vadd.s32 v14, v17;
	v31 =	vld.idx.msk [tilespmem:v19+s8+$0x0], $0xffff  }
0x400: {  	v33 =	vshll.u32 v14, $0x7;
	vm10 =	vlt.f32 v13, v29  }
0x401: {  	v15 =	vtrunc.f32 v15;
	v13 =	vor.u32 v1, v33;
	v34 =	vsel vm10, $0xFFFFFFFF, v0  }
0x402: {  	v43 =	vcvt.f32.s32 v15;
	v14 =	vadd.s32 v34, v18  }
0x403: {  	v32 =	vld.idx.msk [tilespmem:v20+s8+$0x0], $0xffff;
	v35 =	vshll.u32 v14, $0x7  }
0x404: {  	[tilespmem:v10+s9+$0x0] =	vst.idx.add.s32.msk $0xffff, v2;
	vm11 =	vlt.f32 v11, v31;
	v8 =	vor.u32 v1, v35  }
0x405: {  	v39 =	vld [tilespmem:s16+$0xD0];
	v11 =	vsel vm11, $0xFFFFFFFF, v0  }
0x406: {  	[tilespmem:v13+s9+$0x0] =	vst.idx.add.s32.msk $0xffff, v2;
	v11 =	vadd.s32 v11, v19  }
0x407: {  	v13 =	vld [tilespmem:s17+$0xD0];
	v37 =	vshll.u32 v11, $0x7  }
0x408: {  	v48 =	vld.idx.msk [tilespmem:v43+s8+$0x0], $0xffff;
	vm12 =	vlt.f32 v12, v32;
	v10 =	vor.u32 v1, v37  }
0x409: {  	v38 =	vsel vm12, $0xFFFFFFFF, v0;
	[tilespmem:v8+s9+$0x0] =	vst.idx.add.s32.msk $0xffff, v2  }
0x40a: {  	v41 =	vmul.f32 $2.500000000e+01, v39;
	v11 =	vadd.s32 v38, v20;
	v8 =	vld [tilespmem:s18+$0xD0]  }
0x40b: {  	v11 =	vshll.u32 v11, $0x7  }
0x40c: {  	v16 =	vadd.f32 $9.999999740e-06, v41;
	v42 =	vmul.f32 $2.500000000e+01, v13;
	v11 =	vor.u32 v1, v11  }
0x40d: {  	[tilespmem:v10+s9+$0x0] =	vst.idx.add.s32.msk $0xffff, v2  }
0x40e: {  	v16 =	vtrunc.f32 v16;
	v17 =	vadd.f32 $9.999999740e-06, v42;
	v10 =	vld [tilespmem:s19+$0xD0]  }
0x40f: {  	vm13 =	vlt.f32 v36, v48;
	v16 =	vcvt.f32.s32 v16;
	v45 =	vmul.f32 $2.500000000e+01, v8  }
0x410: {  	v14 =	vsel vm13, $0xFFFFFFFF, v0;
	v17 =	vtrunc.f32 v17  }
0x411: {  	v17 =	vcvt.f32.s32 v17;
	[tilespmem:v11+s9+$0x0] =	vst.idx.add.s32.msk $0xffff, v2;
	v18 =	vadd.f32 $9.999999740e-06, v45;
	v11 =	vadd.s32 v14, v43  }
0x412: {  	v11 =	vshll.u32 v11, $0x7  }
0x413: {  	v44 =	vld [tilespmem:s20+$0xD0];
	v46 =	vmul.f32 $2.500000000e+01, v10;
	v18 =	vtrunc.f32 v18;
	v11 =	vor.u32 v1, v11  }
0x414: {  	v18 =	vcvt.f32.s32 v18  }
0x415: {  	v49 =	vld.idx.msk [tilespmem:v16+s8+$0x0], $0xffff;
	v19 =	vadd.f32 $9.999999740e-06, v46;
	_ =	sdelay $0x1  }
0x416: {  	v50 =	vld.idx.msk [tilespmem:v17+s8+$0x0], $0xffff;
	v19 =	vtrunc.f32 v19  }
0x417: {  	v47 =	vmul.f32 $2.500000000e+01, v44;
	v19 =	vcvt.f32.s32 v19;
	[tilespmem:v11+s9+$0x0] =	vst.idx.add.s32.msk $0xffff, v2  }
0x418: {  	v11 =	vld [tilespmem:s15+$0xE0]  }
0x419: {  	vm14 =	vlt.f32 v39, v49;
	v20 =	vadd.f32 $9.999999740e-06, v47;
	v51 =	vld.idx.msk [tilespmem:v18+s8+$0x0], $0xffff  }
0x41a: {  	v12 =	vsel vm14, $0xFFFFFFFF, v0  }
0x41b: {  	v12 =	vadd.s32 v12, v16;
	v20 =	vtrunc.f32 v20  }
0x41c: {  	v12 =	vshll.u32 v12, $0x7;
	vm15 =	vlt.f32 v13, v50;
	v20 =	vcvt.f32.s32 v20  }
0x41d: {  	v12 =	vor.u32 v1, v12;
	v13 =	vsel vm15, $0xFFFFFFFF, v0;
	v52 =	vld.idx.msk [tilespmem:v19+s8+$0x0], $0xffff  }
0x41e: {  	v13 =	vadd.s32 v13, v17;
	v60 =	vmul.f32 $2.500000000e+01, v11;
	vm4 =	vlt.f32 v8, v51  }
0x41f: {  	v54 =	vshll.u32 v13, $0x7;
	v55 =	vsel vm4, $0xFFFFFFFF, v0  }
0x420: {  	[tilespmem:v9+s9+$0x0] =	vst.idx.add.s32.msk $0xffff, v2;
	v8 =	vor.u32 v1, v54;
	v14 =	vadd.f32 $9.999999740e-06, v60;
	v9 =	vadd.s32 v55, v18  }
0x421: {  	v9 =	vshll.u32 v9, $0x7  }
0x422: {  	v53 =	vld.idx.msk [tilespmem:v20+s8+$0x0], $0xffff;
	v14 =	vtrunc.f32 v14;
	vm5 =	vlt.f32 v10, v52;
	v9 =	vor.u32 v1, v9  }
0x423: {  	[tilespmem:v12+s9+$0x0] =	vst.idx.add.s32.msk $0xffff, v2;
	v63 =	vcvt.f32.s32 v14;
	v10 =	vsel vm5, $0xFFFFFFFF, v0  }
0x424: {  	v57 =	vld [tilespmem:s16+$0xE0];
	v10 =	vadd.s32 v10, v19  }
0x425: {  	[tilespmem:v8+s9+$0x0] =	vst.idx.add.s32.msk $0xffff, v2;
	v10 =	vshll.u32 v10, $0x7  }
0x426: {  	v59 =	vld [tilespmem:s17+$0xE0];
	v10 =	vor.u32 v1, v10  }
0x427: {  	vm6 =	vlt.f32 v44, v53;
	[tilespmem:v9+s9+$0x0] =	vst.idx.add.s32.msk $0xffff, v2  }
0x428: {  	v56 =	vsel vm6, $0xFFFFFFFF, v0;
	v9 =	vld [tilespmem:s18+$0xE0]  }
0x429: {  	v61 =	vmul.f32 $2.500000000e+01, v57;
	v12 =	vadd.s32 v56, v20;
	v35 =	vld.idx.msk [tilespmem:v63+s8+$0x0], $0xffff  }
0x42a: {  	v32 =	vld.idx.msk [tilespmem:v7+s8+$0x0], $0xffff;
	v58 =	vshll.u32 v12, $0x7  }
0x42b: {  	v15 =	vadd.f32 $9.999999740e-06, v61;
	v62 =	vmul.f32 $2.500000000e+01, v59;
	v8 =	vor.u32 v1, v58;
	[tilespmem:v10+s9+$0x0] =	vst.idx.add.s32.msk $0xffff, v2  }
0x42c: {  	v10 =	vld [tilespmem:s19+$0xE0]  }
0x42d: {  	v15 =	vtrunc.f32 v15;
	v16 =	vadd.f32 $9.999999740e-06, v62  }
0x42e: {  	v15 =	vcvt.f32.s32 v15;
	v30 =	vmul.f32 $2.500000000e+01, v9;
	vm8 =	vlt.f32 v11, v35  }
0x42f: {  	v29 =	vld [tilespmem:s14+$0xF0];
	v16 =	vtrunc.f32 v16;
	v11 =	vsel vm8, $0xFFFFFFFF, v0  }
0x430: {  	v16 =	vcvt.f32.s32 v16;
	[tilespmem:v8+s9+$0x0] =	vst.idx.add.s32.msk $0xffff, v2;
	v18 =	vadd.f32 $9.999999740e-06, v30;
	v8 =	vadd.s32 v11, v63  }
0x431: {  	vm7 =	vlt.f32 v6, v32;
	v28 =	vld [tilespmem:s20+$0xE0];
	v8 =	vshll.u32 v8, $0x7;
	v31 =	vmul.f32 $2.500000000e+01, v10  }
0x432: {  	v38 =	vsel vm7, $0xFFFFFFFF, v0;
	v18 =	vtrunc.f32 v18;
	v8 =	vor.u32 v1, v8  }
0x433: {  	v40 =	vadd.s32 v38, v7;
	v18 =	vcvt.f32.s32 v18;
	v19 =	vadd.f32 $9.999999740e-06, v31  }
0x434: {  	v34 =	vmul.f32 $2.500000000e+01, v29;
	v7 =	vshll.u32 v40, $0x7;
	v24 =	vld.idx.msk [tilespmem:v15+s8+$0x0], $0xffff  }
0x435: {  	v7 =	vor.u32 v1, v7;
	v19 =	vtrunc.f32 v19  }
0x436: {  	v22 =	vadd.f32 $9.999999740e-06, v34;
	v39 =	vld.idx.msk [tilespmem:v16+s8+$0x0], $0xffff;
	v33 =	vmul.f32 $2.500000000e+01, v28;
	v19 =	vcvt.f32.s32 v19  }
0x437: {  	[tilespmem:v8+s9+$0x0] =	vst.idx.add.s32.msk $0xffff, v2  }
0x438: {  	v37 =	vtrunc.f32 v22;
	v21 =	vadd.f32 $9.999999740e-06, v33;
	v50 =	vld [tilespmem:s15+$0xF0]  }
0x439: {  	v20 =	vcvt.f32.s32 v37;
	vm9 =	vlt.f32 v57, v24;
	v41 =	vld.idx.msk [tilespmem:v18+s8+$0x0], $0xffff  }
0x43a: {  	[tilespmem:v7+s9+$0x0] =	vst.idx.add.s32.msk $0xffff, v2;
	v42 =	vsel vm9, $0xFFFFFFFF, v0;
	v36 =	vtrunc.f32 v21  }
0x43b: {  	v47 =	vld [tilespmem:s12+$0x120];
	v11 =	vadd.s32 v42, v15;
	v6 =	vcvt.f32.s32 v36  }
0x43c: {  	v11 =	vshll.u32 v11, $0x7;
	vm10 =	vlt.f32 v59, v39;
	v43 =	vld.idx.msk [tilespmem:v19+s8+$0x0], $0xffff  }
0x43d: {  	v11 =	vor.u32 v1, v11;
	v12 =	vsel vm10, $0xFFFFFFFF, v0  }
0x43e: {  	v12 =	vadd.s32 v12, v16;
	v57 =	vmul.f32 $2.500000000e+01, v50;
	vm11 =	vlt.f32 v9, v41  }
0x43f: {  	v45 =	vld.idx.msk [tilespmem:v20+s8+$0x0], $0xffff;
	v46 =	vshll.u32 v12, $0x7;
	v9 =	vsel vm11, $0xFFFFFFFF, v0  }
0x440: {  	v7 =	vor.u32 v1, v46;
	v15 =	vadd.f32 $9.999999740e-06, v57;
	v9 =	vadd.s32 v9, v18  }
0x441: {  	v54 =	vmul.f32 $2.500000000e+01, v47;
	v44 =	vld.idx.msk [tilespmem:v6+s8+$0x0], $0xffff;
	v48 =	vshll.u32 v9, $0x7;
	vm12 =	vlt.f32 v10, v43  }
0x442: {  	[tilespmem:v11+s9+$0x0] =	vst.idx.add.s32.msk $0xffff, v2;
	v15 =	vtrunc.f32 v15;
	v8 =	vor.u32 v1, v48;
	v49 =	vsel vm12, $0xFFFFFFFF, v0  }
0x443: {  	v14 =	vadd.f32 $9.999999740e-06, v54;
	v52 =	vld [tilespmem:s16+$0xF0];
	v62 =	vcvt.f32.s32 v15;
	v9 =	vadd.s32 v49, v19  }
0x444: {  	vm14 =	vlt.f32 v29, v45;
	v9 =	vshll.u32 v9, $0x7  }
0x445: {  	v14 =	vtrunc.f32 v14;
	v53 =	vsel vm14, $0xFFFFFFFF, v0;
	[tilespmem:v7+s9+$0x0] =	vst.idx.add.s32.msk $0xffff, v2;
	v9 =	vor.u32 v1, v9  }
0x446: {  	v55 =	vadd.s32 v53, v20;
	v59 =	vcvt.f32.s32 v14;
	v56 =	vld [tilespmem:s17+$0xF0];
	vm13 =	vlt.f32 v28, v44  }
0x447: {  	v7 =	vshll.u32 v55, $0x7;
	v51 =	vsel vm13, $0xFFFFFFFF, v0;
	[tilespmem:v8+s9+$0x0] =	vst.idx.add.s32.msk $0xffff, v2  }
0x448: {  	v58 =	vmul.f32 $2.500000000e+01, v52;
	v7 =	vor.u32 v1, v7;
	v6 =	vadd.s32 v51, v6;
	v8 =	vld [tilespmem:s18+$0xF0]  }
0x449: {  	v34 =	vld.idx.msk [tilespmem:v62+s8+$0x0], $0xffff;
	v6 =	vshll.u32 v6, $0x7  }
0x44a: {  	v16 =	vadd.f32 $9.999999740e-06, v58;
	v6 =	vor.u32 v1, v6;
	[tilespmem:v9+s9+$0x0] =	vst.idx.add.s32.msk $0xffff, v2  }
0x44b: {  	v61 =	vmul.f32 $2.500000000e+01, v56;
	v60 =	vld [tilespmem:s19+$0xF0]  }
0x44c: {  	v32 =	vld.idx.msk [tilespmem:v59+s8+$0x0], $0xffff;
	v27 =	vtrunc.f32 v16  }
0x44d: {  	[tilespmem:v7+s9+$0x0] =	vst.idx.add.s32.msk $0xffff, v2;
	v7 =	vcvt.f32.s32 v27;
	v28 =	vadd.f32 $9.999999740e-06, v61  }
0x44e: {  	v30 =	vld [tilespmem:s14+$0x100];
	v29 =	vmul.f32 $2.500000000e+01, v8  }
0x44f: {  	v16 =	vtrunc.f32 v28;
	vm4 =	vlt.f32 v50, v34;
	[tilespmem:v6+s9+$0x0] =	vst.idx.add.s32.msk $0xffff, v2  }
0x450: {  	v40 =	vsel vm4, $0xFFFFFFFF, v0;
	v17 =	vadd.f32 $9.999999740e-06, v29;
	v63 =	vld [tilespmem:s20+$0xF0];
	v31 =	vmul.f32 $2.500000000e+01, v60  }
0x451: {  	v16 =	vcvt.f32.s32 v16;
	v6 =	vadd.s32 v40, v62  }
0x452: {  	v6 =	vshll.u32 v6, $0x7;
	v17 =	vtrunc.f32 v17;
	v19 =	vadd.f32 $9.999999740e-06, v31  }
0x453: {  	v36 =	vld.idx.msk [tilespmem:v7+s8+$0x0], $0xffff;
	v6 =	vor.u32 v1, v6;
	v17 =	vcvt.f32.s32 v17  }
0x454: {  	vm15 =	vlt.f32 v47, v32;
	v35 =	vmul.f32 $2.500000000e+01, v30;
	v19 =	vtrunc.f32 v19  }
0x455: {  	v20 =	vsel vm15, $0xFFFFFFFF, v0;
	v33 =	vmul.f32 $2.500000000e+01, v63;
	v19 =	vcvt.f32.s32 v19  }
0x456: {  	v9 =	vadd.s32 v20, v59;
	v23 =	vadd.f32 $9.999999740e-06, v35  }
0x457: {  	v9 =	vshll.u32 v9, $0x7;
	v38 =	vld.idx.msk [tilespmem:v16+s8+$0x0], $0xffff;
	v21 =	vadd.f32 $9.999999740e-06, v33  }
0x458: {  	v9 =	vor.u32 v1, v9;
	v23 =	vtrunc.f32 v23;
	vm5 =	vlt.f32 v52, v36;
	[tilespmem:v6+s9+$0x0] =	vst.idx.add.s32.msk $0xffff, v2  }
0x459: {  	v39 =	vcvt.f32.s32 v23;
	v13 =	vsel vm5, $0xFFFFFFFF, v0;
	v41 =	vld.idx.msk [tilespmem:v17+s8+$0x0], $0xffff;
	v37 =	vtrunc.f32 v21  }
0x45a: {  	v7 =	vadd.s32 v13, v7;
	v49 =	vld [tilespmem:s15+$0x100];
	v12 =	vcvt.f32.s32 v37  }
0x45b: {  	v7 =	vshll.u32 v7, $0x7;
	v42 =	vld.idx.msk [tilespmem:v19+s8+$0x0], $0xffff  }
0x45c: {  	v7 =	vor.u32 v1, v7;
	vm6 =	vlt.f32 v56, v38  }
0x45d: {  	v11 =	vsel vm6, $0xFFFFFFFF, v0  }
0x45e: {  	[tilespmem:v9+s9+$0x0] =	vst.idx.add.s32.msk $0xffff, v2;
	v11 =	vadd.s32 v11, v16;
	vm7 =	vlt.f32 v8, v41  }
0x45f: {  	v46 =	vld.idx.msk [tilespmem:v39+s8+$0x0], $0xffff;
	v44 =	vshll.u32 v11, $0x7;
	v56 =	vmul.f32 $2.500000000e+01, v49;
	v45 =	vsel vm7, $0xFFFFFFFF, v0  }
0x460: {  	v8 =	vor.u32 v1, v44;
	v9 =	vadd.s32 v45, v17;
	v43 =	vld.idx.msk [tilespmem:v12+s8+$0x0], $0xffff;
	vm8 =	vlt.f32 v60, v42  }
0x461: {  	[tilespmem:v7+s9+$0x0] =	vst.idx.add.s32.msk $0xffff, v2;
	v47 =	vshll.u32 v9, $0x7;
	v48 =	vsel vm8, $0xFFFFFFFF, v0  }
0x462: {  	v52 =	vld [tilespmem:s16+$0x100];
	v10 =	vadd.f32 $9.999999740e-06, v56;
	v6 =	vor.u32 v1, v47;
	v9 =	vadd.s32 v48, v19  }
0x463: {  	v50 =	vshll.u32 v9, $0x7  }
0x464: {  	v10 =	vtrunc.f32 v10;
	v7 =	vor.u32 v1, v50  }
0x465: {  	v61 =	vcvt.f32.s32 v10;
	[tilespmem:v8+s9+$0x0] =	vst.idx.add.s32.msk $0xffff, v2;
	vm9 =	vlt.f32 v63, v43  }
0x466: {  	v55 =	vld [tilespmem:s17+$0x100];
	v51 =	vsel vm9, $0xFFFFFFFF, v0  }
0x467: {  	vm10 =	vlt.f32 v30, v46;
	v59 =	vmul.f32 $2.500000000e+01, v52;
	[tilespmem:v6+s9+$0x0] =	vst.idx.add.s32.msk $0xffff, v2;
	v9 =	vadd.s32 v51, v12  }
0x468: {  	v54 =	vsel vm10, $0xFFFFFFFF, v0;
	v58 =	vld [tilespmem:s18+$0x100];
	v53 =	vshll.u32 v9, $0x7  }
0x469: {  	v12 =	vadd.f32 $9.999999740e-06, v59;
	v9 =	vadd.s32 v54, v39;
	v8 =	vor.u32 v1, v53;
	[tilespmem:v7+s9+$0x0] =	vst.idx.add.s32.msk $0xffff, v2  }
0x46a: {  	v57 =	vshll.u32 v9, $0x7;
	v7 =	vld [tilespmem:s19+$0x100]  }
0x46b: {  	v33 =	vld.idx.msk [tilespmem:v61+s8+$0x0], $0xffff;
	v60 =	vmul.f32 $2.500000000e+01, v55;
	v12 =	vtrunc.f32 v12;
	v6 =	vor.u32 v1, v57  }
0x46c: {  	v29 =	vcvt.f32.s32 v12  }
0x46d: {  	v63 =	vld [tilespmem:s12+$0x130];
	v15 =	vadd.f32 $9.999999740e-06, v60;
	v28 =	vmul.f32 $2.500000000e+01, v58  }
0x46e: {  	[tilespmem:v8+s9+$0x0] =	vst.idx.add.s32.msk $0xffff, v2  }
0x46f: {  	v15 =	vtrunc.f32 v15;
	v17 =	vadd.f32 $9.999999740e-06, v28;
	v62 =	vld [tilespmem:s20+$0x100];
	v31 =	vmul.f32 $2.500000000e+01, v7  }
0x470: {  	vm11 =	vlt.f32 v49, v33;
	v15 =	vcvt.f32.s32 v15;
	[tilespmem:v6+s9+$0x0] =	vst.idx.add.s32.msk $0xffff, v2  }
0x471: {  	v40 =	vsel vm11, $0xFFFFFFFF, v0;
	v30 =	vld [tilespmem:s14+$0x110];
	v17 =	vtrunc.f32 v17;
	v18 =	vadd.f32 $9.999999740e-06, v31  }
0x472: {  	v8 =	vadd.s32 v40, v61;
	v36 =	vld.idx.msk [tilespmem:v29+s8+$0x0], $0xffff;
	v17 =	vcvt.f32.s32 v17  }
0x473: {  	v34 =	vmul.f32 $2.500000000e+01, v63;
	v8 =	vshll.u32 v8, $0x7;
	v18 =	vtrunc.f32 v18  }
0x474: {  	v8 =	vor.u32 v1, v8;
	v32 =	vmul.f32 $2.500000000e+01, v62;
	v18 =	vcvt.f32.s32 v18  }
0x475: {  	v21 =	vadd.f32 $9.999999740e-06, v34  }
0x476: {  	v37 =	vld.idx.msk [tilespmem:v15+s8+$0x0], $0xffff;
	v19 =	vadd.f32 $9.999999740e-06, v32  }
0x477: {  	v21 =	vtrunc.f32 v21;
	v35 =	vmul.f32 $2.500000000e+01, v30;
	vm12 =	vlt.f32 v52, v36  }
0x478: {  	v38 =	vcvt.f32.s32 v21;
	v13 =	vsel vm12, $0xFFFFFFFF, v0;
	v41 =	vld.idx.msk [tilespmem:v17+s8+$0x0], $0xffff;
	v19 =	vtrunc.f32 v19  }
0x479: {  	[tilespmem:v8+s9+$0x0] =	vst.idx.add.s32.msk $0xffff, v2;
	v22 =	vadd.f32 $9.999999740e-06, v35;
	v6 =	vadd.s32 v13, v29;
	v19 =	vcvt.f32.s32 v19  }
0x47a: {  	v6 =	vshll.u32 v6, $0x7;
	v43 =	vld.idx.msk [tilespmem:v18+s8+$0x0], $0xffff  }
0x47b: {  	v50 =	vld [tilespmem:s15+$0x110];
	vm13 =	vlt.f32 v55, v37;
	v39 =	vtrunc.f32 v22;
	v6 =	vor.u32 v1, v6  }
0x47c: {  	v11 =	vsel vm13, $0xFFFFFFFF, v0;
	v42 =	vcvt.f32.s32 v39  }
0x47d: {  	v5 =	vshll.u32 v5, $0x7;
	v11 =	vadd.s32 v11, v15;
	vm14 =	vlt.f32 v58, v41  }
0x47e: {  	v5 =	vor.u32 v1, v5;
	v45 =	vld.idx.msk [tilespmem:v38+s8+$0x0], $0xffff;
	v11 =	vshll.u32 v11, $0x7;
	v46 =	vsel vm14, $0xFFFFFFFF, v0  }
0x47f: {  	v11 =	vor.u32 v1, v11;
	v15 =	vadd.s32 v46, v17;
	v44 =	vld.idx.msk [tilespmem:v19+s8+$0x0], $0xffff;
	vm15 =	vlt.f32 v7, v43  }
0x480: {  	v54 =	vmul.f32 $2.500000000e+01, v50;
	[tilespmem:v6+s9+$0x0] =	vst.idx.add.s32.msk $0xffff, v2;
	v48 =	vshll.u32 v15, $0x7;
	v49 =	vsel vm15, $0xFFFFFFFF, v0  }
0x481: {  	v53 =	vld [tilespmem:s16+$0x110];
	v7 =	vor.u32 v1, v48;
	v8 =	vadd.s32 v49, v18  }
0x482: {  	v13 =	vadd.f32 $9.999999740e-06, v54;
	v47 =	vld.idx.msk [tilespmem:v42+s8+$0x0], $0xffff;
	v51 =	vshll.u32 v8, $0x7  }
0x483: {  	[tilespmem:v5+s9+$0x0] =	vst.idx.add.s32.msk $0xffff, v2;
	vm5 =	vlt.f32 v63, v45;
	v6 =	vor.u32 v1, v51  }
0x484: {  	v9 =	vsel vm5, $0xFFFFFFFF, v0;
	v13 =	vtrunc.f32 v13;
	[tilespmem:v11+s9+$0x0] =	vst.idx.add.s32.msk $0xffff, v2;
	vm4 =	vlt.f32 v62, v44  }
0x485: {  	v9 =	vadd.s32 v9, v38;
	v59 =	vcvt.f32.s32 v13;
	v11 =	vld [tilespmem:s17+$0x110];
	v52 =	vsel vm4, $0xFFFFFFFF, v0  }
0x486: {  	v55 =	vshll.u32 v9, $0x7;
	v57 =	vmul.f32 $2.500000000e+01, v53;
	[tilespmem:v7+s9+$0x0] =	vst.idx.add.s32.msk $0xffff, v2;
	v8 =	vadd.s32 v52, v19  }
0x487: {  	v7 =	vor.u32 v1, v55;
	vm6 =	vlt.f32 v30, v47;
	v56 =	vld [tilespmem:s18+$0x110];
	v8 =	vshll.u32 v8, $0x7  }
0x488: {  	v14 =	vadd.f32 $9.999999740e-06, v57;
	v30 =	vsel vm6, $0xFFFFFFFF, v0;
	v8 =	vor.u32 v1, v8;
	[tilespmem:v6+s9+$0x0] =	vst.idx.add.s32.msk $0xffff, v2  }
0x489: {  	v5 =	vadd.s32 v30, v42;
	v6 =	vld [tilespmem:s19+$0x110]  }
0x48a: {  	v21 =	vld [tilespmem:s11+$0x140];
	v58 =	vmul.f32 $2.500000000e+01, v11;
	v14 =	vtrunc.f32 v14;
	v5 =	vshll.u32 v5, $0x7  }
0x48b: {  	v32 =	vld.idx.msk [tilespmem:v59+s8+$0x0], $0xffff;
	v62 =	vcvt.f32.s32 v14;
	v5 =	vor.u32 v1, v5  }
0x48c: {  	v16 =	vadd.f32 $9.999999740e-06, v58;
	[tilespmem:v7+s9+$0x0] =	vst.idx.add.s32.msk $0xffff, v2;
	v61 =	vmul.f32 $2.500000000e+01, v56  }
0x48d: {  	[tilespmem:v8+s9+$0x0] =	vst.idx.add.s32.msk $0xffff, v2  }
0x48e: {  	v26 =	vtrunc.f32 v16;
	v27 =	vadd.f32 $9.999999740e-06, v61;
	v60 =	vld [tilespmem:s20+$0x110];
	v28 =	vmul.f32 $2.500000000e+01, v6  }
0x48f: {  	v63 =	vld [tilespmem:s12+$0x140];
	v14 =	vcvt.f32.s32 v26  }
0x490: {  	v29 =	vmul.f32 $2.500000000e+01, v21;
	[tilespmem:v5+s9+$0x0] =	vst.idx.add.s32.msk $0xffff, v2;
	v16 =	vtrunc.f32 v27;
	v17 =	vadd.f32 $9.999999740e-06, v28  }
0x491: {  	v34 =	vld.idx.msk [tilespmem:v62+s8+$0x0], $0xffff;
	v16 =	vcvt.f32.s32 v16  }
0x492: {  	v18 =	vadd.f32 $9.999999740e-06, v29;
	vm7 =	vlt.f32 v50, v32;
	v44 =	vld [tilespmem:s14+$0x120];
	v17 =	vtrunc.f32 v17  }
0x493: {  	v19 =	vsel vm7, $0xFFFFFFFF, v0;
	v31 =	vmul.f32 $2.500000000e+01, v60;
	v17 =	vcvt.f32.s32 v17  }
0x494: {  	v18 =	vtrunc.f32 v18;
	v38 =	vadd.s32 v19, v59;
	v33 =	vmul.f32 $2.500000000e+01, v63  }
0x495: {  	v18 =	vcvt.f32.s32 v18;
	v5 =	vshll.u32 v38, $0x7;
	v35 =	vld.idx.msk [tilespmem:v14+s8+$0x0], $0xffff;
	v20 =	vadd.f32 $9.999999740e-06, v31  }
0x496: {  	v5 =	vor.u32 v1, v5;
	v22 =	vadd.f32 $9.999999740e-06, v33  }
0x497: {  	vm8 =	vlt.f32 v53, v34;
	v51 =	vmul.f32 $2.500000000e+01, v44;
	v37 =	vld.idx.msk [tilespmem:v16+s8+$0x0], $0xffff;
	v20 =	vtrunc.f32 v20  }
0x498: {  	v36 =	vtrunc.f32 v22;
	v39 =	vsel vm8, $0xFFFFFFFF, v0;
	v20 =	vcvt.f32.s32 v20  }
0x499: {  	v15 =	vcvt.f32.s32 v36;
	v7 =	vadd.s32 v39, v62;
	v13 =	vadd.f32 $9.999999740e-06, v51;
	v40 =	vld.idx.msk [tilespmem:v17+s8+$0x0], $0xffff  }
0x49a: {  	vm9 =	vlt.f32 v11, v35;
	v7 =	vshll.u32 v7, $0x7  }
0x49b: {  	v43 =	vld.idx.msk [tilespmem:v18+s8+$0x0], $0xffff;
	v41 =	vsel vm9, $0xFFFFFFFF, v0;
	v7 =	vor.u32 v1, v7;
	v13 =	vtrunc.f32 v13  }
0x49c: {  	[tilespmem:v5+s9+$0x0] =	vst.idx.add.s32.msk $0xffff, v2;
	v8 =	vadd.s32 v41, v14;
	v55 =	vcvt.f32.s32 v13;
	vm10 =	vlt.f32 v56, v37  }
0x49d: {  	v48 =	vld [tilespmem:s15+$0x120];
	v8 =	vshll.u32 v8, $0x7;
	v45 =	vsel vm10, $0xFFFFFFFF, v0  }
0x49e: {  	v8 =	vor.u32 v1, v8;
	v14 =	vadd.s32 v45, v16;
	v42 =	vld.idx.msk [tilespmem:v20+s8+$0x0], $0xffff;
	vm11 =	vlt.f32 v6, v40  }
0x49f: {  	v46 =	vld.idx.msk [tilespmem:v15+s8+$0x0], $0xffff;
	v47 =	vshll.u32 v14, $0x7;
	v6 =	vsel vm11, $0xFFFFFFFF, v0  }
0x4a0: {  	[tilespmem:v7+s9+$0x0] =	vst.idx.add.s32.msk $0xffff, v2;
	v5 =	vor.u32 v1, v47;
	v6 =	vadd.s32 v6, v17  }
0x4a1: {  	v50 =	vld [tilespmem:s16+$0x120];
	v6 =	vshll.u32 v6, $0x7  }
0x4a2: {  	v25 =	vld.idx.msk [tilespmem:v55+s8+$0x0], $0xffff;
	v6 =	vor.u32 v1, v6  }
0x4a3: {  	[tilespmem:v8+s9+$0x0] =	vst.idx.add.s32.msk $0xffff, v2;
	vm12 =	vlt.f32 v60, v42  }
0x4a4: {  	v8 =	vld [tilespmem:s17+$0x120];
	v49 =	vsel vm12, $0xFFFFFFFF, v0  }
0x4a5: {  	[tilespmem:v5+s9+$0x0] =	vst.idx.add.s32.msk $0xffff, v2;
	v7 =	vadd.s32 v49, v20  }
0x4a6: {  	v52 =	vmul.f32 $2.500000000e+01, v48;
	v5 =	vld [tilespmem:s18+$0x120];
	v7 =	vshll.u32 v7, $0x7  }
0x4a7: {  	v53 =	vmul.f32 $2.500000000e+01, v50;
	v7 =	vor.u32 v1, v7;
	[tilespmem:v6+s9+$0x0] =	vst.idx.add.s32.msk $0xffff, v2  }
0x4a8: {  	vm13 =	vlt.f32 v21, v43;
	v14 =	vadd.f32 $9.999999740e-06, v52;
	v56 =	vld [tilespmem:s19+$0x120]  }
0x4a9: {  	v54 =	vsel vm13, $0xFFFFFFFF, v0;
	vm14 =	vlt.f32 v63, v46;
	v16 =	vadd.f32 $9.999999740e-06, v53  }
0x4aa: {  	v14 =	vtrunc.f32 v14;
	v58 =	vsel vm14, $0xFFFFFFFF, v0;
	v57 =	vmul.f32 $2.500000000e+01, v8  }
0x4ab: {  	v14 =	vcvt.f32.s32 v14;
	vm15 =	vlt.f32 v44, v25;
	v16 =	vtrunc.f32 v16  }
0x4ac: {  	v17 =	vadd.f32 $9.999999740e-06, v57;
	v60 =	vmul.f32 $2.500000000e+01, v5;
	[tilespmem:v7+s9+$0x0] =	vst.idx.add.s32.msk $0xffff, v2;
	v7 =	vadd.s32 v58, v15  }
0x4ad: {  	v61 =	vcvt.f32.s32 v16;
	v59 =	vld [tilespmem:s20+$0x120];
	v7 =	vshll.u32 v7, $0x7;
	v24 =	vmul.f32 $2.500000000e+01, v56  }
0x4ae: {  	v62 =	vtrunc.f32 v17;
	v63 =	vadd.f32 $9.999999740e-06, v60;
	v7 =	vor.u32 v1, v7  }
0x4af: {  	v6 =	vadd.s32 v54, v18;
	v16 =	vcvt.f32.s32 v62;
	v19 =	vadd.f32 $9.999999740e-06, v24  }
0x4b0: {  	v9 =	vsel vm15, $0xFFFFFFFF, v0;
	v6 =	vshll.u32 v6, $0x7;
	v17 =	vtrunc.f32 v63  }
0x4b1: {  	v27 =	vld.idx.msk [tilespmem:v14+s8+$0x0], $0xffff;
	v6 =	vor.u32 v1, v6;
	v17 =	vcvt.f32.s32 v17;
	v19 =	vtrunc.f32 v19  }
0x4b2: {  	v31 =	vadd.s32 v9, v55;
	v26 =	vmul.f32 $2.500000000e+01, v59;
	v19 =	vcvt.f32.s32 v19  }
0x4b3: {  	[tilespmem:v7+s9+$0x0] =	vst.idx.add.s32.msk $0xffff, v2;
	v7 =	vshll.u32 v31, $0x7  }
0x4b4: {  	v28 =	vld.idx.msk [tilespmem:v61+s8+$0x0], $0xffff;
	v21 =	vadd.f32 $9.999999740e-06, v26;
	v7 =	vor.u32 v1, v7  }
0x4b5: {  	v30 =	vld.idx.msk [tilespmem:v16+s8+$0x0], $0xffff  }
0x4b6: {  	vm4 =	vlt.f32 v48, v27;
	[tilespmem:v6+s9+$0x0] =	vst.idx.add.s32.msk $0xffff, v2;
	v29 =	vtrunc.f32 v21  }
0x4b7: {  	v32 =	vsel vm4, $0xFFFFFFFF, v0;
	v33 =	vld.idx.msk [tilespmem:v17+s8+$0x0], $0xffff;
	v6 =	vcvt.f32.s32 v29  }
0x4b8: {  	v9 =	vadd.s32 v32, v14;
	v34 =	vld.idx.msk [tilespmem:v19+s8+$0x0], $0xffff  }
0x4b9: {  	v9 =	vshll.u32 v9, $0x7;
	vm5 =	vlt.f32 v50, v28;
	[tilespmem:v7+s9+$0x0] =	vst.idx.add.s32.msk $0xffff, v2  }
0x4ba: {  	v9 =	vor.u32 v1, v9;
	v11 =	vsel vm5, $0xFFFFFFFF, v0;
	vm6 =	vlt.f32 v8, v30;
	v40 =	vld [tilespmem:s14+$0x130]  }
0x4bb: {  	v11 =	vadd.s32 v11, v61;
	v36 =	vsel vm6, $0xFFFFFFFF, v0  }
0x4bc: {  	v35 =	vshll.u32 v11, $0x7;
	v11 =	vadd.s32 v36, v16  }
0x4bd: {  	v8 =	vor.u32 v1, v35;
	v38 =	vshll.u32 v11, $0x7;
	vm7 =	vlt.f32 v5, v33;
	v37 =	vld.idx.msk [tilespmem:v6+s8+$0x0], $0xffff  }
0x4be: {  	v5 =	vor.u32 v1, v38;
	v39 =	vsel vm7, $0xFFFFFFFF, v0;
	vm8 =	vlt.f32 v56, v34  }
0x4bf: {  	[tilespmem:v9+s9+$0x0] =	vst.idx.add.s32.msk $0xffff, v2;
	v7 =	vadd.s32 v39, v17;
	v41 =	vsel vm8, $0xFFFFFFFF, v0;
	v46 =	vmul.f32 $2.500000000e+01, v40  }
0x4c0: {  	v42 =	vld [tilespmem:s15+$0x130];
	v7 =	vshll.u32 v7, $0x7;
	v9 =	vadd.s32 v41, v19  }
0x4c1: {  	v7 =	vor.u32 v1, v7;
	v43 =	vshll.u32 v9, $0x7;
	v9 =	vadd.f32 $9.999999740e-06, v46  }
0x4c2: {  	[tilespmem:v8+s9+$0x0] =	vst.idx.add.s32.msk $0xffff, v2;
	vm9 =	vlt.f32 v59, v37  }
0x4c3: {  	v45 =	vld [tilespmem:s16+$0x130];
	v8 =	vor.u32 v1, v43;
	v44 =	vsel vm9, $0xFFFFFFFF, v0;
	v9 =	vtrunc.f32 v9  }
0x4c4: {  	[tilespmem:v5+s9+$0x0] =	vst.idx.add.s32.msk $0xffff, v2;
	v6 =	vadd.s32 v44, v6;
	v51 =	vcvt.f32.s32 v9  }
0x4c5: {  	v49 =	vmul.f32 $2.500000000e+01, v42;
	v48 =	vld [tilespmem:s17+$0x130];
	v47 =	vshll.u32 v6, $0x7  }
0x4c6: {  	[tilespmem:v7+s9+$0x0] =	vst.idx.add.s32.msk $0xffff, v2;
	v5 =	vor.u32 v1, v47  }
0x4c7: {  	v13 =	vadd.f32 $9.999999740e-06, v49;
	v7 =	vld [tilespmem:s18+$0x130]  }
0x4c8: {  	v50 =	vmul.f32 $2.500000000e+01, v45;
	[tilespmem:v8+s9+$0x0] =	vst.idx.add.s32.msk $0xffff, v2  }
0x4c9: {  	v13 =	vtrunc.f32 v13;
	v52 =	vld [tilespmem:s19+$0x130]  }
0x4ca: {  	v54 =	vcvt.f32.s32 v13;
	v14 =	vadd.f32 $9.999999740e-06, v50;
	v53 =	vmul.f32 $2.500000000e+01, v48;
	v60 =	vld.idx.msk [tilespmem:v51+s8+$0x0], $0xffff  }
0x4cb: {  	[tilespmem:v5+s9+$0x0] =	vst.idx.add.s32.msk $0xffff, v2  }
0x4cc: {  	v14 =	vtrunc.f32 v14;
	v16 =	vadd.f32 $9.999999740e-06, v53;
	v57 =	vmul.f32 $2.500000000e+01, v7;
	v55 =	vld [tilespmem:s20+$0x130]  }
0x4cd: {  	v56 =	vld [tilespmem:s12+$0x150];
	v14 =	vcvt.f32.s32 v14  }
0x4ce: {  	v16 =	vtrunc.f32 v16;
	v18 =	vadd.f32 $9.999999740e-06, v57;
	v58 =	vmul.f32 $2.500000000e+01, v52  }
0x4cf: {  	v16 =	vcvt.f32.s32 v16  }
0x4d0: {  	v63 =	vld.idx.msk [tilespmem:v54+s8+$0x0], $0xffff;
	v18 =	vtrunc.f32 v18;
	v19 =	vadd.f32 $9.999999740e-06, v58  }
0x4d1: {  	v18 =	vcvt.f32.s32 v18;
	vm10 =	vlt.f32 v40, v60;
	v61 =	vmul.f32 $2.500000000e+01, v55  }
0x4d2: {  	v62 =	vmul.f32 $2.500000000e+01, v56;
	v30 =	vsel vm10, $0xFFFFFFFF, v0;
	v19 =	vtrunc.f32 v19  }
0x4d3: {  	v25 =	vld.idx.msk [tilespmem:v14+s8+$0x0], $0xffff;
	v8 =	vadd.s32 v30, v51;
	v19 =	vcvt.f32.s32 v19;
	v22 =	vadd.f32 $9.999999740e-06, v61  }
0x4d4: {  	v15 =	vld [tilespmem:s11+$0x150];
	v23 =	vadd.f32 $9.999999740e-06, v62;
	v8 =	vshll.u32 v8, $0x7  }
0x4d5: {  	vm11 =	vlt.f32 v42, v63;
	v31 =	vld.idx.msk [tilespmem:v16+s8+$0x0], $0xffff;
	v8 =	vor.u32 v1, v8;
	v28 =	vtrunc.f32 v22  }
0x4d6: {  	v11 =	vsel vm11, $0xFFFFFFFF, v0;
	v10 =	vcvt.f32.s32 v28  }
0x4d7: {  	v29 =	vtrunc.f32 v23;
	v5 =	vadd.s32 v11, v54;
	v32 =	vld.idx.msk [tilespmem:v18+s8+$0x0], $0xffff  }
0x4d8: {  	v21 =	vcvt.f32.s32 v29;
	v5 =	vshll.u32 v5, $0x7;
	vm12 =	vlt.f32 v45, v25  }
0x4d9: {  	v59 =	vmul.f32 $2.500000000e+01, v15;
	v5 =	vor.u32 v1, v5;
	v33 =	vsel vm12, $0xFFFFFFFF, v0;
	v34 =	vld.idx.msk [tilespmem:v19+s8+$0x0], $0xffff  }
0x4da: {  	v11 =	vadd.s32 v33, v14;
	vm13 =	vlt.f32 v48, v31;
	[tilespmem:v8+s9+$0x0] =	vst.idx.add.s32.msk $0xffff, v2  }
0x4db: {  	v20 =	vadd.f32 $9.999999740e-06, v59;
	v36 =	vshll.u32 v11, $0x7;
	v37 =	vsel vm13, $0xFFFFFFFF, v0;
	v42 =	vld [tilespmem:s14+$0x140]  }
0x4dc: {  	v6 =	vor.u32 v1, v36;
	v11 =	vadd.s32 v37, v16;
	vm14 =	vlt.f32 v7, v32;
	v38 =	vld.idx.msk [tilespmem:v10+s8+$0x0], $0xffff  }
0x4dd: {  	v40 =	vshll.u32 v11, $0x7;
	v41 =	vsel vm14, $0xFFFFFFFF, v0  }
0x4de: {  	v20 =	vtrunc.f32 v20;
	v39 =	vld.idx.msk [tilespmem:v21+s8+$0x0], $0xffff;
	v7 =	vor.u32 v1, v40;
	v8 =	vadd.s32 v41, v18  }
0x4df: {  	v20 =	vcvt.f32.s32 v20;
	[tilespmem:v5+s9+$0x0] =	vst.idx.add.s32.msk $0xffff, v2;
	v43 =	vshll.u32 v8, $0x7;
	vm15 =	vlt.f32 v52, v34  }
0x4e0: {  	v45 =	vld [tilespmem:s15+$0x140];
	v5 =	vor.u32 v1, v43;
	v44 =	vsel vm15, $0xFFFFFFFF, v0  }
0x4e1: {  	[tilespmem:v6+s9+$0x0] =	vst.idx.add.s32.msk $0xffff, v2;
	v49 =	vmul.f32 $2.500000000e+01, v42;
	v8 =	vadd.s32 v44, v19;
	vm4 =	vlt.f32 v55, v38  }
0x4e2: {  	v48 =	vld [tilespmem:s16+$0x140];
	v46 =	vshll.u32 v8, $0x7;
	v47 =	vsel vm4, $0xFFFFFFFF, v0  }
0x4e3: {  	[tilespmem:v7+s9+$0x0] =	vst.idx.add.s32.msk $0xffff, v2;
	v6 =	vor.u32 v1, v46;
	v8 =	vadd.s32 v47, v10;
	v10 =	vadd.f32 $9.999999740e-06, v49  }
0x4e4: {  	v51 =	vld [tilespmem:s17+$0x140];
	v50 =	vshll.u32 v8, $0x7  }
0x4e5: {  	v35 =	vld.idx.msk [tilespmem:v20+s8+$0x0], $0xffff;
	v52 =	vmul.f32 $2.500000000e+01, v45;
	v7 =	vor.u32 v1, v50;
	v10 =	vtrunc.f32 v10  }
0x4e6: {  	[tilespmem:v5+s9+$0x0] =	vst.idx.add.s32.msk $0xffff, v2;
	v10 =	vcvt.f32.s32 v10  }
0x4e7: {  	v13 =	vadd.f32 $9.999999740e-06, v52;
	v53 =	vmul.f32 $2.500000000e+01, v48;
	v5 =	vld [tilespmem:s18+$0x140]  }
0x4e8: {  	vm6 =	vlt.f32 v56, v39;
	[tilespmem:v6+s9+$0x0] =	vst.idx.add.s32.msk $0xffff, v2  }
0x4e9: {  	v13 =	vtrunc.f32 v13;
	v14 =	vadd.f32 $9.999999740e-06, v53;
	v56 =	vmul.f32 $2.500000000e+01, v51;
	v55 =	vld [tilespmem:s19+$0x140]  }
0x4ea: {  	v4 =	vadd.f32 $9.999999740e-06, v4;
	v13 =	vcvt.f32.s32 v13;
	[tilespmem:v7+s9+$0x0] =	vst.idx.add.s32.msk $0xffff, v2  }
0x4eb: {  	vm5 =	vlt.f32 v15, v35;
	v14 =	vtrunc.f32 v14;
	v16 =	vadd.f32 $9.999999740e-06, v56;
	v58 =	vld [tilespmem:s20+$0x140]  }
0x4ec: {  	v54 =	vsel vm5, $0xFFFFFFFF, v0;
	v14 =	vcvt.f32.s32 v14;
	v59 =	vmul.f32 $2.500000000e+01, v5;
	v61 =	vld.idx.msk [tilespmem:v10+s8+$0x0], $0xffff  }
0x4ed: {  	v4 =	vtrunc.f32 v4;
	v6 =	vadd.s32 v54, v20;
	v16 =	vtrunc.f32 v16  }
0x4ee: {  	v16 =	vcvt.f32.s32 v16;
	v18 =	vadd.f32 $9.999999740e-06, v59;
	v60 =	vmul.f32 $2.500000000e+01, v55  }
0x4ef: {  	v29 =	vcvt.f32.s32 v4;
	v57 =	vsel vm6, $0xFFFFFFFF, v0;
	v6 =	vshll.u32 v6, $0x7  }
0x4f0: {  	v63 =	vld.idx.msk [tilespmem:v13+s8+$0x0], $0xffff;
	v18 =	vtrunc.f32 v18;
	v19 =	vadd.f32 $9.999999740e-06, v60;
	v62 =	vmul.f32 $2.500000000e+01, v58  }
0x4f1: {  	v7 =	vadd.s32 v57, v21;
	v18 =	vcvt.f32.s32 v18;
	vm7 =	vlt.f32 v42, v61  }
0x4f2: {  	v28 =	vld.idx.msk [tilespmem:v14+s8+$0x0], $0xffff;
	v19 =	vtrunc.f32 v19;
	v21 =	vadd.f32 $9.999999740e-06, v62;
	v31 =	vsel vm7, $0xFFFFFFFF, v0  }
0x4f3: {  	v6 =	vor.u32 v1, v6;
	v19 =	vcvt.f32.s32 v19;
	v34 =	vadd.s32 v31, v10  }
0x4f4: {  	v32 =	vld.idx.msk [tilespmem:v16+s8+$0x0], $0xffff;
	v30 =	vtrunc.f32 v21;
	v4 =	vshll.u32 v34, $0x7  }
0x4f5: {  	vm8 =	vlt.f32 v45, v63;
	v33 =	vcvt.f32.s32 v30;
	v37 =	vor.u32 v1, v4  }
0x4f6: {  	v41 =	vld.idx.msk [tilespmem:v29+s8+$0x0], $0xffff;
	v35 =	vsel vm8, $0xFFFFFFFF, v0  }
0x4f7: {  	v7 =	vshll.u32 v7, $0x7;
	v38 =	vadd.s32 v35, v13;
	vm9 =	vlt.f32 v48, v28;
	v36 =	vld.idx.msk [tilespmem:v18+s8+$0x0], $0xffff  }
0x4f8: {  	v7 =	vor.u32 v1, v7;
	[tilespmem:v6+s9+$0x0] =	vst.idx.add.s32.msk $0xffff, v2;
	v39 =	vsel vm9, $0xFFFFFFFF, v0;
	v4 =	vshll.u32 v38, $0x7  }
0x4f9: {  	v43 =	vadd.s32 v39, v14;
	vm10 =	vlt.f32 v51, v32;
	v42 =	vor.u32 v1, v4;
	v40 =	vld.idx.msk [tilespmem:v19+s8+$0x0], $0xffff  }
0x4fa: {  	v6 =	vshll.u32 v43, $0x7;
	v8 =	vsel vm10, $0xFFFFFFFF, v0;
	[tilespmem:v37+s9+$0x0] =	vst.idx.add.s32.msk $0xffff, v2  }
0x4fb: {  	v6 =	vor.u32 v1, v6;
	v8 =	vadd.s32 v8, v16;
	v44 =	vld.idx.msk [tilespmem:v33+s8+$0x0], $0xffff  }
0x4fc: {  	v45 =	vshll.u32 v8, $0x7;
	vm11 =	vlt.f32 v5, v36;
	v46 =	vld [tilespmem:s14+$0x150]  }
0x4fd: {  	[tilespmem:v7+s9+$0x0] =	vst.idx.add.s32.msk $0xffff, v2;
	v5 =	vor.u32 v1, v45;
	v7 =	vsel vm11, $0xFFFFFFFF, v0  }
0x4fe: {  	v7 =	vadd.s32 v7, v18;
	[tilespmem:v42+s9+$0x0] =	vst.idx.add.s32.msk $0xffff, v2  }
0x4ff: {  	v7 =	vshll.u32 v7, $0x7;
	vm12 =	vlt.f32 v55, v40;
	v48 =	vld [tilespmem:s15+$0x150]  }
0x500: {  	[tilespmem:v6+s9+$0x0] =	vst.idx.add.s32.msk $0xffff, v2;
	v7 =	vor.u32 v1, v7;
	v47 =	vsel vm12, $0xFFFFFFFF, v0  }
0x501: {  	v51 =	vld [tilespmem:s16+$0x150];
	v9 =	vadd.s32 v47, v19;
	vm13 =	vlt.f32 v58, v44;
	v52 =	vmul.f32 $2.500000000e+01, v46  }
0x502: {  	[tilespmem:v5+s9+$0x0] =	vst.idx.add.s32.msk $0xffff, v2;
	v49 =	vshll.u32 v9, $0x7;
	v50 =	vsel vm13, $0xFFFFFFFF, v0  }
0x503: {  	v54 =	vld [tilespmem:s17+$0x150];
	v6 =	vor.u32 v1, v49;
	v9 =	vadd.s32 v50, v33;
	v13 =	vadd.f32 $9.999999740e-06, v52  }
0x504: {  	v16 =	vld [tilespmem:s12+$0x160];
	v55 =	vmul.f32 $2.500000000e+01, v48;
	v53 =	vshll.u32 v9, $0x7  }
0x505: {  	vm14 =	vlt.f32 v3, v41;
	v4 =	vld [tilespmem:s11+$0x160];
	v5 =	vor.u32 v1, v53;
	v3 =	vtrunc.f32 v13  }
0x506: {  	v57 =	vmul.f32 $2.500000000e+01, v51;
	[tilespmem:v7+s9+$0x0] =	vst.idx.add.s32.msk $0xffff, v2;
	v56 =	vadd.f32 $9.999999740e-06, v55;
	v3 =	vcvt.f32.s32 v3  }
0x507: {  	v7 =	vld [tilespmem:s18+$0x150]  }
0x508: {  	v60 =	vmul.f32 $2.500000000e+01, v54;
	v13 =	vadd.f32 $9.999999740e-06, v57;
	[tilespmem:v6+s9+$0x0] =	vst.idx.add.s32.msk $0xffff, v2;
	v12 =	vtrunc.f32 v56  }
0x509: {  	v31 =	vmul.f32 $2.500000000e+01, v16;
	v59 =	vld [tilespmem:s19+$0x150];
	v62 =	vcvt.f32.s32 v12  }
0x50a: {  	v28 =	vmul.f32 $2.500000000e+01, v4;
	v15 =	vadd.f32 $9.999999740e-06, v60;
	v13 =	vtrunc.f32 v13;
	[tilespmem:v5+s9+$0x0] =	vst.idx.add.s32.msk $0xffff, v2  }
0x50b: {  	v22 =	vadd.f32 $9.999999740e-06, v31;
	v58 =	vsel vm14, $0xFFFFFFFF, v0;
	v13 =	vcvt.f32.s32 v13;
	v63 =	vld [tilespmem:s20+$0x150]  }
0x50c: {  	v61 =	vadd.s32 v58, v29;
	v26 =	vmul.f32 $2.500000000e+01, v7;
	v15 =	vtrunc.f32 v15;
	v29 =	vld.idx.msk [tilespmem:v3+s8+$0x0], $0xffff  }
0x50d: {  	v19 =	vadd.f32 $9.999999740e-06, v28;
	v15 =	vcvt.f32.s32 v15  }
0x50e: {  	v35 =	vtrunc.f32 v22;
	v17 =	vadd.f32 $9.999999740e-06, v26;
	v27 =	vmul.f32 $2.500000000e+01, v59  }
0x50f: {  	v19 =	vtrunc.f32 v19;
	v38 =	vcvt.f32.s32 v35;
	v32 =	vld.idx.msk [tilespmem:v62+s8+$0x0], $0xffff  }
0x510: {  	v17 =	vtrunc.f32 v17;
	v18 =	vadd.f32 $9.999999740e-06, v27;
	v30 =	vmul.f32 $2.500000000e+01, v63  }
0x511: {  	v19 =	vcvt.f32.s32 v19;
	v17 =	vcvt.f32.s32 v17;
	v33 =	vld.idx.msk [tilespmem:v13+s8+$0x0], $0xffff;
	vm15 =	vlt.f32 v46, v29  }
0x512: {  	v18 =	vtrunc.f32 v18;
	v21 =	vadd.f32 $9.999999740e-06, v30;
	v36 =	vsel vm15, $0xFFFFFFFF, v0  }
0x513: {  	v37 =	vld.idx.msk [tilespmem:v15+s8+$0x0], $0xffff;
	v18 =	vcvt.f32.s32 v18;
	v3 =	vadd.s32 v36, v3  }
0x514: {  	vm4 =	vlt.f32 v48, v32;
	v34 =	vtrunc.f32 v21;
	v39 =	vshll.u32 v3, $0x7  }
0x515: {  	v40 =	vsel vm4, $0xFFFFFFFF, v0;
	v8 =	vcvt.f32.s32 v34;
	v10 =	vor.u32 v1, v39  }
0x516: {  	v47 =	vld.idx.msk [tilespmem:v38+s8+$0x0], $0xffff;
	vm5 =	vlt.f32 v51, v33;
	v6 =	vadd.s32 v40, v62  }
0x517: {  	v41 =	vld.idx.msk [tilespmem:v17+s8+$0x0], $0xffff;
	v11 =	vsel vm5, $0xFFFFFFFF, v0;
	v6 =	vshll.u32 v6, $0x7  }
0x518: {  	v43 =	vld.idx.msk [tilespmem:v19+s8+$0x0], $0xffff;
	vm6 =	vlt.f32 v54, v37;
	v11 =	vadd.s32 v11, v13;
	v6 =	vor.u32 v1, v6  }
0x519: {  	v45 =	vsel vm6, $0xFFFFFFFF, v0;
	v44 =	vshll.u32 v11, $0x7;
	v42 =	vld.idx.msk [tilespmem:v18+s8+$0x0], $0xffff  }
0x51a: {  	v11 =	vadd.s32 v45, v15;
	v9 =	vor.u32 v1, v44;
	[tilespmem:v10+s9+$0x0] =	vst.idx.add.s32.msk $0xffff, v2  }
0x51b: {  	v48 =	vshll.u32 v11, $0x7;
	v46 =	vld.idx.msk [tilespmem:v8+s8+$0x0], $0xffff  }
0x51c: {  	vm7 =	vlt.f32 v7, v41;
	v7 =	vor.u32 v1, v48;
	v50 =	vld [tilespmem:s14+$0x160]  }
0x51d: {  	v5 =	vshll.u32 v61, $0x7;
	v49 =	vsel vm7, $0xFFFFFFFF, v0;
	[tilespmem:v6+s9+$0x0] =	vst.idx.add.s32.msk $0xffff, v2  }
0x51e: {  	v5 =	vor.u32 v1, v5;
	v10 =	vadd.s32 v49, v17;
	vm8 =	vlt.f32 v59, v42;
	v53 =	vld [tilespmem:s15+$0x160]  }
0x51f: {  	v51 =	vshll.u32 v10, $0x7;
	[tilespmem:v9+s9+$0x0] =	vst.idx.add.s32.msk $0xffff, v2;
	v52 =	vsel vm8, $0xFFFFFFFF, v0  }
0x520: {  	v6 =	vor.u32 v1, v51;
	v56 =	vld [tilespmem:s16+$0x160];
	v10 =	vadd.s32 v52, v18;
	vm9 =	vlt.f32 v63, v46  }
0x521: {  	[tilespmem:v7+s9+$0x0] =	vst.idx.add.s32.msk $0xffff, v2;
	v54 =	vshll.u32 v10, $0x7;
	v55 =	vsel vm9, $0xFFFFFFFF, v0  }
0x522: {  	v60 =	vld [tilespmem:s17+$0x160];
	v9 =	vor.u32 v1, v54;
	v8 =	vadd.s32 v55, v8  }
0x523: {  	[tilespmem:v5+s9+$0x0] =	vst.idx.add.s32.msk $0xffff, v2;
	v57 =	vmul.f32 $2.500000000e+01, v50;
	v58 =	vshll.u32 v8, $0x7  }
0x524: {  	v3 =	vld [tilespmem:s13+$0x170];
	v7 =	vor.u32 v1, v58  }
0x525: {  	v61 =	vmul.f32 $2.500000000e+01, v53;
	[tilespmem:v6+s9+$0x0] =	vst.idx.add.s32.msk $0xffff, v2;
	v10 =	vadd.f32 $9.999999740e-06, v57  }
0x526: {  	vm11 =	vlt.f32 v16, v47;
	v63 =	vld [tilespmem:s18+$0x160];
	v24 =	vmul.f32 $2.500000000e+01, v56  }
0x527: {  	v23 =	vadd.f32 $9.999999740e-06, v61;
	v27 =	vmul.f32 $2.500000000e+01, v60;
	v21 =	vtrunc.f32 v10;
	[tilespmem:v9+s9+$0x0] =	vst.idx.add.s32.msk $0xffff, v2  }
0x528: {  	vm10 =	vlt.f32 v4, v43;
	v15 =	vadd.f32 $9.999999740e-06, v24;
	v8 =	vcvt.f32.s32 v21;
	v26 =	vld [tilespmem:s19+$0x160]  }
0x529: {  	v25 =	vsel vm10, $0xFFFFFFFF, v0;
	v10 =	vtrunc.f32 v23;
	v17 =	vadd.f32 $9.999999740e-06, v27;
	[tilespmem:v7+s9+$0x0] =	vst.idx.add.s32.msk $0xffff, v2  }
0x52a: {  	v28 =	vadd.s32 v25, v19;
	v10 =	vcvt.f32.s32 v10;
	v15 =	vtrunc.f32 v15;
	v30 =	vld [tilespmem:s20+$0x160]  }
0x52b: {  	v29 =	vsel vm11, $0xFFFFFFFF, v0;
	v31 =	vmul.f32 $2.500000000e+01, v63;
	v33 =	vtrunc.f32 v17  }
0x52c: {  	v5 =	vadd.s32 v29, v38;
	v32 =	vcvt.f32.s32 v15;
	v15 =	vcvt.f32.s32 v33  }
0x52d: {  	v7 =	vshll.u32 v28, $0x7;
	v34 =	vadd.f32 $9.999999740e-06, v31;
	v35 =	vmul.f32 $2.500000000e+01, v26  }
0x52e: {  	v5 =	vshll.u32 v5, $0x7;
	v59 =	vmul.f32 $2.500000000e+01, v3;
	v7 =	vor.u32 v1, v7;
	v36 =	vld.idx.msk [tilespmem:v8+s8+$0x0], $0xffff  }
0x52f: {  	v17 =	vtrunc.f32 v34;
	v19 =	vadd.f32 $9.999999740e-06, v35;
	v37 =	vmul.f32 $2.500000000e+01, v30  }
0x530: {  	v5 =	vor.u32 v1, v5;
	v62 =	vadd.f32 $9.999999740e-06, v59;
	v38 =	vld.idx.msk [tilespmem:v10+s8+$0x0], $0xffff;
	v17 =	vcvt.f32.s32 v17  }
0x531: {  	v19 =	vtrunc.f32 v19;
	v21 =	vadd.f32 $9.999999740e-06, v37  }
0x532: {  	v6 =	vtrunc.f32 v62;
	v39 =	vld.idx.msk [tilespmem:v32+s8+$0x0], $0xffff;
	v19 =	vcvt.f32.s32 v19  }
0x533: {  	v6 =	vcvt.f32.s32 v6;
	v41 =	vld.idx.msk [tilespmem:v15+s8+$0x0], $0xffff;
	vm12 =	vlt.f32 v50, v36;
	v40 =	vtrunc.f32 v21  }
0x534: {  	[tilespmem:v7+s9+$0x0] =	vst.idx.add.s32.msk $0xffff, v2;
	v11 =	vsel vm12, $0xFFFFFFFF, v0;
	v7 =	vcvt.f32.s32 v40  }
0x535: {  	[tilespmem:v5+s9+$0x0] =	vst.idx.add.s32.msk $0xffff, v2;
	vm13 =	vlt.f32 v53, v38;
	v42 =	vadd.s32 v11, v8  }
0x536: {  	v43 =	vsel vm13, $0xFFFFFFFF, v0;
	v44 =	vld.idx.msk [tilespmem:v17+s8+$0x0], $0xffff;
	v5 =	vshll.u32 v42, $0x7  }
0x537: {  	v51 =	vld [tilespmem:s12+$0x170];
	vm14 =	vlt.f32 v56, v39;
	v8 =	vadd.s32 v43, v10;
	v5 =	vor.u32 v1, v5  }
0x538: {  	v46 =	vsel vm14, $0xFFFFFFFF, v0;
	v8 =	vshll.u32 v8, $0x7;
	v47 =	vld.idx.msk [tilespmem:v19+s8+$0x0], $0xffff  }
0x539: {  	v45 =	vld.idx.msk [tilespmem:v6+s8+$0x0], $0xffff;
	vm15 =	vlt.f32 v60, v41;
	v9 =	vadd.s32 v46, v32;
	v8 =	vor.u32 v1, v8  }
0x53a: {  	v49 =	vsel vm15, $0xFFFFFFFF, v0;
	v9 =	vshll.u32 v9, $0x7;
	v50 =	vld.idx.msk [tilespmem:v7+s8+$0x0], $0xffff  }
0x53b: {  	v48 =	vld [tilespmem:s11+$0x170];
	v10 =	vadd.s32 v49, v15;
	v9 =	vor.u32 v1, v9;
	vm4 =	vlt.f32 v63, v44  }
0x53c: {  	v52 =	vshll.u32 v10, $0x7;
	v53 =	vsel vm4, $0xFFFFFFFF, v0;
	[tilespmem:v5+s9+$0x0] =	vst.idx.add.s32.msk $0xffff, v2  }
0x53d: {  	v4 =	vor.u32 v1, v52;
	v5 =	vadd.s32 v53, v17;
	v54 =	vld [tilespmem:s14+$0x170];
	vm5 =	vlt.f32 v26, v47  }
0x53e: {  	[tilespmem:v8+s9+$0x0] =	vst.idx.add.s32.msk $0xffff, v2;
	v5 =	vshll.u32 v5, $0x7;
	v56 =	vsel vm5, $0xFFFFFFFF, v0  }
0x53f: {  	v57 =	vld [tilespmem:s15+$0x170];
	v5 =	vor.u32 v1, v5;
	v8 =	vadd.s32 v56, v19;
	vm6 =	vlt.f32 v30, v50  }
0x540: {  	v55 =	vmul.f32 $2.500000000e+01, v48;
	[tilespmem:v9+s9+$0x0] =	vst.idx.add.s32.msk $0xffff, v2;
	v8 =	vshll.u32 v8, $0x7;
	v58 =	vsel vm6, $0xFFFFFFFF, v0  }
0x541: {  	v62 =	vmul.f32 $2.500000000e+01, v51;
	v59 =	vld [tilespmem:s16+$0x170];
	v8 =	vor.u32 v1, v8;
	v7 =	vadd.s32 v58, v7  }
0x542: {  	v11 =	vadd.f32 $9.999999740e-06, v55;
	[tilespmem:v4+s9+$0x0] =	vst.idx.add.s32.msk $0xffff, v2;
	v60 =	vshll.u32 v7, $0x7  }
0x543: {  	v24 =	vadd.f32 $9.999999740e-06, v62;
	v63 =	vld [tilespmem:s17+$0x170];
	v4 =	vor.u32 v1, v60  }
0x544: {  	v61 =	vtrunc.f32 v11;
	[tilespmem:v5+s9+$0x0] =	vst.idx.add.s32.msk $0xffff, v2  }
0x545: {  	v23 =	vmul.f32 $2.500000000e+01, v54;
	v5 =	vtrunc.f32 v24;
	v25 =	vld [tilespmem:s18+$0x170]  }
0x546: {  	v26 =	vmul.f32 $2.500000000e+01, v57;
	v5 =	vcvt.f32.s32 v5;
	[tilespmem:v8+s9+$0x0] =	vst.idx.add.s32.msk $0xffff, v2  }
0x547: {  	v15 =	vadd.f32 $9.999999740e-06, v23;
	v27 =	vmul.f32 $2.500000000e+01, v59;
	v7 =	vcvt.f32.s32 v61;
	v28 =	vld [tilespmem:s19+$0x170]  }
0x548: {  	v16 =	vadd.f32 $9.999999740e-06, v26;
	v30 =	vmul.f32 $2.500000000e+01, v63;
	[tilespmem:v4+s9+$0x0] =	vst.idx.add.s32.msk $0xffff, v2  }
0x549: {  	v15 =	vtrunc.f32 v15;
	v8 =	vadd.f32 $9.999999740e-06, v27;
	v31 =	vld [tilespmem:s20+$0x170]  }
0x54a: {  	v29 =	vcvt.f32.s32 v15;
	v16 =	vtrunc.f32 v16;
	v15 =	vadd.f32 $9.999999740e-06, v30  }
0x54b: {  	v16 =	vcvt.f32.s32 v16;
	v8 =	vtrunc.f32 v8  }
0x54c: {  	vm7 =	vlt.f32 v3, v45;
	v33 =	vmul.f32 $2.500000000e+01, v25;
	v3 =	vtrunc.f32 v15;
	v35 =	vld.idx.msk [tilespmem:v5+s8+$0x0], $0xffff  }
0x54d: {  	v37 =	vsel vm7, $0xFFFFFFFF, v0;
	v8 =	vcvt.f32.s32 v8;
	v32 =	vld.idx.msk [tilespmem:v7+s8+$0x0], $0xffff;
	v34 =	vmul.f32 $2.500000000e+01, v28  }
0x54e: {  	v3 =	vcvt.f32.s32 v3;
	v22 =	vadd.f32 $9.999999740e-06, v33;
	v36 =	vmul.f32 $2.500000000e+01, v31  }
0x54f: {  	v6 =	vadd.s32 v37, v6;
	v14 =	vadd.f32 $9.999999740e-06, v34  }
0x550: {  	v6 =	vshll.u32 v6, $0x7;
	v38 =	vld.idx.msk [tilespmem:v29+s8+$0x0], $0xffff;
	v39 =	vtrunc.f32 v22;
	v40 =	vadd.f32 $9.999999740e-06, v36  }
0x551: {  	v19 =	vcvt.f32.s32 v39;
	v42 =	vld.idx.msk [tilespmem:v16+s8+$0x0], $0xffff;
	vm8 =	vlt.f32 v51, v35;
	v14 =	vtrunc.f32 v14  }
0x552: {  	vm1 =	vlt.f32 v48, v32;
	v14 =	vcvt.f32.s32 v14;
	v22 =	vtrunc.f32 v40  }
0x553: {  	v43 =	vld.idx.msk [tilespmem:v8+s8+$0x0], $0xffff;
	v45 =	vsel vm8, $0xFFFFFFFF, v0;
	v41 =	vsel vm1, $0xFFFFFFFF, v0;
	v44 =	vcvt.f32.s32 v22  }
0x554: {  	v6 =	vor.u32 v1, v6;
	v46 =	vld.idx.msk [tilespmem:v3+s8+$0x0], $0xffff;
	v5 =	vadd.s32 v45, v5;
	v7 =	vadd.s32 v41, v7  }
0x555: {  	vm9 =	vlt.f32 v54, v38;
	v5 =	vshll.u32 v5, $0x7;
	v7 =	vshll.u32 v7, $0x7  }
0x556: {  	v21 =	vsel vm9, $0xFFFFFFFF, v0;
	v5 =	vor.u32 v1, v5;
	vm10 =	vlt.f32 v57, v42  }
0x557: {  	v7 =	vor.u32 v1, v7;
	v4 =	vadd.s32 v21, v29;
	v47 =	vld.idx.msk [tilespmem:v19+s8+$0x0], $0xffff;
	v48 =	vsel vm10, $0xFFFFFFFF, v0  }
0x558: {  	v4 =	vshll.u32 v4, $0x7;
	vm11 =	vlt.f32 v59, v43;
	v50 =	vadd.s32 v48, v16;
	v49 =	vld.idx.msk [tilespmem:v14+s8+$0x0], $0xffff  }
0x559: {  	vm12 =	vlt.f32 v63, v46;
	v4 =	vor.u32 v1, v4;
	v51 =	vsel vm11, $0xFFFFFFFF, v0;
	v52 =	vld.idx.msk [tilespmem:v44+s8+$0x0], $0xffff  }
0x55a: {  	v53 =	vshll.u32 v50, $0x7;
	v54 =	vsel vm12, $0xFFFFFFFF, v0;
	v8 =	vadd.s32 v51, v8  }
0x55b: {  	v11 =	vor.u32 v1, v53;
	v3 =	vadd.s32 v54, v3;
	v8 =	vshll.u32 v8, $0x7  }
0x55c: {  	v3 =	vshll.u32 v3, $0x7;
	v8 =	vor.u32 v1, v8;
	vm13 =	vlt.f32 v25, v47  }
0x55d: {  	v3 =	vor.u32 v1, v3;
	v9 =	vsel vm13, $0xFFFFFFFF, v0;
	vm14 =	vlt.f32 v28, v49  }
0x55e: {  	[tilespmem:v6+s9+$0x0] =	vst.idx.add.s32.msk $0xffff, v2;
	v55 =	vadd.s32 v9, v19;
	v56 =	vsel vm14, $0xFFFFFFFF, v0;
	vm15 =	vlt.f32 v31, v52  }
0x55f: {  	[tilespmem:v5+s9+$0x0] =	vst.idx.add.s32.msk $0xffff, v2;
	v6 =	vshll.u32 v55, $0x7;
	v57 =	vadd.s32 v56, v14;
	v58 =	vsel vm15, $0xFFFFFFFF, v0  }
0x560: {  	[tilespmem:v7+s9+$0x0] =	vst.idx.add.s32.msk $0xffff, v2;
	v59 =	vor.u32 v1, v6;
	v60 =	vshll.u32 v57, $0x7;
	v61 =	vadd.s32 v58, v44  }
0x561: {  	[tilespmem:v4+s9+$0x0] =	vst.idx.add.s32.msk $0xffff, v2;
	v62 =	vor.u32 v1, v60;
	v63 =	vshll.u32 v61, $0x7  }
0x562: {  	[tilespmem:v11+s9+$0x0] =	vst.idx.add.s32.msk $0xffff, v2;
	v6 =	vor.u32 v1, v63  }
0x563: {  	[tilespmem:v8+s9+$0x0] =	vst.idx.add.s32.msk $0xffff, v2  }
0x564: {  	[tilespmem:v3+s9+$0x0] =	vst.idx.add.s32.msk $0xffff, v2  }
0x565: {  	s10 =	sadd.s32 $0x1, s10;
	[tilespmem:v59+s9+$0x0] =	vst.idx.add.s32.msk $0xffff, v2  }
0x566: {  	p0 =	sne.s32 s10, s6;
	[tilespmem:v62+s9+$0x0] =	vst.idx.add.s32.msk $0xffff, v2  }
.Ltmp1:
0x567: {  	[tilespmem:v6+s9+$0x0] =	vst.idx.add.s32.msk $0xffff, v2;
	(pc) =	sbr.rel @p0 .LBB2_1-.Ltmp1, $4  }
0x568: {  	[hbm4b:s5+s3] =	stream.linear.scatter [tilespmem:s9], [sflag:$0x1], $0x1000, $0x38;
	[tilespmem:$0x13080] =	vst v63  }
0x569: {  	_ =	swait.ge [sflag:s4], $0x1000  }
0x56a: {  	[sflag:s4] =	ssyncset.done $0x0  }
0x56b: {  	[sflag:s4] =	ssyncadd.s32 $0xFFFFF000  }
0x56c: {  	_ =	sfence.sel $0x180000  }
0x56d: {  	[bflag:$0x0] =	sbarrier.arrive $0xFFFF  }
0x56e: {  	p0 =	sne.s32 s0, $0x0;
	_ =	strace $0x90000047  }
0x56f: {  	s0 =	sadd.s32 @!p0 $0x100000, s1;
	[bflag:$0x2] =	sbarrier.arrive $0xFFFF  }
0x570: {  	[sflag:s0] =	ssyncadd.tile.s32 @!p0 $0x1;
	_ =	shalt  }
.Lfunc_end2:
_tile_overlayer_lowered:
.L_overlay_start_2:
0x571: {  	(tag) =	ssettag $0x2  }
0x572: {  	s0 =	rddreg [dreg:$0x0];
	s2 =	stileid.u32  }
0x573: {  	s1 =	rddreg [dreg:$0x1];
	p0 =	sne.s32 s2, $0x0  }
0x574: {  	s3 =	rddreg [dreg:$0x2];
	[bflag:$0x3] =	sbarrier.arrive $0xFFFF;
	s2 =	simm.s32 @!p0 $0x1C01  }
0x575: {  	[timem:s3], [sflag:s2] =	dma.local @!p0 [hbm:s0], s1  }
0x576: {  	s0 =	simm.s32 @!p0 $0x1  }
0x577: {  	_ =	swait.ge @!p0 [sflag:s0], s1  }
0x578: {  	s1 =	ssub.s32 @!p0 $0x0, s1;
	[sflag:s0] =	ssyncset.done @!p0 $0x0  }
0x579: {  	[sflag:s0] =	ssyncadd.s32 @!p0 s1  }
0x57a: {  	[bflag:$0x3] =	sbarrier.arrive $0xFFFF  }
0x57b: {  	_ =	shalt  }

</sc_bundles>
